<compile_context>
chip_gen: v7x
topology: tpu7x:2x2x1
jax: 0.10.2.dev20260603
libtpu: 0.0.44.dev20260713+nightly
codegen_flags: <defaults>
</compile_context>

<pallas_src>
import math

import jax
import jax.numpy as jnp
from jax import lax
from jax.experimental import pallas as pl
from jax.experimental.pallas import tpu as pltpu
from jax.experimental.pallas import tpu_sc as plsc

VOCAB = 1000000
D = 64
ROWS = 16384
COLS = 200
B = ROWS * COLS

NC = 2
NS = 16
NW = NC * NS
PER_W = B // NW
CL = 400
NCH = PER_W // CL
NBUF = 4
SCALE = math.sqrt(D)

_mesh = plsc.VectorSubcoreMesh(
    core_axis_name="c", subcore_axis_name="s", num_cores=NC, num_subcores=NS
)


def _body(table_hbm, x_hbm, out_hbm, *refs):
    idx = list(refs[0:NBUF])
    gbuf = list(refs[NBUF:2 * NBUF])
    isem = list(refs[2 * NBUF:3 * NBUF])
    gsem = list(refs[3 * NBUF:4 * NBUF])
    ssem = list(refs[4 * NBUF:5 * NBUF])

    wid = lax.axis_index("s") * NC + lax.axis_index("c")
    base = wid * PER_W

    def start_idx(ch, b):
        pltpu.async_copy(
            x_hbm.at[pl.ds(base + ch * CL, CL)], idx[b], isem[b]
        )

    def wait_idx(b):
        pltpu.make_async_copy(
            x_hbm.at[pl.ds(0, CL)], idx[b], isem[b]
        ).wait()

    def start_gather(b):
        pltpu.async_copy(table_hbm.at[idx[b]], gbuf[b], gsem[b])

    def wait_gather(b):
        pltpu.make_async_copy(
            table_hbm.at[idx[b]], gbuf[b], gsem[b]
        ).wait()

    def start_scatter(ch, b):
        o0 = base + ch * CL
        pltpu.async_copy(
            gbuf[b], out_hbm.at[pl.ds(o0, CL), pl.ds(0, D)], ssem[b]
        )

    def wait_scatter(b):
        pltpu.make_async_copy(
            gbuf[b], out_hbm.at[pl.ds(0, CL), pl.ds(0, D)], ssem[b]
        ).wait()

    for b in range(NBUF):
        start_idx(b, b)
    for b in range(2):
        wait_idx(b)
        start_gather(b)

    @pl.loop(0, NCH, step=NBUF)
    def _chunks(g):
        for b in range(NBUF):
            ch = g + b
            nxt = ch + 2
            nb = (b + 2) % NBUF

            @pl.when(nxt < NCH)
            def _():
                wait_idx(nb)

                @pl.when(nxt >= NBUF)
                def _():
                    wait_scatter(nb)

                start_gather(nb)

            wait_gather(b)

            @pl.when(ch + NBUF < NCH)
            def _():
                start_idx(ch + NBUF, b)

            @pl.loop(0, CL, unroll=8)
            def _scale(r):
                for k in range(D // 16):
                    sl = pl.ds(k * 16, 16)
                    gbuf[b][r, sl] = gbuf[b][r, sl] * SCALE

            start_scatter(ch, b)

    for b in range(NBUF):
        wait_scatter(b)


_lookup = pl.kernel(
    _body,
    out_type=jax.ShapeDtypeStruct((B, 2 * D), jnp.float32),
    mesh=_mesh,
    scratch_types=(
        [pltpu.VMEM((CL,), jnp.int32)] * NBUF
        + [pltpu.VMEM((CL, D), jnp.float32)] * NBUF
        + [pltpu.SemaphoreType.DMA] * (3 * NBUF)
    ),
    compiler_params=pltpu.CompilerParams(use_tc_tiling_on_sc=False),
)


@jax.jit
def kernel(x, table):
    out = _lookup(table, x.reshape(B))
    return out[:, :D].reshape(ROWS, COLS, D)

# --- scband reference (transcript-rebuilt; emitter-appended) ---
"""Pipeline reference for scband-embeddings-35296041239166 (READ-ONLY COPY).

The authoritative reference and input builder live on the scoring server;
editing this copy changes nothing except your own understanding.
"""

import jax, jax.numpy as jnp
import numpy as np
import math

VOCAB = 1000000
D_MODEL = 64

def setup_inputs(seed: int = 0) -> dict:
    key = jax.random.key(seed)
    k1, k2 = jax.random.split(key)
    x = jax.random.randint(k1, (16384, 200), 0, VOCAB, dtype=jnp.int64) if jax.config.jax_enable_x64 else jax.random.randint(k1, (16384, 200), 0, VOCAB, dtype=jnp.int32)
    table = jax.random.normal(k2, (VOCAB, D_MODEL), dtype=jnp.float32)
    return {"x": x, "table": table}

def reference(x, table):
    # Embeddings.forward: self.embed(x) * math.sqrt(self.d_model)
    out = jnp.take(table, x, axis=0) * math.sqrt(D_MODEL)
    return out

if __name__ == "__main__":
    import jax
    _d = setup_inputs()
    print(jax.jit(kernel)(*tuple(_d.values())))

</pallas_src>

<mosaic_0001>
#map = affine_map<(d0, d1) -> (0, 0)>
#map1 = affine_map<(d0, d1) -> (0)>
module attributes {stable_mosaic.version = 14 : i64} {
  func.func @_body(%arg0: i32, %arg1: i32, %arg2: memref<1000000x64xf32, #tpu.memory_space<hbm>>, %arg3: memref<3276800xi32, #tpu.memory_space<hbm>>, %arg4: memref<3276800x128xf32, #tpu.memory_space<hbm>>, %arg5: memref<400xi32, #tpu.memory_space<vmem>>, %arg6: memref<400xi32, #tpu.memory_space<vmem>>, %arg7: memref<400xi32, #tpu.memory_space<vmem>>, %arg8: memref<400xi32, #tpu.memory_space<vmem>>, %arg9: memref<400x64xf32, #tpu.memory_space<vmem>>, %arg10: memref<400x64xf32, #tpu.memory_space<vmem>>, %arg11: memref<400x64xf32, #tpu.memory_space<vmem>>, %arg12: memref<400x64xf32, #tpu.memory_space<vmem>>, %arg13: memref<!tpu.dma_semaphore, #tpu.memory_space<semaphore_mem>>, %arg14: memref<!tpu.dma_semaphore, #tpu.memory_space<semaphore_mem>>, %arg15: memref<!tpu.dma_semaphore, #tpu.memory_space<semaphore_mem>>, %arg16: memref<!tpu.dma_semaphore, #tpu.memory_space<semaphore_mem>>, %arg17: memref<!tpu.dma_semaphore, #tpu.memory_space<semaphore_mem>>, %arg18: memref<!tpu.dma_semaphore, #tpu.memory_space<semaphore_mem>>, %arg19: memref<!tpu.dma_semaphore, #tpu.memory_space<semaphore_mem>>, %arg20: memref<!tpu.dma_semaphore, #tpu.memory_space<semaphore_mem>>, %arg21: memref<!tpu.dma_semaphore, #tpu.memory_space<semaphore_mem>>, %arg22: memref<!tpu.dma_semaphore, #tpu.memory_space<semaphore_mem>>, %arg23: memref<!tpu.dma_semaphore, #tpu.memory_space<semaphore_mem>>, %arg24: memref<!tpu.dma_semaphore, #tpu.memory_space<semaphore_mem>>) attributes {dimension_semantics = [#tpu.dimension_semantics<core_parallel>, #tpu.dimension_semantics<subcore_parallel>], iteration_bounds = array<i64: 2, 16>, scalar_prefetch = 0 : i64, scratch_operands = 20 : i64, tpu.core_type = #tpu.core_type<sc_vector_subcore>, window_params = [{transform_indices = #map}, {transform_indices = #map1}, {transform_indices = #map}]} {
    %mul3A = arith.constant 2 : i32
    %mul3A_0 = arith.muli %arg1, %mul3A : i32
    %add3A = arith.addi %mul3A_0, %arg0 : i32
    %mul3A_1 = arith.constant 102400 : i32
    %mul3A_2 = arith.muli %add3A, %mul3A_1 : i32
    %add3A_3 = arith.constant 0 : i32
    %add3A_4 = arith.addi %mul3A_2, %add3A_3 : i32
    %dma_start3A = tpu.memref_slice %arg3[%add3A_4] : memref<3276800xi32, #tpu.memory_space<hbm>> -> memref<400xi32, #tpu.memory_space<hbm>>
    %dma_start3A_5 = tpu.memref_slice %arg3[%add3A_4] : memref<3276800xi32, #tpu.memory_space<hbm>> -> memref<400xi32, #tpu.memory_space<hbm>>
    tpu.enqueue_dma source(%dma_start3A_5 : memref<400xi32, #tpu.memory_space<hbm>>) target(%arg5 : memref<400xi32, #tpu.memory_space<vmem>>) target_semaphore(%arg13 : memref<!tpu.dma_semaphore, #tpu.memory_space<semaphore_mem>>)
    %add3A_6 = arith.constant 400 : i32
    %add3A_7 = arith.addi %mul3A_2, %add3A_6 : i32
    %dma_start3A_8 = tpu.memref_slice %arg3[%add3A_7] : memref<3276800xi32, #tpu.memory_space<hbm>> -> memref<400xi32, #tpu.memory_space<hbm>>
    %dma_start3A_9 = tpu.memref_slice %arg3[%add3A_7] : memref<3276800xi32, #tpu.memory_space<hbm>> -> memref<400xi32, #tpu.memory_space<hbm>>
    tpu.enqueue_dma source(%dma_start3A_9 : memref<400xi32, #tpu.memory_space<hbm>>) target(%arg6 : memref<400xi32, #tpu.memory_space<vmem>>) target_semaphore(%arg14 : memref<!tpu.dma_semaphore, #tpu.memory_space<semaphore_mem>>)
    %add3A_10 = arith.constant 800 : i32
    %add3A_11 = arith.addi %mul3A_2, %add3A_10 : i32
    %dma_start3A_12 = tpu.memref_slice %arg3[%add3A_11] : memref<3276800xi32, #tpu.memory_space<hbm>> -> memref<400xi32, #tpu.memory_space<hbm>>
    %dma_start3A_13 = tpu.memref_slice %arg3[%add3A_11] : memref<3276800xi32, #tpu.memory_space<hbm>> -> memref<400xi32, #tpu.memory_space<hbm>>
    tpu.enqueue_dma source(%dma_start3A_13 : memref<400xi32, #tpu.memory_space<hbm>>) target(%arg7 : memref<400xi32, #tpu.memory_space<vmem>>) target_semaphore(%arg15 : memref<!tpu.dma_semaphore, #tpu.memory_space<semaphore_mem>>)
    %add3A_14 = arith.constant 1200 : i32
    %add3A_15 = arith.addi %mul3A_2, %add3A_14 : i32
    %dma_start3A_16 = tpu.memref_slice %arg3[%add3A_15] : memref<3276800xi32, #tpu.memory_space<hbm>> -> memref<400xi32, #tpu.memory_space<hbm>>
    %dma_start3A_17 = tpu.memref_slice %arg3[%add3A_15] : memref<3276800xi32, #tpu.memory_space<hbm>> -> memref<400xi32, #tpu.memory_space<hbm>>
    tpu.enqueue_dma source(%dma_start3A_17 : memref<400xi32, #tpu.memory_space<hbm>>) target(%arg8 : memref<400xi32, #tpu.memory_space<vmem>>) target_semaphore(%arg16 : memref<!tpu.dma_semaphore, #tpu.memory_space<semaphore_mem>>)
    %dma_wait3A = arith.constant 0 : i32
    %dma_wait3A_18 = tpu.memref_slice %arg3[%dma_wait3A] : memref<3276800xi32, #tpu.memory_space<hbm>> -> memref<400xi32, #tpu.memory_space<hbm>>
    %dma_wait3A_19 = arith.constant 0 : i32
    %dma_wait3A_20 = tpu.memref_slice %arg3[%dma_wait3A_19] : memref<3276800xi32, #tpu.memory_space<hbm>> -> memref<400xi32, #tpu.memory_space<hbm>>
    tpu.wait_dma2 semaphore(%arg13 : memref<!tpu.dma_semaphore, #tpu.memory_space<semaphore_mem>>) src(%dma_wait3A_20 : memref<400xi32, #tpu.memory_space<hbm>>) dst(%arg5 : memref<400xi32, #tpu.memory_space<vmem>>)
    %dma_start3A_21 = arith.constant 0 : i32
    %dma_start3A_22 = arith.constant 0 : i32
    %dma_start3A_23 = tpu.memref_slice %arg2[%dma_start3A_21, %dma_start3A_22] : memref<1000000x64xf32, #tpu.memory_space<hbm>> -> memref<1000000x64xf32, #tpu.memory_space<hbm>>
    tpu.enqueue_indirect_dma source(%dma_start3A_23 : memref<1000000x64xf32, #tpu.memory_space<hbm>>) target(%arg9 : memref<400x64xf32, #tpu.memory_space<vmem>>) offsets(%arg5 : memref<400xi32, #tpu.memory_space<vmem>>) semaphore(%arg17 : memref<!tpu.dma_semaphore, #tpu.memory_space<semaphore_mem>>)
    %dma_wait3A_24 = arith.constant 0 : i32
    %dma_wait3A_25 = tpu.memref_slice %arg3[%dma_wait3A_24] : memref<3276800xi32, #tpu.memory_space<hbm>> -> memref<400xi32, #tpu.memory_space<hbm>>
    %dma_wait3A_26 = arith.constant 0 : i32
    %dma_wait3A_27 = tpu.memref_slice %arg3[%dma_wait3A_26] : memref<3276800xi32, #tpu.memory_space<hbm>> -> memref<400xi32, #tpu.memory_space<hbm>>
    tpu.wait_dma2 semaphore(%arg14 : memref<!tpu.dma_semaphore, #tpu.memory_space<semaphore_mem>>) src(%dma_wait3A_27 : memref<400xi32, #tpu.memory_space<hbm>>) dst(%arg6 : memref<400xi32, #tpu.memory_space<vmem>>)
    %dma_start3A_28 = arith.constant 0 : i32
    %dma_start3A_29 = arith.constant 0 : i32
    %dma_start3A_30 = tpu.memref_slice %arg2[%dma_start3A_28, %dma_start3A_29] : memref<1000000x64xf32, #tpu.memory_space<hbm>> -> memref<1000000x64xf32, #tpu.memory_space<hbm>>
    tpu.enqueue_indirect_dma source(%dma_start3A_30 : memref<1000000x64xf32, #tpu.memory_space<hbm>>) target(%arg10 : memref<400x64xf32, #tpu.memory_space<vmem>>) offsets(%arg6 : memref<400xi32, #tpu.memory_space<vmem>>) semaphore(%arg18 : memref<!tpu.dma_semaphore, #tpu.memory_space<semaphore_mem>>)
    %scan3A = arith.constant 0 : i32
    %scan3A_31 = arith.constant 64 : i32
    %scan3A_32 = arith.addi %scan3A, %scan3A_31 : i32
    %scan3A_33 = arith.constant 1 : i32
    scf.for %scan3A_59 = %scan3A to %scan3A_32 step %scan3A_33  : i32 {
      %mul3A_60 = arith.constant 4 : i32
      %mul3A_61 = arith.muli %scan3A_59, %mul3A_60 : i32
      %add3A_62 = arith.constant 0 : i32
      %add3A_63 = arith.addi %add3A_62, %mul3A_61 : i32
      %add3A_64 = arith.constant 0 : i32
      %add3A_65 = arith.addi %add3A_63, %add3A_64 : i32
      %add3A_66 = arith.constant 2 : i32
      %add3A_67 = arith.addi %add3A_65, %add3A_66 : i32
      %lt3A = arith.constant 256 : i32
      %lt3A_68 = arith.cmpi slt, %add3A_67, %lt3A : i32
      %convert_element_type3A = arith.extui %lt3A_68 : i1 to i32
      %cond3A = arith.constant 0 : i32
      %cond3A_69 = arith.cmpi ne, %convert_element_type3A, %cond3A : i32
      scf.if %cond3A_69 {
        %dma_wait3A_185 = arith.constant 0 : i32
        %dma_wait3A_186 = tpu.memref_slice %arg3[%dma_wait3A_185] : memref<3276800xi32, #tpu.memory_space<hbm>> -> memref<400xi32, #tpu.memory_space<hbm>>
        %dma_wait3A_187 = arith.constant 0 : i32
        %dma_wait3A_188 = tpu.memref_slice %arg3[%dma_wait3A_187] : memref<3276800xi32, #tpu.memory_space<hbm>> -> memref<400xi32, #tpu.memory_space<hbm>>
        tpu.wait_dma2 semaphore(%arg15 : memref<!tpu.dma_semaphore, #tpu.memory_space<semaphore_mem>>) src(%dma_wait3A_188 : memref<400xi32, #tpu.memory_space<hbm>>) dst(%arg7 : memref<400xi32, #tpu.memory_space<vmem>>)
        %ge3A = arith.constant 4 : i32
        %ge3A_189 = arith.cmpi sge, %add3A_67, %ge3A : i32
        %convert_element_type3A_190 = arith.extui %ge3A_189 : i1 to i32
        %cond3A_191 = arith.constant 0 : i32
        %cond3A_192 = arith.cmpi ne, %convert_element_type3A_190, %cond3A_191 : i32
        scf.if %cond3A_192 {
          %dma_wait3A_196 = arith.constant 0 : i32
          %dma_wait3A_197 = arith.constant 0 : i32
          %dma_wait3A_198 = tpu.memref_slice %arg4[%dma_wait3A_196, %dma_wait3A_197] : memref<3276800x128xf32, #tpu.memory_space<hbm>> -> memref<400x64xf32, #tpu.memory_space<hbm>>
          %dma_wait3A_199 = arith.constant 0 : i32
          %dma_wait3A_200 = arith.constant 0 : i32
          %dma_wait3A_201 = tpu.memref_slice %arg4[%dma_wait3A_199, %dma_wait3A_200] : memref<3276800x128xf32, #tpu.memory_space<hbm>> -> memref<400x64xf32, #tpu.memory_space<hbm>>
          tpu.wait_dma2 semaphore(%arg23 : memref<!tpu.dma_semaphore, #tpu.memory_space<semaphore_mem>>) src(%arg11 : memref<400x64xf32, #tpu.memory_space<vmem>>) dst(%dma_wait3A_201 : memref<400x64xf32, #tpu.memory_space<hbm>>)
        } else {
        }
        %dma_start3A_193 = arith.constant 0 : i32
        %dma_start3A_194 = arith.constant 0 : i32
        %dma_start3A_195 = tpu.memref_slice %arg2[%dma_start3A_193, %dma_start3A_194] : memref<1000000x64xf32, #tpu.memory_space<hbm>> -> memref<1000000x64xf32, #tpu.memory_space<hbm>>
        tpu.enqueue_indirect_dma source(%dma_start3A_195 : memref<1000000x64xf32, #tpu.memory_space<hbm>>) target(%arg11 : memref<400x64xf32, #tpu.memory_space<vmem>>) offsets(%arg7 : memref<400xi32, #tpu.memory_space<vmem>>) semaphore(%arg19 : memref<!tpu.dma_semaphore, #tpu.memory_space<semaphore_mem>>)
      } else {
      }
      %dma_wait3A_70 = arith.constant 0 : i32
      %dma_wait3A_71 = arith.constant 0 : i32
      %dma_wait3A_72 = tpu.memref_slice %arg2[%dma_wait3A_70, %dma_wait3A_71] : memref<1000000x64xf32, #tpu.memory_space<hbm>> -> memref<1000000x64xf32, #tpu.memory_space<hbm>>
      tpu.wait_indirect_dma semaphore(%arg17 : memref<!tpu.dma_semaphore, #tpu.memory_space<semaphore_mem>>) src(%dma_wait3A_72 : memref<1000000x64xf32, #tpu.memory_space<hbm>>) dst(%arg9 : memref<400x64xf32, #tpu.memory_space<vmem>>)
      %add3A_73 = arith.constant 4 : i32
      %add3A_74 = arith.addi %add3A_65, %add3A_73 : i32
      %lt3A_75 = arith.constant 256 : i32
      %lt3A_76 = arith.cmpi slt, %add3A_74, %lt3A_75 : i32
      %convert_element_type3A_77 = arith.extui %lt3A_76 : i1 to i32
      %cond3A_78 = arith.constant 0 : i32
      %cond3A_79 = arith.cmpi ne, %convert_element_type3A_77, %cond3A_78 : i32
      scf.if %cond3A_79 {
        %add3A_185 = arith.constant 4 : i32
        %add3A_186 = arith.addi %add3A_65, %add3A_185 : i32
        %mul3A_187 = arith.constant 400 : i32
        %mul3A_188 = arith.muli %add3A_186, %mul3A_187 : i32
        %add3A_189 = arith.addi %mul3A_2, %mul3A_188 : i32
        %dma_start3A_190 = tpu.memref_slice %arg3[%add3A_189] : memref<3276800xi32, #tpu.memory_space<hbm>> -> memref<400xi32, #tpu.memory_space<hbm>>
        %dma_start3A_191 = tpu.memref_slice %arg3[%add3A_189] : memref<3276800xi32, #tpu.memory_space<hbm>> -> memref<400xi32, #tpu.memory_space<hbm>>
        tpu.enqueue_dma source(%dma_start3A_191 : memref<400xi32, #tpu.memory_space<hbm>>) target(%arg5 : memref<400xi32, #tpu.memory_space<vmem>>) target_semaphore(%arg13 : memref<!tpu.dma_semaphore, #tpu.memory_space<semaphore_mem>>)
      } else {
      }
      %scan3A_80 = arith.constant 0 : i32
      %scan3A_81 = arith.constant 400 : i32
      %scan3A_82 = arith.addi %scan3A_80, %scan3A_81 : i32
      %scan3A_83 = arith.constant 8 : i32
      scf.for %scan3A_185 = %scan3A_80 to %scan3A_82 step %scan3A_83  : i32 {
        %mul3A_186 = arith.constant 1 : i32
        %mul3A_187 = arith.muli %scan3A_185, %mul3A_186 : i32
        %add3A_188 = arith.constant 0 : i32
        %add3A_189 = arith.addi %add3A_188, %mul3A_187 : i32
        %get3A = arith.index_cast %add3A_189 : i32 to index
        %get3A_190 = arith.constant 0 : index
        %get3A_191 = tpu.vector_load %arg9[%get3A, %get3A_190] {strides = array<i32>} : memref<400x64xf32, #tpu.memory_space<vmem>>, vector<1x16xf32>,
        %get3A_192 = vector.shape_cast %get3A_191 : vector<1x16xf32> to vector<16xf32>
        %mul3A_193 = arith.constant 8.000000e+00 : f32
        %mul3A_194 = vector.broadcast %mul3A_193 : f32 to vector<16xf32>
        %mul3A_195 = arith.mulf %get3A_192, %mul3A_194 : vector<16xf32>
        %swap3A = arith.index_cast %add3A_189 : i32 to index
        %swap3A_196 = arith.constant 0 : index
        %swap3A_197 = tpu.vector_load %arg9[%swap3A, %swap3A_196] {strides = array<i32>} : memref<400x64xf32, #tpu.memory_space<vmem>>, vector<1x16xf32>,
        %swap3A_198 = vector.shape_cast %swap3A_197 : vector<1x16xf32> to vector<16xf32>
        %swap3A_199 = vector.shape_cast %mul3A_195 : vector<16xf32> to vector<1x16xf32>
        tpu.vector_store %arg9[%swap3A, %swap3A_196], %swap3A_199 {strides = array<i32>} : memref<400x64xf32, #tpu.memory_space<vmem>>, vector<1x16xf32>,
        %get3A_200 = arith.index_cast %add3A_189 : i32 to index
        %get3A_201 = arith.constant 16 : index
        %get3A_202 = tpu.vector_load %arg9[%get3A_200, %get3A_201] {strides = array<i32>} : memref<400x64xf32, #tpu.memory_space<vmem>>, vector<1x16xf32>,
        %get3A_203 = vector.shape_cast %get3A_202 : vector<1x16xf32> to vector<16xf32>
        %mul3A_204 = arith.constant 8.000000e+00 : f32
        %mul3A_205 = vector.broadcast %mul3A_204 : f32 to vector<16xf32>
        %mul3A_206 = arith.mulf %get3A_203, %mul3A_205 : vector<16xf32>
        %swap3A_207 = arith.index_cast %add3A_189 : i32 to index
        %swap3A_208 = arith.constant 16 : index
        %swap3A_209 = tpu.vector_load %arg9[%swap3A_207, %swap3A_208] {strides = array<i32>} : memref<400x64xf32, #tpu.memory_space<vmem>>, vector<1x16xf32>,
        %swap3A_210 = vector.shape_cast %swap3A_209 : vector<1x16xf32> to vector<16xf32>
        %swap3A_211 = vector.shape_cast %mul3A_206 : vector<16xf32> to vector<1x16xf32>
        tpu.vector_store %arg9[%swap3A_207, %swap3A_208], %swap3A_211 {strides = array<i32>} : memref<400x64xf32, #tpu.memory_space<vmem>>, vector<1x16xf32>,
        %get3A_212 = arith.index_cast %add3A_189 : i32 to index
        %get3A_213 = arith.constant 32 : index
        %get3A_214 = tpu.vector_load %arg9[%get3A_212, %get3A_213] {strides = array<i32>} : memref<400x64xf32, #tpu.memory_space<vmem>>, vector<1x16xf32>,
        %get3A_215 = vector.shape_cast %get3A_214 : vector<1x16xf32> to vector<16xf32>
        %mul3A_216 = arith.constant 8.000000e+00 : f32
        %mul3A_217 = vector.broadcast %mul3A_216 : f32 to vector<16xf32>
        %mul3A_218 = arith.mulf %get3A_215, %mul3A_217 : vector<16xf32>
        %swap3A_219 = arith.index_cast %add3A_189 : i32 to index
        %swap3A_220 = arith.constant 32 : index
        %swap3A_221 = tpu.vector_load %arg9[%swap3A_219, %swap3A_220] {strides = array<i32>} : memref<400x64xf32, #tpu.memory_space<vmem>>, vector<1x16xf32>,
        %swap3A_222 = vector.shape_cast %swap3A_221 : vector<1x16xf32> to vector<16xf32>
        %swap3A_223 = vector.shape_cast %mul3A_218 : vector<16xf32> to vector<1x16xf32>
        tpu.vector_store %arg9[%swap3A_219, %swap3A_220], %swap3A_223 {strides = array<i32>} : memref<400x64xf32, #tpu.memory_space<vmem>>, vector<1x16xf32>,
        %get3A_224 = arith.index_cast %add3A_189 : i32 to index
        %get3A_225 = arith.constant 48 : index
        %get3A_226 = tpu.vector_load %arg9[%get3A_224, %get3A_225] {strides = array<i32>} : memref<400x64xf32, #tpu.memory_space<vmem>>, vector<1x16xf32>,
        %get3A_227 = vector.shape_cast %get3A_226 : vector<1x16xf32> to vector<16xf32>
        %mul3A_228 = arith.constant 8.000000e+00 : f32
        %mul3A_229 = vector.broadcast %mul3A_228 : f32 to vector<16xf32>
        %mul3A_230 = arith.mulf %get3A_227, %mul3A_229 : vector<16xf32>
        %swap3A_231 = arith.index_cast %add3A_189 : i32 to index
        %swap3A_232 = arith.constant 48 : index
        %swap3A_233 = tpu.vector_load %arg9[%swap3A_231, %swap3A_232] {strides = array<i32>} : memref<400x64xf32, #tpu.memory_space<vmem>>, vector<1x16xf32>,
        %swap3A_234 = vector.shape_cast %swap3A_233 : vector<1x16xf32> to vector<16xf32>
        %swap3A_235 = vector.shape_cast %mul3A_230 : vector<16xf32> to vector<1x16xf32>
        tpu.vector_store %arg9[%swap3A_231, %swap3A_232], %swap3A_235 {strides = array<i32>} : memref<400x64xf32, #tpu.memory_space<vmem>>, vector<1x16xf32>,
        %scan3A_236 = arith.constant 1 : i32
        %scan3A_237 = arith.addi %scan3A_185, %scan3A_236 : i32
        %mul3A_238 = arith.constant 1 : i32
        %mul3A_239 = arith.muli %scan3A_237, %mul3A_238 : i32
        %add3A_240 = arith.constant 0 : i32
        %add3A_241 = arith.addi %add3A_240, %mul3A_239 : i32
        %get3A_242 = arith.index_cast %add3A_241 : i32 to index
        %get3A_243 = arith.constant 0 : index
        %get3A_244 = tpu.vector_load %arg9[%get3A_242, %get3A_243] {strides = array<i32>} : memref<400x64xf32, #tpu.memory_space<vmem>>, vector<1x16xf32>,
        %get3A_245 = vector.shape_cast %get3A_244 : vector<1x16xf32> to vector<16xf32>
        %mul3A_246 = arith.constant 8.000000e+00 : f32
        %mul3A_247 = vector.broadcast %mul3A_246 : f32 to vector<16xf32>
        %mul3A_248 = arith.mulf %get3A_245, %mul3A_247 : vector<16xf32>
        %swap3A_249 = arith.index_cast %add3A_241 : i32 to index
        %swap3A_250 = arith.constant 0 : index
        %swap3A_251 = tpu.vector_load %arg9[%swap3A_249, %swap3A_250] {strides = array<i32>} : memref<400x64xf32, #tpu.memory_space<vmem>>, vector<1x16xf32>,
        %swap3A_252 = vector.shape_cast %swap3A_251 : vector<1x16xf32> to vector<16xf32>
        %swap3A_253 = vector.shape_cast %mul3A_248 : vector<16xf32> to vector<1x16xf32>
        tpu.vector_store %arg9[%swap3A_249, %swap3A_250], %swap3A_253 {strides = array<i32>} : memref<400x64xf32, #tpu.memory_space<vmem>>, vector<1x16xf32>,
        %get3A_254 = arith.index_cast %add3A_241 : i32 to index
        %get3A_255 = arith.constant 16 : index
        %get3A_256 = tpu.vector_load %arg9[%get3A_254, %get3A_255] {strides = array<i32>} : memref<400x64xf32, #tpu.memory_space<vmem>>, vector<1x16xf32>,
        %get3A_257 = vector.shape_cast %get3A_256 : vector<1x16xf32> to vector<16xf32>
        %mul3A_258 = arith.constant 8.000000e+00 : f32
        %mul3A_259 = vector.broadcast %mul3A_258 : f32 to vector<16xf32>
        %mul3A_260 = arith.mulf %get3A_257, %mul3A_259 : vector<16xf32>
        %swap3A_261 = arith.index_cast %add3A_241 : i32 to index
        %swap3A_262 = arith.constant 16 : index
        %swap3A_263 = tpu.vector_load %arg9[%swap3A_261, %swap3A_262] {strides = array<i32>} : memref<400x64xf32, #tpu.memory_space<vmem>>, vector<1x16xf32>,
        %swap3A_264 = vector.shape_cast %swap3A_263 : vector<1x16xf32> to vector<16xf32>
        %swap3A_265 = vector.shape_cast %mul3A_260 : vector<16xf32> to vector<1x16xf32>
        tpu.vector_store %arg9[%swap3A_261, %swap3A_262], %swap3A_265 {strides = array<i32>} : memref<400x64xf32, #tpu.memory_space<vmem>>, vector<1x16xf32>,
        %get3A_266 = arith.index_cast %add3A_241 : i32 to index
        %get3A_267 = arith.constant 32 : index
        %get3A_268 = tpu.vector_load %arg9[%get3A_266, %get3A_267] {strides = array<i32>} : memref<400x64xf32, #tpu.memory_space<vmem>>, vector<1x16xf32>,
        %get3A_269 = vector.shape_cast %get3A_268 : vector<1x16xf32> to vector<16xf32>
        %mul3A_270 = arith.constant 8.000000e+00 : f32
        %mul3A_271 = vector.broadcast %mul3A_270 : f32 to vector<16xf32>
        %mul3A_272 = arith.mulf %get3A_269, %mul3A_271 : vector<16xf32>
        %swap3A_273 = arith.index_cast %add3A_241 : i32 to index
        %swap3A_274 = arith.constant 32 : index
        %swap3A_275 = tpu.vector_load %arg9[%swap3A_273, %swap3A_274] {strides = array<i32>} : memref<400x64xf32, #tpu.memory_space<vmem>>, vector<1x16xf32>,
        %swap3A_276 = vector.shape_cast %swap3A_275 : vector<1x16xf32> to vector<16xf32>
        %swap3A_277 = vector.shape_cast %mul3A_272 : vector<16xf32> to vector<1x16xf32>
        tpu.vector_store %arg9[%swap3A_273, %swap3A_274], %swap3A_277 {strides = array<i32>} : memref<400x64xf32, #tpu.memory_space<vmem>>, vector<1x16xf32>,
        %get3A_278 = arith.index_cast %add3A_241 : i32 to index
        %get3A_279 = arith.constant 48 : index
        %get3A_280 = tpu.vector_load %arg9[%get3A_278, %get3A_279] {strides = array<i32>} : memref<400x64xf32, #tpu.memory_space<vmem>>, vector<1x16xf32>,
        %get3A_281 = vector.shape_cast %get3A_280 : vector<1x16xf32> to vector<16xf32>
        %mul3A_282 = arith.constant 8.000000e+00 : f32
        %mul3A_283 = vector.broadcast %mul3A_282 : f32 to vector<16xf32>
        %mul3A_284 = arith.mulf %get3A_281, %mul3A_283 : vector<16xf32>
        %swap3A_285 = arith.index_cast %add3A_241 : i32 to index
        %swap3A_286 = arith.constant 48 : index
        %swap3A_287 = tpu.vector_load %arg9[%swap3A_285, %swap3A_286] {strides = array<i32>} : memref<400x64xf32, #tpu.memory_space<vmem>>, vector<1x16xf32>,
        %swap3A_288 = vector.shape_cast %swap3A_287 : vector<1x16xf32> to vector<16xf32>
        %swap3A_289 = vector.shape_cast %mul3A_284 : vector<16xf32> to vector<1x16xf32>
        tpu.vector_store %arg9[%swap3A_285, %swap3A_286], %swap3A_289 {strides = array<i32>} : memref<400x64xf32, #tpu.memory_space<vmem>>, vector<1x16xf32>,
        %scan3A_290 = arith.constant 2 : i32
        %scan3A_291 = arith.addi %scan3A_185, %scan3A_290 : i32
        %mul3A_292 = arith.constant 1 : i32
        %mul3A_293 = arith.muli %scan3A_291, %mul3A_292 : i32
        %add3A_294 = arith.constant 0 : i32
        %add3A_295 = arith.addi %add3A_294, %mul3A_293 : i32
        %get3A_296 = arith.index_cast %add3A_295 : i32 to index
        %get3A_297 = arith.constant 0 : index
        %get3A_298 = tpu.vector_load %arg9[%get3A_296, %get3A_297] {strides = array<i32>} : memref<400x64xf32, #tpu.memory_space<vmem>>, vector<1x16xf32>,
        %get3A_299 = vector.shape_cast %get3A_298 : vector<1x16xf32> to vector<16xf32>
        %mul3A_300 = arith.constant 8.000000e+00 : f32
        %mul3A_301 = vector.broadcast %mul3A_300 : f32 to vector<16xf32>
        %mul3A_302 = arith.mulf %get3A_299, %mul3A_301 : vector<16xf32>
        %swap3A_303 = arith.index_cast %add3A_295 : i32 to index
        %swap3A_304 = arith.constant 0 : index
        %swap3A_305 = tpu.vector_load %arg9[%swap3A_303, %swap3A_304] {strides = array<i32>} : memref<400x64xf32, #tpu.memory_space<vmem>>, vector<1x16xf32>,
        %swap3A_306 = vector.shape_cast %swap3A_305 : vector<1x16xf32> to vector<16xf32>
        %swap3A_307 = vector.shape_cast %mul3A_302 : vector<16xf32> to vector<1x16xf32>
        tpu.vector_store %arg9[%swap3A_303, %swap3A_304], %swap3A_307 {strides = array<i32>} : memref<400x64xf32, #tpu.memory_space<vmem>>, vector<1x16xf32>,
        %get3A_308 = arith.index_cast %add3A_295 : i32 to index
        %get3A_309 = arith.constant 16 : index
        %get3A_310 = tpu.vector_load %arg9[%get3A_308, %get3A_309] {strides = array<i32>} : memref<400x64xf32, #tpu.memory_space<vmem>>, vector<1x16xf32>,
        %get3A_311 = vector.shape_cast %get3A_310 : vector<1x16xf32> to vector<16xf32>
        %mul3A_312 = arith.constant 8.000000e+00 : f32
        %mul3A_313 = vector.broadcast %mul3A_312 : f32 to vector<16xf32>
        %mul3A_314 = arith.mulf %get3A_311, %mul3A_313 : vector<16xf32>
        %swap3A_315 = arith.index_cast %add3A_295 : i32 to index
        %swap3A_316 = arith.constant 16 : index
        %swap3A_317 = tpu.vector_load %arg9[%swap3A_315, %swap3A_316] {strides = array<i32>} : memref<400x64xf32, #tpu.memory_space<vmem>>, vector<1x16xf32>,
        %swap3A_318 = vector.shape_cast %swap3A_317 : vector<1x16xf32> to vector<16xf32>
        %swap3A_319 = vector.shape_cast %mul3A_314 : vector<16xf32> to vector<1x16xf32>
        tpu.vector_store %arg9[%swap3A_315, %swap3A_316], %swap3A_319 {strides = array<i32>} : memref<400x64xf32, #tpu.memory_space<vmem>>, vector<1x16xf32>,
        %get3A_320 = arith.index_cast %add3A_295 : i32 to index
        %get3A_321 = arith.constant 32 : index
        %get3A_322 = tpu.vector_load %arg9[%get3A_320, %get3A_321] {strides = array<i32>} : memref<400x64xf32, #tpu.memory_space<vmem>>, vector<1x16xf32>,
        %get3A_323 = vector.shape_cast %get3A_322 : vector<1x16xf32> to vector<16xf32>
        %mul3A_324 = arith.constant 8.000000e+00 : f32
        %mul3A_325 = vector.broadcast %mul3A_324 : f32 to vector<16xf32>
        %mul3A_326 = arith.mulf %get3A_323, %mul3A_325 : vector<16xf32>
        %swap3A_327 = arith.index_cast %add3A_295 : i32 to index
        %swap3A_328 = arith.constant 32 : index
        %swap3A_329 = tpu.vector_load %arg9[%swap3A_327, %swap3A_328] {strides = array<i32>} : memref<400x64xf32, #tpu.memory_space<vmem>>, vector<1x16xf32>,
        %swap3A_330 = vector.shape_cast %swap3A_329 : vector<1x16xf32> to vector<16xf32>
        %swap3A_331 = vector.shape_cast %mul3A_326 : vector<16xf32> to vector<1x16xf32>
        tpu.vector_store %arg9[%swap3A_327, %swap3A_328], %swap3A_331 {strides = array<i32>} : memref<400x64xf32, #tpu.memory_space<vmem>>, vector<1x16xf32>,
        %get3A_332 = arith.index_cast %add3A_295 : i32 to index
        %get3A_333 = arith.constant 48 : index
        %get3A_334 = tpu.vector_load %arg9[%get3A_332, %get3A_333] {strides = array<i32>} : memref<400x64xf32, #tpu.memory_space<vmem>>, vector<1x16xf32>,
        %get3A_335 = vector.shape_cast %get3A_334 : vector<1x16xf32> to vector<16xf32>
        %mul3A_336 = arith.constant 8.000000e+00 : f32
        %mul3A_337 = vector.broadcast %mul3A_336 : f32 to vector<16xf32>
        %mul3A_338 = arith.mulf %get3A_335, %mul3A_337 : vector<16xf32>
        %swap3A_339 = arith.index_cast %add3A_295 : i32 to index
        %swap3A_340 = arith.constant 48 : index
        %swap3A_341 = tpu.vector_load %arg9[%swap3A_339, %swap3A_340] {strides = array<i32>} : memref<400x64xf32, #tpu.memory_space<vmem>>, vector<1x16xf32>,
        %swap3A_342 = vector.shape_cast %swap3A_341 : vector<1x16xf32> to vector<16xf32>
        %swap3A_343 = vector.shape_cast %mul3A_338 : vector<16xf32> to vector<1x16xf32>
        tpu.vector_store %arg9[%swap3A_339, %swap3A_340], %swap3A_343 {strides = array<i32>} : memref<400x64xf32, #tpu.memory_space<vmem>>, vector<1x16xf32>,
        %scan3A_344 = arith.constant 3 : i32
        %scan3A_345 = arith.addi %scan3A_185, %scan3A_344 : i32
        %mul3A_346 = arith.constant 1 : i32
        %mul3A_347 = arith.muli %scan3A_345, %mul3A_346 : i32
        %add3A_348 = arith.constant 0 : i32
        %add3A_349 = arith.addi %add3A_348, %mul3A_347 : i32
        %get3A_350 = arith.index_cast %add3A_349 : i32 to index
        %get3A_351 = arith.constant 0 : index
        %get3A_352 = tpu.vector_load %arg9[%get3A_350, %get3A_351] {strides = array<i32>} : memref<400x64xf32, #tpu.memory_space<vmem>>, vector<1x16xf32>,
        %get3A_353 = vector.shape_cast %get3A_352 : vector<1x16xf32> to vector<16xf32>
        %mul3A_354 = arith.constant 8.000000e+00 : f32
        %mul3A_355 = vector.broadcast %mul3A_354 : f32 to vector<16xf32>
        %mul3A_356 = arith.mulf %get3A_353, %mul3A_355 : vector<16xf32>
        %swap3A_357 = arith.index_cast %add3A_349 : i32 to index
        %swap3A_358 = arith.constant 0 : index
        %swap3A_359 = tpu.vector_load %arg9[%swap3A_357, %swap3A_358] {strides = array<i32>} : memref<400x64xf32, #tpu.memory_space<vmem>>, vector<1x16xf32>,
        %swap3A_360 = vector.shape_cast %swap3A_359 : vector<1x16xf32> to vector<16xf32>
        %swap3A_361 = vector.shape_cast %mul3A_356 : vector<16xf32> to vector<1x16xf32>
        tpu.vector_store %arg9[%swap3A_357, %swap3A_358], %swap3A_361 {strides = array<i32>} : memref<400x64xf32, #tpu.memory_space<vmem>>, vector<1x16xf32>,
        %get3A_362 = arith.index_cast %add3A_349 : i32 to index
        %get3A_363 = arith.constant 16 : index
        %get3A_364 = tpu.vector_load %arg9[%get3A_362, %get3A_363] {strides = array<i32>} : memref<400x64xf32, #tpu.memory_space<vmem>>, vector<1x16xf32>,
        %get3A_365 = vector.shape_cast %get3A_364 : vector<1x16xf32> to vector<16xf32>
        %mul3A_366 = arith.constant 8.000000e+00 : f32
        %mul3A_367 = vector.broadcast %mul3A_366 : f32 to vector<16xf32>
        %mul3A_368 = arith.mulf %get3A_365, %mul3A_367 : vector<16xf32>
        %swap3A_369 = arith.index_cast %add3A_349 : i32 to index
        %swap3A_370 = arith.constant 16 : index
        %swap3A_371 = tpu.vector_load %arg9[%swap3A_369, %swap3A_370] {strides = array<i32>} : memref<400x64xf32, #tpu.memory_space<vmem>>, vector<1x16xf32>,
        %swap3A_372 = vector.shape_cast %swap3A_371 : vector<1x16xf32> to vector<16xf32>
        %swap3A_373 = vector.shape_cast %mul3A_368 : vector<16xf32> to vector<1x16xf32>
        tpu.vector_store %arg9[%swap3A_369, %swap3A_370], %swap3A_373 {strides = array<i32>} : memref<400x64xf32, #tpu.memory_space<vmem>>, vector<1x16xf32>,
        %get3A_374 = arith.index_cast %add3A_349 : i32 to index
        %get3A_375 = arith.constant 32 : index
        %get3A_376 = tpu.vector_load %arg9[%get3A_374, %get3A_375] {strides = array<i32>} : memref<400x64xf32, #tpu.memory_space<vmem>>, vector<1x16xf32>,
        %get3A_377 = vector.shape_cast %get3A_376 : vector<1x16xf32> to vector<16xf32>
        %mul3A_378 = arith.constant 8.000000e+00 : f32
        %mul3A_379 = vector.broadcast %mul3A_378 : f32 to vector<16xf32>
        %mul3A_380 = arith.mulf %get3A_377, %mul3A_379 : vector<16xf32>
        %swap3A_381 = arith.index_cast %add3A_349 : i32 to index
        %swap3A_382 = arith.constant 32 : index
        %swap3A_383 = tpu.vector_load %arg9[%swap3A_381, %swap3A_382] {strides = array<i32>} : memref<400x64xf32, #tpu.memory_space<vmem>>, vector<1x16xf32>,
        %swap3A_384 = vector.shape_cast %swap3A_383 : vector<1x16xf32> to vector<16xf32>
        %swap3A_385 = vector.shape_cast %mul3A_380 : vector<16xf32> to vector<1x16xf32>
        tpu.vector_store %arg9[%swap3A_381, %swap3A_382], %swap3A_385 {strides = array<i32>} : memref<400x64xf32, #tpu.memory_space<vmem>>, vector<1x16xf32>,
        %get3A_386 = arith.index_cast %add3A_349 : i32 to index
        %get3A_387 = arith.constant 48 : index
        %get3A_388 = tpu.vector_load %arg9[%get3A_386, %get3A_387] {strides = array<i32>} : memref<400x64xf32, #tpu.memory_space<vmem>>, vector<1x16xf32>,
        %get3A_389 = vector.shape_cast %get3A_388 : vector<1x16xf32> to vector<16xf32>
        %mul3A_390 = arith.constant 8.000000e+00 : f32
        %mul3A_391 = vector.broadcast %mul3A_390 : f32 to vector<16xf32>
        %mul3A_392 = arith.mulf %get3A_389, %mul3A_391 : vector<16xf32>
        %swap3A_393 = arith.index_cast %add3A_349 : i32 to index
        %swap3A_394 = arith.constant 48 : index
        %swap3A_395 = tpu.vector_load %arg9[%swap3A_393, %swap3A_394] {strides = array<i32>} : memref<400x64xf32, #tpu.memory_space<vmem>>, vector<1x16xf32>,
        %swap3A_396 = vector.shape_cast %swap3A_395 : vector<1x16xf32> to vector<16xf32>
        %swap3A_397 = vector.shape_cast %mul3A_392 : vector<16xf32> to vector<1x16xf32>
        tpu.vector_store %arg9[%swap3A_393, %swap3A_394], %swap3A_397 {strides = array<i32>} : memref<400x64xf32, #tpu.memory_space<vmem>>, vector<1x16xf32>,
        %scan3A_398 = arith.constant 4 : i32
        %scan3A_399 = arith.addi %scan3A_185, %scan3A_398 : i32
        %mul3A_400 = arith.constant 1 : i32
        %mul3A_401 = arith.muli %scan3A_399, %mul3A_400 : i32
        %add3A_402 = arith.constant 0 : i32
        %add3A_403 = arith.addi %add3A_402, %mul3A_401 : i32
        %get3A_404 = arith.index_cast %add3A_403 : i32 to index
        %get3A_405 = arith.constant 0 : index
        %get3A_406 = tpu.vector_load %arg9[%get3A_404, %get3A_405] {strides = array<i32>} : memref<400x64xf32, #tpu.memory_space<vmem>>, vector<1x16xf32>,
        %get3A_407 = vector.shape_cast %get3A_406 : vector<1x16xf32> to vector<16xf32>
        %mul3A_408 = arith.constant 8.000000e+00 : f32
        %mul3A_409 = vector.broadcast %mul3A_408 : f32 to vector<16xf32>
        %mul3A_410 = arith.mulf %get3A_407, %mul3A_409 : vector<16xf32>
        %swap3A_411 = arith.index_cast %add3A_403 : i32 to index
        %swap3A_412 = arith.constant 0 : index
        %swap3A_413 = tpu.vector_load %arg9[%swap3A_411, %swap3A_412] {strides = array<i32>} : memref<400x64xf32, #tpu.memory_space<vmem>>, vector<1x16xf32>,
        %swap3A_414 = vector.shape_cast %swap3A_413 : vector<1x16xf32> to vector<16xf32>
        %swap3A_415 = vector.shape_cast %mul3A_410 : vector<16xf32> to vector<1x16xf32>
        tpu.vector_store %arg9[%swap3A_411, %swap3A_412], %swap3A_415 {strides = array<i32>} : memref<400x64xf32, #tpu.memory_space<vmem>>, vector<1x16xf32>,
        %get3A_416 = arith.index_cast %add3A_403 : i32 to index
        %get3A_417 = arith.constant 16 : index
        %get3A_418 = tpu.vector_load %arg9[%get3A_416, %get3A_417] {strides = array<i32>} : memref<400x64xf32, #tpu.memory_space<vmem>>, vector<1x16xf32>,
        %get3A_419 = vector.shape_cast %get3A_418 : vector<1x16xf32> to vector<16xf32>
        %mul3A_420 = arith.constant 8.000000e+00 : f32
        %mul3A_421 = vector.broadcast %mul3A_420 : f32 to vector<16xf32>
        %mul3A_422 = arith.mulf %get3A_419, %mul3A_421 : vector<16xf32>
        %swap3A_423 = arith.index_cast %add3A_403 : i32 to index
        %swap3A_424 = arith.constant 16 : index
        %swap3A_425 = tpu.vector_load %arg9[%swap3A_423, %swap3A_424] {strides = array<i32>} : memref<400x64xf32, #tpu.memory_space<vmem>>, vector<1x16xf32>,
        %swap3A_426 = vector.shape_cast %swap3A_425 : vector<1x16xf32> to vector<16xf32>
        %swap3A_427 = vector.shape_cast %mul3A_422 : vector<16xf32> to vector<1x16xf32>
        tpu.vector_store %arg9[%swap3A_423, %swap3A_424], %swap3A_427 {strides = array<i32>} : memref<400x64xf32, #tpu.memory_space<vmem>>, vector<1x16xf32>,
        %get3A_428 = arith.index_cast %add3A_403 : i32 to index
        %get3A_429 = arith.constant 32 : index
        %get3A_430 = tpu.vector_load %arg9[%get3A_428, %get3A_429] {strides = array<i32>} : memref<400x64xf32, #tpu.memory_space<vmem>>, vector<1x16xf32>,
        %get3A_431 = vector.shape_cast %get3A_430 : vector<1x16xf32> to vector<16xf32>
        %mul3A_432 = arith.constant 8.000000e+00 : f32
        %mul3A_433 = vector.broadcast %mul3A_432 : f32 to vector<16xf32>
        %mul3A_434 = arith.mulf %get3A_431, %mul3A_433 : vector<16xf32>
        %swap3A_435 = arith.index_cast %add3A_403 : i32 to index
        %swap3A_436 = arith.constant 32 : index
        %swap3A_437 = tpu.vector_load %arg9[%swap3A_435, %swap3A_436] {strides = array<i32>} : memref<400x64xf32, #tpu.memory_space<vmem>>, vector<1x16xf32>,
        %swap3A_438 = vector.shape_cast %swap3A_437 : vector<1x16xf32> to vector<16xf32>
        %swap3A_439 = vector.shape_cast %mul3A_434 : vector<16xf32> to vector<1x16xf32>
        tpu.vector_store %arg9[%swap3A_435, %swap3A_436], %swap3A_439 {strides = array<i32>} : memref<400x64xf32, #tpu.memory_space<vmem>>, vector<1x16xf32>,
        %get3A_440 = arith.index_cast %add3A_403 : i32 to index
        %get3A_441 = arith.constant 48 : index
        %get3A_442 = tpu.vector_load %arg9[%get3A_440, %get3A_441] {strides = array<i32>} : memref<400x64xf32, #tpu.memory_space<vmem>>, vector<1x16xf32>,
        %get3A_443 = vector.shape_cast %get3A_442 : vector<1x16xf32> to vector<16xf32>
        %mul3A_444 = arith.constant 8.000000e+00 : f32
        %mul3A_445 = vector.broadcast %mul3A_444 : f32 to vector<16xf32>
        %mul3A_446 = arith.mulf %get3A_443, %mul3A_445 : vector<16xf32>
        %swap3A_447 = arith.index_cast %add3A_403 : i32 to index
        %swap3A_448 = arith.constant 48 : index
        %swap3A_449 = tpu.vector_load %arg9[%swap3A_447, %swap3A_448] {strides = array<i32>} : memref<400x64xf32, #tpu.memory_space<vmem>>, vector<1x16xf32>,
        %swap3A_450 = vector.shape_cast %swap3A_449 : vector<1x16xf32> to vector<16xf32>
        %swap3A_451 = vector.shape_cast %mul3A_446 : vector<16xf32> to vector<1x16xf32>
        tpu.vector_store %arg9[%swap3A_447, %swap3A_448], %swap3A_451 {strides = array<i32>} : memref<400x64xf32, #tpu.memory_space<vmem>>, vector<1x16xf32>,
        %scan3A_452 = arith.constant 5 : i32
        %scan3A_453 = arith.addi %scan3A_185, %scan3A_452 : i32
        %mul3A_454 = arith.constant 1 : i32
        %mul3A_455 = arith.muli %scan3A_453, %mul3A_454 : i32
        %add3A_456 = arith.constant 0 : i32
        %add3A_457 = arith.addi %add3A_456, %mul3A_455 : i32
        %get3A_458 = arith.index_cast %add3A_457 : i32 to index
        %get3A_459 = arith.constant 0 : index
        %get3A_460 = tpu.vector_load %arg9[%get3A_458, %get3A_459] {strides = array<i32>} : memref<400x64xf32, #tpu.memory_space<vmem>>, vector<1x16xf32>,
        %get3A_461 = vector.shape_cast %get3A_460 : vector<1x16xf32> to vector<16xf32>
        %mul3A_462 = arith.constant 8.000000e+00 : f32
        %mul3A_463 = vector.broadcast %mul3A_462 : f32 to vector<16xf32>
        %mul3A_464 = arith.mulf %get3A_461, %mul3A_463 : vector<16xf32>
        %swap3A_465 = arith.index_cast %add3A_457 : i32 to index
        %swap3A_466 = arith.constant 0 : index
        %swap3A_467 = tpu.vector_load %arg9[%swap3A_465, %swap3A_466] {strides = array<i32>} : memref<400x64xf32, #tpu.memory_space<vmem>>, vector<1x16xf32>,
        %swap3A_468 = vector.shape_cast %swap3A_467 : vector<1x16xf32> to vector<16xf32>
        %swap3A_469 = vector.shape_cast %mul3A_464 : vector<16xf32> to vector<1x16xf32>
        tpu.vector_store %arg9[%swap3A_465, %swap3A_466], %swap3A_469 {strides = array<i32>} : memref<400x64xf32, #tpu.memory_space<vmem>>, vector<1x16xf32>,
        %get3A_470 = arith.index_cast %add3A_457 : i32 to index
        %get3A_471 = arith.constant 16 : index
        %get3A_472 = tpu.vector_load %arg9[%get3A_470, %get3A_471] {strides = array<i32>} : memref<400x64xf32, #tpu.memory_space<vmem>>, vector<1x16xf32>,
        %get3A_473 = vector.shape_cast %get3A_472 : vector<1x16xf32> to vector<16xf32>
        %mul3A_474 = arith.constant 8.000000e+00 : f32
        %mul3A_475 = vector.broadcast %mul3A_474 : f32 to vector<16xf32>
        %mul3A_476 = arith.mulf %get3A_473, %mul3A_475 : vector<16xf32>
        %swap3A_477 = arith.index_cast %add3A_457 : i32 to index
        %swap3A_478 = arith.constant 16 : index
        %swap3A_479 = tpu.vector_load %arg9[%swap3A_477, %swap3A_478] {strides = array<i32>} : memref<400x64xf32, #tpu.memory_space<vmem>>, vector<1x16xf32>,
        %swap3A_480 = vector.shape_cast %swap3A_479 : vector<1x16xf32> to vector<16xf32>
        %swap3A_481 = vector.shape_cast %mul3A_476 : vector<16xf32> to vector<1x16xf32>
        tpu.vector_store %arg9[%swap3A_477, %swap3A_478], %swap3A_481 {strides = array<i32>} : memref<400x64xf32, #tpu.memory_space<vmem>>, vector<1x16xf32>,
        %get3A_482 = arith.index_cast %add3A_457 : i32 to index
        %get3A_483 = arith.constant 32 : index
        %get3A_484 = tpu.vector_load %arg9[%get3A_482, %get3A_483] {strides = array<i32>} : memref<400x64xf32, #tpu.memory_space<vmem>>, vector<1x16xf32>,
        %get3A_485 = vector.shape_cast %get3A_484 : vector<1x16xf32> to vector<16xf32>
        %mul3A_486 = arith.constant 8.000000e+00 : f32
        %mul3A_487 = vector.broadcast %mul3A_486 : f32 to vector<16xf32>
        %mul3A_488 = arith.mulf %get3A_485, %mul3A_487 : vector<16xf32>
        %swap3A_489 = arith.index_cast %add3A_457 : i32 to index
        %swap3A_490 = arith.constant 32 : index
        %swap3A_491 = tpu.vector_load %arg9[%swap3A_489, %swap3A_490] {strides = array<i32>} : memref<400x64xf32, #tpu.memory_space<vmem>>, vector<1x16xf32>,
        %swap3A_492 = vector.shape_cast %swap3A_491 : vector<1x16xf32> to vector<16xf32>
        %swap3A_493 = vector.shape_cast %mul3A_488 : vector<16xf32> to vector<1x16xf32>
        tpu.vector_store %arg9[%swap3A_489, %swap3A_490], %swap3A_493 {strides = array<i32>} : memref<400x64xf32, #tpu.memory_space<vmem>>, vector<1x16xf32>,
        %get3A_494 = arith.index_cast %add3A_457 : i32 to index
        %get3A_495 = arith.constant 48 : index
        %get3A_496 = tpu.vector_load %arg9[%get3A_494, %get3A_495] {strides = array<i32>} : memref<400x64xf32, #tpu.memory_space<vmem>>, vector<1x16xf32>,
        %get3A_497 = vector.shape_cast %get3A_496 : vector<1x16xf32> to vector<16xf32>
        %mul3A_498 = arith.constant 8.000000e+00 : f32
        %mul3A_499 = vector.broadcast %mul3A_498 : f32 to vector<16xf32>
        %mul3A_500 = arith.mulf %get3A_497, %mul3A_499 : vector<16xf32>
        %swap3A_501 = arith.index_cast %add3A_457 : i32 to index
        %swap3A_502 = arith.constant 48 : index
        %swap3A_503 = tpu.vector_load %arg9[%swap3A_501, %swap3A_502] {strides = array<i32>} : memref<400x64xf32, #tpu.memory_space<vmem>>, vector<1x16xf32>,
        %swap3A_504 = vector.shape_cast %swap3A_503 : vector<1x16xf32> to vector<16xf32>
        %swap3A_505 = vector.shape_cast %mul3A_500 : vector<16xf32> to vector<1x16xf32>
        tpu.vector_store %arg9[%swap3A_501, %swap3A_502], %swap3A_505 {strides = array<i32>} : memref<400x64xf32, #tpu.memory_space<vmem>>, vector<1x16xf32>,
        %scan3A_506 = arith.constant 6 : i32
        %scan3A_507 = arith.addi %scan3A_185, %scan3A_506 : i32
        %mul3A_508 = arith.constant 1 : i32
        %mul3A_509 = arith.muli %scan3A_507, %mul3A_508 : i32
        %add3A_510 = arith.constant 0 : i32
        %add3A_511 = arith.addi %add3A_510, %mul3A_509 : i32
        %get3A_512 = arith.index_cast %add3A_511 : i32 to index
        %get3A_513 = arith.constant 0 : index
        %get3A_514 = tpu.vector_load %arg9[%get3A_512, %get3A_513] {strides = array<i32>} : memref<400x64xf32, #tpu.memory_space<vmem>>, vector<1x16xf32>,
        %get3A_515 = vector.shape_cast %get3A_514 : vector<1x16xf32> to vector<16xf32>
        %mul3A_516 = arith.constant 8.000000e+00 : f32
        %mul3A_517 = vector.broadcast %mul3A_516 : f32 to vector<16xf32>
        %mul3A_518 = arith.mulf %get3A_515, %mul3A_517 : vector<16xf32>
        %swap3A_519 = arith.index_cast %add3A_511 : i32 to index
        %swap3A_520 = arith.constant 0 : index
        %swap3A_521 = tpu.vector_load %arg9[%swap3A_519, %swap3A_520] {strides = array<i32>} : memref<400x64xf32, #tpu.memory_space<vmem>>, vector<1x16xf32>,
        %swap3A_522 = vector.shape_cast %swap3A_521 : vector<1x16xf32> to vector<16xf32>
        %swap3A_523 = vector.shape_cast %mul3A_518 : vector<16xf32> to vector<1x16xf32>
        tpu.vector_store %arg9[%swap3A_519, %swap3A_520], %swap3A_523 {strides = array<i32>} : memref<400x64xf32, #tpu.memory_space<vmem>>, vector<1x16xf32>,
        %get3A_524 = arith.index_cast %add3A_511 : i32 to index
        %get3A_525 = arith.constant 16 : index
        %get3A_526 = tpu.vector_load %arg9[%get3A_524, %get3A_525] {strides = array<i32>} : memref<400x64xf32, #tpu.memory_space<vmem>>, vector<1x16xf32>,
        %get3A_527 = vector.shape_cast %get3A_526 : vector<1x16xf32> to vector<16xf32>
        %mul3A_528 = arith.constant 8.000000e+00 : f32
        %mul3A_529 = vector.broadcast %mul3A_528 : f32 to vector<16xf32>
        %mul3A_530 = arith.mulf %get3A_527, %mul3A_529 : vector<16xf32>
        %swap3A_531 = arith.index_cast %add3A_511 : i32 to index
        %swap3A_532 = arith.constant 16 : index
        %swap3A_533 = tpu.vector_load %arg9[%swap3A_531, %swap3A_532] {strides = array<i32>} : memref<400x64xf32, #tpu.memory_space<vmem>>, vector<1x16xf32>,
        %swap3A_534 = vector.shape_cast %swap3A_533 : vector<1x16xf32> to vector<16xf32>
        %swap3A_535 = vector.shape_cast %mul3A_530 : vector<16xf32> to vector<1x16xf32>
        tpu.vector_store %arg9[%swap3A_531, %swap3A_532], %swap3A_535 {strides = array<i32>} : memref<400x64xf32, #tpu.memory_space<vmem>>, vector<1x16xf32>,
        %get3A_536 = arith.index_cast %add3A_511 : i32 to index
        %get3A_537 = arith.constant 32 : index
        %get3A_538 = tpu.vector_load %arg9[%get3A_536, %get3A_537] {strides = array<i32>} : memref<400x64xf32, #tpu.memory_space<vmem>>, vector<1x16xf32>,
        %get3A_539 = vector.shape_cast %get3A_538 : vector<1x16xf32> to vector<16xf32>
        %mul3A_540 = arith.constant 8.000000e+00 : f32
        %mul3A_541 = vector.broadcast %mul3A_540 : f32 to vector<16xf32>
        %mul3A_542 = arith.mulf %get3A_539, %mul3A_541 : vector<16xf32>
        %swap3A_543 = arith.index_cast %add3A_511 : i32 to index
        %swap3A_544 = arith.constant 32 : index
        %swap3A_545 = tpu.vector_load %arg9[%swap3A_543, %swap3A_544] {strides = array<i32>} : memref<400x64xf32, #tpu.memory_space<vmem>>, vector<1x16xf32>,
        %swap3A_546 = vector.shape_cast %swap3A_545 : vector<1x16xf32> to vector<16xf32>
        %swap3A_547 = vector.shape_cast %mul3A_542 : vector<16xf32> to vector<1x16xf32>
        tpu.vector_store %arg9[%swap3A_543, %swap3A_544], %swap3A_547 {strides = array<i32>} : memref<400x64xf32, #tpu.memory_space<vmem>>, vector<1x16xf32>,
        %get3A_548 = arith.index_cast %add3A_511 : i32 to index
        %get3A_549 = arith.constant 48 : index
        %get3A_550 = tpu.vector_load %arg9[%get3A_548, %get3A_549] {strides = array<i32>} : memref<400x64xf32, #tpu.memory_space<vmem>>, vector<1x16xf32>,
        %get3A_551 = vector.shape_cast %get3A_550 : vector<1x16xf32> to vector<16xf32>
        %mul3A_552 = arith.constant 8.000000e+00 : f32
        %mul3A_553 = vector.broadcast %mul3A_552 : f32 to vector<16xf32>
        %mul3A_554 = arith.mulf %get3A_551, %mul3A_553 : vector<16xf32>
        %swap3A_555 = arith.index_cast %add3A_511 : i32 to index
        %swap3A_556 = arith.constant 48 : index
        %swap3A_557 = tpu.vector_load %arg9[%swap3A_555, %swap3A_556] {strides = array<i32>} : memref<400x64xf32, #tpu.memory_space<vmem>>, vector<1x16xf32>,
        %swap3A_558 = vector.shape_cast %swap3A_557 : vector<1x16xf32> to vector<16xf32>
        %swap3A_559 = vector.shape_cast %mul3A_554 : vector<16xf32> to vector<1x16xf32>
        tpu.vector_store %arg9[%swap3A_555, %swap3A_556], %swap3A_559 {strides = array<i32>} : memref<400x64xf32, #tpu.memory_space<vmem>>, vector<1x16xf32>,
        %scan3A_560 = arith.constant 7 : i32
        %scan3A_561 = arith.addi %scan3A_185, %scan3A_560 : i32
        %mul3A_562 = arith.constant 1 : i32
        %mul3A_563 = arith.muli %scan3A_561, %mul3A_562 : i32
        %add3A_564 = arith.constant 0 : i32
        %add3A_565 = arith.addi %add3A_564, %mul3A_563 : i32
        %get3A_566 = arith.index_cast %add3A_565 : i32 to index
        %get3A_567 = arith.constant 0 : index
        %get3A_568 = tpu.vector_load %arg9[%get3A_566, %get3A_567] {strides = array<i32>} : memref<400x64xf32, #tpu.memory_space<vmem>>, vector<1x16xf32>,
        %get3A_569 = vector.shape_cast %get3A_568 : vector<1x16xf32> to vector<16xf32>
        %mul3A_570 = arith.constant 8.000000e+00 : f32
        %mul3A_571 = vector.broadcast %mul3A_570 : f32 to vector<16xf32>
        %mul3A_572 = arith.mulf %get3A_569, %mul3A_571 : vector<16xf32>
        %swap3A_573 = arith.index_cast %add3A_565 : i32 to index
        %swap3A_574 = arith.constant 0 : index
        %swap3A_575 = tpu.vector_load %arg9[%swap3A_573, %swap3A_574] {strides = array<i32>} : memref<400x64xf32, #tpu.memory_space<vmem>>, vector<1x16xf32>,
        %swap3A_576 = vector.shape_cast %swap3A_575 : vector<1x16xf32> to vector<16xf32>
        %swap3A_577 = vector.shape_cast %mul3A_572 : vector<16xf32> to vector<1x16xf32>
        tpu.vector_store %arg9[%swap3A_573, %swap3A_574], %swap3A_577 {strides = array<i32>} : memref<400x64xf32, #tpu.memory_space<vmem>>, vector<1x16xf32>,
        %get3A_578 = arith.index_cast %add3A_565 : i32 to index
        %get3A_579 = arith.constant 16 : index
        %get3A_580 = tpu.vector_load %arg9[%get3A_578, %get3A_579] {strides = array<i32>} : memref<400x64xf32, #tpu.memory_space<vmem>>, vector<1x16xf32>,
        %get3A_581 = vector.shape_cast %get3A_580 : vector<1x16xf32> to vector<16xf32>
        %mul3A_582 = arith.constant 8.000000e+00 : f32
        %mul3A_583 = vector.broadcast %mul3A_582 : f32 to vector<16xf32>
        %mul3A_584 = arith.mulf %get3A_581, %mul3A_583 : vector<16xf32>
        %swap3A_585 = arith.index_cast %add3A_565 : i32 to index
        %swap3A_586 = arith.constant 16 : index
        %swap3A_587 = tpu.vector_load %arg9[%swap3A_585, %swap3A_586] {strides = array<i32>} : memref<400x64xf32, #tpu.memory_space<vmem>>, vector<1x16xf32>,
        %swap3A_588 = vector.shape_cast %swap3A_587 : vector<1x16xf32> to vector<16xf32>
        %swap3A_589 = vector.shape_cast %mul3A_584 : vector<16xf32> to vector<1x16xf32>
        tpu.vector_store %arg9[%swap3A_585, %swap3A_586], %swap3A_589 {strides = array<i32>} : memref<400x64xf32, #tpu.memory_space<vmem>>, vector<1x16xf32>,
        %get3A_590 = arith.index_cast %add3A_565 : i32 to index
        %get3A_591 = arith.constant 32 : index
        %get3A_592 = tpu.vector_load %arg9[%get3A_590, %get3A_591] {strides = array<i32>} : memref<400x64xf32, #tpu.memory_space<vmem>>, vector<1x16xf32>,
        %get3A_593 = vector.shape_cast %get3A_592 : vector<1x16xf32> to vector<16xf32>
        %mul3A_594 = arith.constant 8.000000e+00 : f32
        %mul3A_595 = vector.broadcast %mul3A_594 : f32 to vector<16xf32>
        %mul3A_596 = arith.mulf %get3A_593, %mul3A_595 : vector<16xf32>
        %swap3A_597 = arith.index_cast %add3A_565 : i32 to index
        %swap3A_598 = arith.constant 32 : index
        %swap3A_599 = tpu.vector_load %arg9[%swap3A_597, %swap3A_598] {strides = array<i32>} : memref<400x64xf32, #tpu.memory_space<vmem>>, vector<1x16xf32>,
        %swap3A_600 = vector.shape_cast %swap3A_599 : vector<1x16xf32> to vector<16xf32>
        %swap3A_601 = vector.shape_cast %mul3A_596 : vector<16xf32> to vector<1x16xf32>
        tpu.vector_store %arg9[%swap3A_597, %swap3A_598], %swap3A_601 {strides = array<i32>} : memref<400x64xf32, #tpu.memory_space<vmem>>, vector<1x16xf32>,
        %get3A_602 = arith.index_cast %add3A_565 : i32 to index
        %get3A_603 = arith.constant 48 : index
        %get3A_604 = tpu.vector_load %arg9[%get3A_602, %get3A_603] {strides = array<i32>} : memref<400x64xf32, #tpu.memory_space<vmem>>, vector<1x16xf32>,
        %get3A_605 = vector.shape_cast %get3A_604 : vector<1x16xf32> to vector<16xf32>
        %mul3A_606 = arith.constant 8.000000e+00 : f32
        %mul3A_607 = vector.broadcast %mul3A_606 : f32 to vector<16xf32>
        %mul3A_608 = arith.mulf %get3A_605, %mul3A_607 : vector<16xf32>
        %swap3A_609 = arith.index_cast %add3A_565 : i32 to index
        %swap3A_610 = arith.constant 48 : index
        %swap3A_611 = tpu.vector_load %arg9[%swap3A_609, %swap3A_610] {strides = array<i32>} : memref<400x64xf32, #tpu.memory_space<vmem>>, vector<1x16xf32>,
        %swap3A_612 = vector.shape_cast %swap3A_611 : vector<1x16xf32> to vector<16xf32>
        %swap3A_613 = vector.shape_cast %mul3A_608 : vector<16xf32> to vector<1x16xf32>
        tpu.vector_store %arg9[%swap3A_609, %swap3A_610], %swap3A_613 {strides = array<i32>} : memref<400x64xf32, #tpu.memory_space<vmem>>, vector<1x16xf32>,
      }
      %scan3A_84 = arith.constant 400 : i32
      %mul3A_85 = arith.constant 400 : i32
      %mul3A_86 = arith.muli %add3A_65, %mul3A_85 : i32
      %add3A_87 = arith.addi %mul3A_2, %mul3A_86 : i32
      %dma_start3A_88 = arith.constant 0 : i32
      %dma_start3A_89 = tpu.memref_slice %arg4[%add3A_87, %dma_start3A_88] : memref<3276800x128xf32, #tpu.memory_space<hbm>> -> memref<400x64xf32, #tpu.memory_space<hbm>>
      %dma_start3A_90 = arith.constant 0 : i32
      %dma_start3A_91 = tpu.memref_slice %arg4[%add3A_87, %dma_start3A_90] : memref<3276800x128xf32, #tpu.memory_space<hbm>> -> memref<400x64xf32, #tpu.memory_space<hbm>>
      tpu.enqueue_dma source(%arg9 : memref<400x64xf32, #tpu.memory_space<vmem>>) target(%dma_start3A_91 : memref<400x64xf32, #tpu.memory_space<hbm>>) target_semaphore(%arg21 : memref<!tpu.dma_semaphore, #tpu.memory_space<semaphore_mem>>)
      %add3A_92 = arith.constant 1 : i32
      %add3A_93 = arith.addi %add3A_63, %add3A_92 : i32
      %add3A_94 = arith.constant 2 : i32
      %add3A_95 = arith.addi %add3A_93, %add3A_94 : i32
      %lt3A_96 = arith.constant 256 : i32
      %lt3A_97 = arith.cmpi slt, %add3A_95, %lt3A_96 : i32
      %convert_element_type3A_98 = arith.extui %lt3A_97 : i1 to i32
      %cond3A_99 = arith.constant 0 : i32
      %cond3A_100 = arith.cmpi ne, %convert_element_type3A_98, %cond3A_99 : i32
      scf.if %cond3A_100 {
        %dma_wait3A_185 = arith.constant 0 : i32
        %dma_wait3A_186 = tpu.memref_slice %arg3[%dma_wait3A_185] : memref<3276800xi32, #tpu.memory_space<hbm>> -> memref<400xi32, #tpu.memory_space<hbm>>
        %dma_wait3A_187 = arith.constant 0 : i32
        %dma_wait3A_188 = tpu.memref_slice %arg3[%dma_wait3A_187] : memref<3276800xi32, #tpu.memory_space<hbm>> -> memref<400xi32, #tpu.memory_space<hbm>>
        tpu.wait_dma2 semaphore(%arg16 : memref<!tpu.dma_semaphore, #tpu.memory_space<semaphore_mem>>) src(%dma_wait3A_188 : memref<400xi32, #tpu.memory_space<hbm>>) dst(%arg8 : memref<400xi32, #tpu.memory_space<vmem>>)
        %ge3A = arith.constant 4 : i32
        %ge3A_189 = arith.cmpi sge, %add3A_95, %ge3A : i32
        %convert_element_type3A_190 = arith.extui %ge3A_189 : i1 to i32
        %cond3A_191 = arith.constant 0 : i32
        %cond3A_192 = arith.cmpi ne, %convert_element_type3A_190, %cond3A_191 : i32
        scf.if %cond3A_192 {
          %dma_wait3A_196 = arith.constant 0 : i32
          %dma_wait3A_197 = arith.constant 0 : i32
          %dma_wait3A_198 = tpu.memref_slice %arg4[%dma_wait3A_196, %dma_wait3A_197] : memref<3276800x128xf32, #tpu.memory_space<hbm>> -> memref<400x64xf32, #tpu.memory_space<hbm>>
          %dma_wait3A_199 = arith.constant 0 : i32
          %dma_wait3A_200 = arith.constant 0 : i32
          %dma_wait3A_201 = tpu.memref_slice %arg4[%dma_wait3A_199, %dma_wait3A_200] : memref<3276800x128xf32, #tpu.memory_space<hbm>> -> memref<400x64xf32, #tpu.memory_space<hbm>>
          tpu.wait_dma2 semaphore(%arg24 : memref<!tpu.dma_semaphore, #tpu.memory_space<semaphore_mem>>) src(%arg12 : memref<400x64xf32, #tpu.memory_space<vmem>>) dst(%dma_wait3A_201 : memref<400x64xf32, #tpu.memory_space<hbm>>)
        } else {
        }
        %dma_start3A_193 = arith.constant 0 : i32
        %dma_start3A_194 = arith.constant 0 : i32
        %dma_start3A_195 = tpu.memref_slice %arg2[%dma_start3A_193, %dma_start3A_194] : memref<1000000x64xf32, #tpu.memory_space<hbm>> -> memref<1000000x64xf32, #tpu.memory_space<hbm>>
        tpu.enqueue_indirect_dma source(%dma_start3A_195 : memref<1000000x64xf32, #tpu.memory_space<hbm>>) target(%arg12 : memref<400x64xf32, #tpu.memory_space<vmem>>) offsets(%arg8 : memref<400xi32, #tpu.memory_space<vmem>>) semaphore(%arg20 : memref<!tpu.dma_semaphore, #tpu.memory_space<semaphore_mem>>)
      } else {
      }
      %dma_wait3A_101 = arith.constant 0 : i32
      %dma_wait3A_102 = arith.constant 0 : i32
      %dma_wait3A_103 = tpu.memref_slice %arg2[%dma_wait3A_101, %dma_wait3A_102] : memref<1000000x64xf32, #tpu.memory_space<hbm>> -> memref<1000000x64xf32, #tpu.memory_space<hbm>>
      tpu.wait_indirect_dma semaphore(%arg18 : memref<!tpu.dma_semaphore, #tpu.memory_space<semaphore_mem>>) src(%dma_wait3A_103 : memref<1000000x64xf32, #tpu.memory_space<hbm>>) dst(%arg10 : memref<400x64xf32, #tpu.memory_space<vmem>>)
      %add3A_104 = arith.constant 4 : i32
      %add3A_105 = arith.addi %add3A_93, %add3A_104 : i32
      %lt3A_106 = arith.constant 256 : i32
      %lt3A_107 = arith.cmpi slt, %add3A_105, %lt3A_106 : i32
      %convert_element_type3A_108 = arith.extui %lt3A_107 : i1 to i32
      %cond3A_109 = arith.constant 0 : i32
      %cond3A_110 = arith.cmpi ne, %convert_element_type3A_108, %cond3A_109 : i32
      scf.if %cond3A_110 {
        %add3A_185 = arith.constant 4 : i32
        %add3A_186 = arith.addi %add3A_93, %add3A_185 : i32
        %mul3A_187 = arith.constant 400 : i32
        %mul3A_188 = arith.muli %add3A_186, %mul3A_187 : i32
        %add3A_189 = arith.addi %mul3A_2, %mul3A_188 : i32
        %dma_start3A_190 = tpu.memref_slice %arg3[%add3A_189] : memref<3276800xi32, #tpu.memory_space<hbm>> -> memref<400xi32, #tpu.memory_space<hbm>>
        %dma_start3A_191 = tpu.memref_slice %arg3[%add3A_189] : memref<3276800xi32, #tpu.memory_space<hbm>> -> memref<400xi32, #tpu.memory_space<hbm>>
        tpu.enqueue_dma source(%dma_start3A_191 : memref<400xi32, #tpu.memory_space<hbm>>) target(%arg6 : memref<400xi32, #tpu.memory_space<vmem>>) target_semaphore(%arg14 : memref<!tpu.dma_semaphore, #tpu.memory_space<semaphore_mem>>)
      } else {
      }
      %scan3A_111 = arith.constant 0 : i32
      %scan3A_112 = arith.constant 400 : i32
      %scan3A_113 = arith.addi %scan3A_111, %scan3A_112 : i32
      %scan3A_114 = arith.constant 8 : i32
      scf.for %scan3A_185 = %scan3A_111 to %scan3A_113 step %scan3A_114  : i32 {
        %mul3A_186 = arith.constant 1 : i32
        %mul3A_187 = arith.muli %scan3A_185, %mul3A_186 : i32
        %add3A_188 = arith.constant 0 : i32
        %add3A_189 = arith.addi %add3A_188, %mul3A_187 : i32
        %get3A = arith.index_cast %add3A_189 : i32 to index
        %get3A_190 = arith.constant 0 : index
        %get3A_191 = tpu.vector_load %arg10[%get3A, %get3A_190] {strides = array<i32>} : memref<400x64xf32, #tpu.memory_space<vmem>>, vector<1x16xf32>,
        %get3A_192 = vector.shape_cast %get3A_191 : vector<1x16xf32> to vector<16xf32>
        %mul3A_193 = arith.constant 8.000000e+00 : f32
        %mul3A_194 = vector.broadcast %mul3A_193 : f32 to vector<16xf32>
        %mul3A_195 = arith.mulf %get3A_192, %mul3A_194 : vector<16xf32>
        %swap3A = arith.index_cast %add3A_189 : i32 to index
        %swap3A_196 = arith.constant 0 : index
        %swap3A_197 = tpu.vector_load %arg10[%swap3A, %swap3A_196] {strides = array<i32>} : memref<400x64xf32, #tpu.memory_space<vmem>>, vector<1x16xf32>,
        %swap3A_198 = vector.shape_cast %swap3A_197 : vector<1x16xf32> to vector<16xf32>
        %swap3A_199 = vector.shape_cast %mul3A_195 : vector<16xf32> to vector<1x16xf32>
        tpu.vector_store %arg10[%swap3A, %swap3A_196], %swap3A_199 {strides = array<i32>} : memref<400x64xf32, #tpu.memory_space<vmem>>, vector<1x16xf32>,
        %get3A_200 = arith.index_cast %add3A_189 : i32 to index
        %get3A_201 = arith.constant 16 : index
        %get3A_202 = tpu.vector_load %arg10[%get3A_200, %get3A_201] {strides = array<i32>} : memref<400x64xf32, #tpu.memory_space<vmem>>, vector<1x16xf32>,
        %get3A_203 = vector.shape_cast %get3A_202 : vector<1x16xf32> to vector<16xf32>
        %mul3A_204 = arith.constant 8.000000e+00 : f32
        %mul3A_205 = vector.broadcast %mul3A_204 : f32 to vector<16xf32>
        %mul3A_206 = arith.mulf %get3A_203, %mul3A_205 : vector<16xf32>
        %swap3A_207 = arith.index_cast %add3A_189 : i32 to index
        %swap3A_208 = arith.constant 16 : index
        %swap3A_209 = tpu.vector_load %arg10[%swap3A_207, %swap3A_208] {strides = array<i32>} : memref<400x64xf32, #tpu.memory_space<vmem>>, vector<1x16xf32>,
        %swap3A_210 = vector.shape_cast %swap3A_209 : vector<1x16xf32> to vector<16xf32>
        %swap3A_211 = vector.shape_cast %mul3A_206 : vector<16xf32> to vector<1x16xf32>
        tpu.vector_store %arg10[%swap3A_207, %swap3A_208], %swap3A_211 {strides = array<i32>} : memref<400x64xf32, #tpu.memory_space<vmem>>, vector<1x16xf32>,
        %get3A_212 = arith.index_cast %add3A_189 : i32 to index
        %get3A_213 = arith.constant 32 : index
        %get3A_214 = tpu.vector_load %arg10[%get3A_212, %get3A_213] {strides = array<i32>} : memref<400x64xf32, #tpu.memory_space<vmem>>, vector<1x16xf32>,
        %get3A_215 = vector.shape_cast %get3A_214 : vector<1x16xf32> to vector<16xf32>
        %mul3A_216 = arith.constant 8.000000e+00 : f32
        %mul3A_217 = vector.broadcast %mul3A_216 : f32 to vector<16xf32>
        %mul3A_218 = arith.mulf %get3A_215, %mul3A_217 : vector<16xf32>
        %swap3A_219 = arith.index_cast %add3A_189 : i32 to index
        %swap3A_220 = arith.constant 32 : index
        %swap3A_221 = tpu.vector_load %arg10[%swap3A_219, %swap3A_220] {strides = array<i32>} : memref<400x64xf32, #tpu.memory_space<vmem>>, vector<1x16xf32>,
        %swap3A_222 = vector.shape_cast %swap3A_221 : vector<1x16xf32> to vector<16xf32>
        %swap3A_223 = vector.shape_cast %mul3A_218 : vector<16xf32> to vector<1x16xf32>
        tpu.vector_store %arg10[%swap3A_219, %swap3A_220], %swap3A_223 {strides = array<i32>} : memref<400x64xf32, #tpu.memory_space<vmem>>, vector<1x16xf32>,
        %get3A_224 = arith.index_cast %add3A_189 : i32 to index
        %get3A_225 = arith.constant 48 : index
        %get3A_226 = tpu.vector_load %arg10[%get3A_224, %get3A_225] {strides = array<i32>} : memref<400x64xf32, #tpu.memory_space<vmem>>, vector<1x16xf32>,
        %get3A_227 = vector.shape_cast %get3A_226 : vector<1x16xf32> to vector<16xf32>
        %mul3A_228 = arith.constant 8.000000e+00 : f32
        %mul3A_229 = vector.broadcast %mul3A_228 : f32 to vector<16xf32>
        %mul3A_230 = arith.mulf %get3A_227, %mul3A_229 : vector<16xf32>
        %swap3A_231 = arith.index_cast %add3A_189 : i32 to index
        %swap3A_232 = arith.constant 48 : index
        %swap3A_233 = tpu.vector_load %arg10[%swap3A_231, %swap3A_232] {strides = array<i32>} : memref<400x64xf32, #tpu.memory_space<vmem>>, vector<1x16xf32>,
        %swap3A_234 = vector.shape_cast %swap3A_233 : vector<1x16xf32> to vector<16xf32>
        %swap3A_235 = vector.shape_cast %mul3A_230 : vector<16xf32> to vector<1x16xf32>
        tpu.vector_store %arg10[%swap3A_231, %swap3A_232], %swap3A_235 {strides = array<i32>} : memref<400x64xf32, #tpu.memory_space<vmem>>, vector<1x16xf32>,
        %scan3A_236 = arith.constant 1 : i32
        %scan3A_237 = arith.addi %scan3A_185, %scan3A_236 : i32
        %mul3A_238 = arith.constant 1 : i32
        %mul3A_239 = arith.muli %scan3A_237, %mul3A_238 : i32
        %add3A_240 = arith.constant 0 : i32
        %add3A_241 = arith.addi %add3A_240, %mul3A_239 : i32
        %get3A_242 = arith.index_cast %add3A_241 : i32 to index
        %get3A_243 = arith.constant 0 : index
        %get3A_244 = tpu.vector_load %arg10[%get3A_242, %get3A_243] {strides = array<i32>} : memref<400x64xf32, #tpu.memory_space<vmem>>, vector<1x16xf32>,
        %get3A_245 = vector.shape_cast %get3A_244 : vector<1x16xf32> to vector<16xf32>
        %mul3A_246 = arith.constant 8.000000e+00 : f32
        %mul3A_247 = vector.broadcast %mul3A_246 : f32 to vector<16xf32>
        %mul3A_248 = arith.mulf %get3A_245, %mul3A_247 : vector<16xf32>
        %swap3A_249 = arith.index_cast %add3A_241 : i32 to index
        %swap3A_250 = arith.constant 0 : index
        %swap3A_251 = tpu.vector_load %arg10[%swap3A_249, %swap3A_250] {strides = array<i32>} : memref<400x64xf32, #tpu.memory_space<vmem>>, vector<1x16xf32>,
        %swap3A_252 = vector.shape_cast %swap3A_251 : vector<1x16xf32> to vector<16xf32>
        %swap3A_253 = vector.shape_cast %mul3A_248 : vector<16xf32> to vector<1x16xf32>
        tpu.vector_store %arg10[%swap3A_249, %swap3A_250], %swap3A_253 {strides = array<i32>} : memref<400x64xf32, #tpu.memory_space<vmem>>, vector<1x16xf32>,
        %get3A_254 = arith.index_cast %add3A_241 : i32 to index
        %get3A_255 = arith.constant 16 : index
        %get3A_256 = tpu.vector_load %arg10[%get3A_254, %get3A_255] {strides = array<i32>} : memref<400x64xf32, #tpu.memory_space<vmem>>, vector<1x16xf32>,
        %get3A_257 = vector.shape_cast %get3A_256 : vector<1x16xf32> to vector<16xf32>
        %mul3A_258 = arith.constant 8.000000e+00 : f32
        %mul3A_259 = vector.broadcast %mul3A_258 : f32 to vector<16xf32>
        %mul3A_260 = arith.mulf %get3A_257, %mul3A_259 : vector<16xf32>
        %swap3A_261 = arith.index_cast %add3A_241 : i32 to index
        %swap3A_262 = arith.constant 16 : index
        %swap3A_263 = tpu.vector_load %arg10[%swap3A_261, %swap3A_262] {strides = array<i32>} : memref<400x64xf32, #tpu.memory_space<vmem>>, vector<1x16xf32>,
        %swap3A_264 = vector.shape_cast %swap3A_263 : vector<1x16xf32> to vector<16xf32>
        %swap3A_265 = vector.shape_cast %mul3A_260 : vector<16xf32> to vector<1x16xf32>
        tpu.vector_store %arg10[%swap3A_261, %swap3A_262], %swap3A_265 {strides = array<i32>} : memref<400x64xf32, #tpu.memory_space<vmem>>, vector<1x16xf32>,
        %get3A_266 = arith.index_cast %add3A_241 : i32 to index
        %get3A_267 = arith.constant 32 : index
        %get3A_268 = tpu.vector_load %arg10[%get3A_266, %get3A_267] {strides = array<i32>} : memref<400x64xf32, #tpu.memory_space<vmem>>, vector<1x16xf32>,
        %get3A_269 = vector.shape_cast %get3A_268 : vector<1x16xf32> to vector<16xf32>
        %mul3A_270 = arith.constant 8.000000e+00 : f32
        %mul3A_271 = vector.broadcast %mul3A_270 : f32 to vector<16xf32>
        %mul3A_272 = arith.mulf %get3A_269, %mul3A_271 : vector<16xf32>
        %swap3A_273 = arith.index_cast %add3A_241 : i32 to index
        %swap3A_274 = arith.constant 32 : index
        %swap3A_275 = tpu.vector_load %arg10[%swap3A_273, %swap3A_274] {strides = array<i32>} : memref<400x64xf32, #tpu.memory_space<vmem>>, vector<1x16xf32>,
        %swap3A_276 = vector.shape_cast %swap3A_275 : vector<1x16xf32> to vector<16xf32>
        %swap3A_277 = vector.shape_cast %mul3A_272 : vector<16xf32> to vector<1x16xf32>
        tpu.vector_store %arg10[%swap3A_273, %swap3A_274], %swap3A_277 {strides = array<i32>} : memref<400x64xf32, #tpu.memory_space<vmem>>, vector<1x16xf32>,
        %get3A_278 = arith.index_cast %add3A_241 : i32 to index
        %get3A_279 = arith.constant 48 : index
        %get3A_280 = tpu.vector_load %arg10[%get3A_278, %get3A_279] {strides = array<i32>} : memref<400x64xf32, #tpu.memory_space<vmem>>, vector<1x16xf32>,
        %get3A_281 = vector.shape_cast %get3A_280 : vector<1x16xf32> to vector<16xf32>
        %mul3A_282 = arith.constant 8.000000e+00 : f32
        %mul3A_283 = vector.broadcast %mul3A_282 : f32 to vector<16xf32>
        %mul3A_284 = arith.mulf %get3A_281, %mul3A_283 : vector<16xf32>
        %swap3A_285 = arith.index_cast %add3A_241 : i32 to index
        %swap3A_286 = arith.constant 48 : index
        %swap3A_287 = tpu.vector_load %arg10[%swap3A_285, %swap3A_286] {strides = array<i32>} : memref<400x64xf32, #tpu.memory_space<vmem>>, vector<1x16xf32>,
        %swap3A_288 = vector.shape_cast %swap3A_287 : vector<1x16xf32> to vector<16xf32>
        %swap3A_289 = vector.shape_cast %mul3A_284 : vector<16xf32> to vector<1x16xf32>
        tpu.vector_store %arg10[%swap3A_285, %swap3A_286], %swap3A_289 {strides = array<i32>} : memref<400x64xf32, #tpu.memory_space<vmem>>, vector<1x16xf32>,
        %scan3A_290 = arith.constant 2 : i32
        %scan3A_291 = arith.addi %scan3A_185, %scan3A_290 : i32
        %mul3A_292 = arith.constant 1 : i32
        %mul3A_293 = arith.muli %scan3A_291, %mul3A_292 : i32
        %add3A_294 = arith.constant 0 : i32
        %add3A_295 = arith.addi %add3A_294, %mul3A_293 : i32
        %get3A_296 = arith.index_cast %add3A_295 : i32 to index
        %get3A_297 = arith.constant 0 : index
        %get3A_298 = tpu.vector_load %arg10[%get3A_296, %get3A_297] {strides = array<i32>} : memref<400x64xf32, #tpu.memory_space<vmem>>, vector<1x16xf32>,
        %get3A_299 = vector.shape_cast %get3A_298 : vector<1x16xf32> to vector<16xf32>
        %mul3A_300 = arith.constant 8.000000e+00 : f32
        %mul3A_301 = vector.broadcast %mul3A_300 : f32 to vector<16xf32>
        %mul3A_302 = arith.mulf %get3A_299, %mul3A_301 : vector<16xf32>
        %swap3A_303 = arith.index_cast %add3A_295 : i32 to index
        %swap3A_304 = arith.constant 0 : index
        %swap3A_305 = tpu.vector_load %arg10[%swap3A_303, %swap3A_304] {strides = array<i32>} : memref<400x64xf32, #tpu.memory_space<vmem>>, vector<1x16xf32>,
        %swap3A_306 = vector.shape_cast %swap3A_305 : vector<1x16xf32> to vector<16xf32>
        %swap3A_307 = vector.shape_cast %mul3A_302 : vector<16xf32> to vector<1x16xf32>
        tpu.vector_store %arg10[%swap3A_303, %swap3A_304], %swap3A_307 {strides = array<i32>} : memref<400x64xf32, #tpu.memory_space<vmem>>, vector<1x16xf32>,
        %get3A_308 = arith.index_cast %add3A_295 : i32 to index
        %get3A_309 = arith.constant 16 : index
        %get3A_310 = tpu.vector_load %arg10[%get3A_308, %get3A_309] {strides = array<i32>} : memref<400x64xf32, #tpu.memory_space<vmem>>, vector<1x16xf32>,
        %get3A_311 = vector.shape_cast %get3A_310 : vector<1x16xf32> to vector<16xf32>
        %mul3A_312 = arith.constant 8.000000e+00 : f32
        %mul3A_313 = vector.broadcast %mul3A_312 : f32 to vector<16xf32>
        %mul3A_314 = arith.mulf %get3A_311, %mul3A_313 : vector<16xf32>
        %swap3A_315 = arith.index_cast %add3A_295 : i32 to index
        %swap3A_316 = arith.constant 16 : index
        %swap3A_317 = tpu.vector_load %arg10[%swap3A_315, %swap3A_316] {strides = array<i32>} : memref<400x64xf32, #tpu.memory_space<vmem>>, vector<1x16xf32>,
        %swap3A_318 = vector.shape_cast %swap3A_317 : vector<1x16xf32> to vector<16xf32>
        %swap3A_319 = vector.shape_cast %mul3A_314 : vector<16xf32> to vector<1x16xf32>
        tpu.vector_store %arg10[%swap3A_315, %swap3A_316], %swap3A_319 {strides = array<i32>} : memref<400x64xf32, #tpu.memory_space<vmem>>, vector<1x16xf32>,
        %get3A_320 = arith.index_cast %add3A_295 : i32 to index
        %get3A_321 = arith.constant 32 : index
        %get3A_322 = tpu.vector_load %arg10[%get3A_320, %get3A_321] {strides = array<i32>} : memref<400x64xf32, #tpu.memory_space<vmem>>, vector<1x16xf32>,
        %get3A_323 = vector.shape_cast %get3A_322 : vector<1x16xf32> to vector<16xf32>
        %mul3A_324 = arith.constant 8.000000e+00 : f32
        %mul3A_325 = vector.broadcast %mul3A_324 : f32 to vector<16xf32>
        %mul3A_326 = arith.mulf %get3A_323, %mul3A_325 : vector<16xf32>
        %swap3A_327 = arith.index_cast %add3A_295 : i32 to index
        %swap3A_328 = arith.constant 32 : index
        %swap3A_329 = tpu.vector_load %arg10[%swap3A_327, %swap3A_328] {strides = array<i32>} : memref<400x64xf32, #tpu.memory_space<vmem>>, vector<1x16xf32>,
        %swap3A_330 = vector.shape_cast %swap3A_329 : vector<1x16xf32> to vector<16xf32>
        %swap3A_331 = vector.shape_cast %mul3A_326 : vector<16xf32> to vector<1x16xf32>
        tpu.vector_store %arg10[%swap3A_327, %swap3A_328], %swap3A_331 {strides = array<i32>} : memref<400x64xf32, #tpu.memory_space<vmem>>, vector<1x16xf32>,
        %get3A_332 = arith.index_cast %add3A_295 : i32 to index
        %get3A_333 = arith.constant 48 : index
        %get3A_334 = tpu.vector_load %arg10[%get3A_332, %get3A_333] {strides = array<i32>} : memref<400x64xf32, #tpu.memory_space<vmem>>, vector<1x16xf32>,
        %get3A_335 = vector.shape_cast %get3A_334 : vector<1x16xf32> to vector<16xf32>
        %mul3A_336 = arith.constant 8.000000e+00 : f32
        %mul3A_337 = vector.broadcast %mul3A_336 : f32 to vector<16xf32>
        %mul3A_338 = arith.mulf %get3A_335, %mul3A_337 : vector<16xf32>
        %swap3A_339 = arith.index_cast %add3A_295 : i32 to index
        %swap3A_340 = arith.constant 48 : index
        %swap3A_341 = tpu.vector_load %arg10[%swap3A_339, %swap3A_340] {strides = array<i32>} : memref<400x64xf32, #tpu.memory_space<vmem>>, vector<1x16xf32>,
        %swap3A_342 = vector.shape_cast %swap3A_341 : vector<1x16xf32> to vector<16xf32>
        %swap3A_343 = vector.shape_cast %mul3A_338 : vector<16xf32> to vector<1x16xf32>
        tpu.vector_store %arg10[%swap3A_339, %swap3A_340], %swap3A_343 {strides = array<i32>} : memref<400x64xf32, #tpu.memory_space<vmem>>, vector<1x16xf32>,
        %scan3A_344 = arith.constant 3 : i32
        %scan3A_345 = arith.addi %scan3A_185, %scan3A_344 : i32
        %mul3A_346 = arith.constant 1 : i32
        %mul3A_347 = arith.muli %scan3A_345, %mul3A_346 : i32
        %add3A_348 = arith.constant 0 : i32
        %add3A_349 = arith.addi %add3A_348, %mul3A_347 : i32
        %get3A_350 = arith.index_cast %add3A_349 : i32 to index
        %get3A_351 = arith.constant 0 : index
        %get3A_352 = tpu.vector_load %arg10[%get3A_350, %get3A_351] {strides = array<i32>} : memref<400x64xf32, #tpu.memory_space<vmem>>, vector<1x16xf32>,
        %get3A_353 = vector.shape_cast %get3A_352 : vector<1x16xf32> to vector<16xf32>
        %mul3A_354 = arith.constant 8.000000e+00 : f32
        %mul3A_355 = vector.broadcast %mul3A_354 : f32 to vector<16xf32>
        %mul3A_356 = arith.mulf %get3A_353, %mul3A_355 : vector<16xf32>
        %swap3A_357 = arith.index_cast %add3A_349 : i32 to index
        %swap3A_358 = arith.constant 0 : index
        %swap3A_359 = tpu.vector_load %arg10[%swap3A_357, %swap3A_358] {strides = array<i32>} : memref<400x64xf32, #tpu.memory_space<vmem>>, vector<1x16xf32>,
        %swap3A_360 = vector.shape_cast %swap3A_359 : vector<1x16xf32> to vector<16xf32>
        %swap3A_361 = vector.shape_cast %mul3A_356 : vector<16xf32> to vector<1x16xf32>
        tpu.vector_store %arg10[%swap3A_357, %swap3A_358], %swap3A_361 {strides = array<i32>} : memref<400x64xf32, #tpu.memory_space<vmem>>, vector<1x16xf32>,
        %get3A_362 = arith.index_cast %add3A_349 : i32 to index
        %get3A_363 = arith.constant 16 : index
        %get3A_364 = tpu.vector_load %arg10[%get3A_362, %get3A_363] {strides = array<i32>} : memref<400x64xf32, #tpu.memory_space<vmem>>, vector<1x16xf32>,
        %get3A_365 = vector.shape_cast %get3A_364 : vector<1x16xf32> to vector<16xf32>
        %mul3A_366 = arith.constant 8.000000e+00 : f32
        %mul3A_367 = vector.broadcast %mul3A_366 : f32 to vector<16xf32>
        %mul3A_368 = arith.mulf %get3A_365, %mul3A_367 : vector<16xf32>
        %swap3A_369 = arith.index_cast %add3A_349 : i32 to index
        %swap3A_370 = arith.constant 16 : index
        %swap3A_371 = tpu.vector_load %arg10[%swap3A_369, %swap3A_370] {strides = array<i32>} : memref<400x64xf32, #tpu.memory_space<vmem>>, vector<1x16xf32>,
        %swap3A_372 = vector.shape_cast %swap3A_371 : vector<1x16xf32> to vector<16xf32>
        %swap3A_373 = vector.shape_cast %mul3A_368 : vector<16xf32> to vector<1x16xf32>
        tpu.vector_store %arg10[%swap3A_369, %swap3A_370], %swap3A_373 {strides = array<i32>} : memref<400x64xf32, #tpu.memory_space<vmem>>, vector<1x16xf32>,
        %get3A_374 = arith.index_cast %add3A_349 : i32 to index
        %get3A_375 = arith.constant 32 : index
        %get3A_376 = tpu.vector_load %arg10[%get3A_374, %get3A_375] {strides = array<i32>} : memref<400x64xf32, #tpu.memory_space<vmem>>, vector<1x16xf32>,
        %get3A_377 = vector.shape_cast %get3A_376 : vector<1x16xf32> to vector<16xf32>
        %mul3A_378 = arith.constant 8.000000e+00 : f32
        %mul3A_379 = vector.broadcast %mul3A_378 : f32 to vector<16xf32>
        %mul3A_380 = arith.mulf %get3A_377, %mul3A_379 : vector<16xf32>
        %swap3A_381 = arith.index_cast %add3A_349 : i32 to index
        %swap3A_382 = arith.constant 32 : index
        %swap3A_383 = tpu.vector_load %arg10[%swap3A_381, %swap3A_382] {strides = array<i32>} : memref<400x64xf32, #tpu.memory_space<vmem>>, vector<1x16xf32>,
        %swap3A_384 = vector.shape_cast %swap3A_383 : vector<1x16xf32> to vector<16xf32>
        %swap3A_385 = vector.shape_cast %mul3A_380 : vector<16xf32> to vector<1x16xf32>
        tpu.vector_store %arg10[%swap3A_381, %swap3A_382], %swap3A_385 {strides = array<i32>} : memref<400x64xf32, #tpu.memory_space<vmem>>, vector<1x16xf32>,
        %get3A_386 = arith.index_cast %add3A_349 : i32 to index
        %get3A_387 = arith.constant 48 : index
        %get3A_388 = tpu.vector_load %arg10[%get3A_386, %get3A_387] {strides = array<i32>} : memref<400x64xf32, #tpu.memory_space<vmem>>, vector<1x16xf32>,
        %get3A_389 = vector.shape_cast %get3A_388 : vector<1x16xf32> to vector<16xf32>
        %mul3A_390 = arith.constant 8.000000e+00 : f32
        %mul3A_391 = vector.broadcast %mul3A_390 : f32 to vector<16xf32>
        %mul3A_392 = arith.mulf %get3A_389, %mul3A_391 : vector<16xf32>
        %swap3A_393 = arith.index_cast %add3A_349 : i32 to index
        %swap3A_394 = arith.constant 48 : index
        %swap3A_395 = tpu.vector_load %arg10[%swap3A_393, %swap3A_394] {strides = array<i32>} : memref<400x64xf32, #tpu.memory_space<vmem>>, vector<1x16xf32>,
        %swap3A_396 = vector.shape_cast %swap3A_395 : vector<1x16xf32> to vector<16xf32>
        %swap3A_397 = vector.shape_cast %mul3A_392 : vector<16xf32> to vector<1x16xf32>
        tpu.vector_store %arg10[%swap3A_393, %swap3A_394], %swap3A_397 {strides = array<i32>} : memref<400x64xf32, #tpu.memory_space<vmem>>, vector<1x16xf32>,
        %scan3A_398 = arith.constant 4 : i32
        %scan3A_399 = arith.addi %scan3A_185, %scan3A_398 : i32
        %mul3A_400 = arith.constant 1 : i32
        %mul3A_401 = arith.muli %scan3A_399, %mul3A_400 : i32
        %add3A_402 = arith.constant 0 : i32
        %add3A_403 = arith.addi %add3A_402, %mul3A_401 : i32
        %get3A_404 = arith.index_cast %add3A_403 : i32 to index
        %get3A_405 = arith.constant 0 : index
        %get3A_406 = tpu.vector_load %arg10[%get3A_404, %get3A_405] {strides = array<i32>} : memref<400x64xf32, #tpu.memory_space<vmem>>, vector<1x16xf32>,
        %get3A_407 = vector.shape_cast %get3A_406 : vector<1x16xf32> to vector<16xf32>
        %mul3A_408 = arith.constant 8.000000e+00 : f32
        %mul3A_409 = vector.broadcast %mul3A_408 : f32 to vector<16xf32>
        %mul3A_410 = arith.mulf %get3A_407, %mul3A_409 : vector<16xf32>
        %swap3A_411 = arith.index_cast %add3A_403 : i32 to index
        %swap3A_412 = arith.constant 0 : index
        %swap3A_413 = tpu.vector_load %arg10[%swap3A_411, %swap3A_412] {strides = array<i32>} : memref<400x64xf32, #tpu.memory_space<vmem>>, vector<1x16xf32>,
        %swap3A_414 = vector.shape_cast %swap3A_413 : vector<1x16xf32> to vector<16xf32>
        %swap3A_415 = vector.shape_cast %mul3A_410 : vector<16xf32> to vector<1x16xf32>
        tpu.vector_store %arg10[%swap3A_411, %swap3A_412], %swap3A_415 {strides = array<i32>} : memref<400x64xf32, #tpu.memory_space<vmem>>, vector<1x16xf32>,
        %get3A_416 = arith.index_cast %add3A_403 : i32 to index
        %get3A_417 = arith.constant 16 : index
        %get3A_418 = tpu.vector_load %arg10[%get3A_416, %get3A_417] {strides = array<i32>} : memref<400x64xf32, #tpu.memory_space<vmem>>, vector<1x16xf32>,
        %get3A_419 = vector.shape_cast %get3A_418 : vector<1x16xf32> to vector<16xf32>
        %mul3A_420 = arith.constant 8.000000e+00 : f32
        %mul3A_421 = vector.broadcast %mul3A_420 : f32 to vector<16xf32>
        %mul3A_422 = arith.mulf %get3A_419, %mul3A_421 : vector<16xf32>
        %swap3A_423 = arith.index_cast %add3A_403 : i32 to index
        %swap3A_424 = arith.constant 16 : index
        %swap3A_425 = tpu.vector_load %arg10[%swap3A_423, %swap3A_424] {strides = array<i32>} : memref<400x64xf32, #tpu.memory_space<vmem>>, vector<1x16xf32>,
        %swap3A_426 = vector.shape_cast %swap3A_425 : vector<1x16xf32> to vector<16xf32>
        %swap3A_427 = vector.shape_cast %mul3A_422 : vector<16xf32> to vector<1x16xf32>
        tpu.vector_store %arg10[%swap3A_423, %swap3A_424], %swap3A_427 {strides = array<i32>} : memref<400x64xf32, #tpu.memory_space<vmem>>, vector<1x16xf32>,
        %get3A_428 = arith.index_cast %add3A_403 : i32 to index
        %get3A_429 = arith.constant 32 : index
        %get3A_430 = tpu.vector_load %arg10[%get3A_428, %get3A_429] {strides = array<i32>} : memref<400x64xf32, #tpu.memory_space<vmem>>, vector<1x16xf32>,
        %get3A_431 = vector.shape_cast %get3A_430 : vector<1x16xf32> to vector<16xf32>
        %mul3A_432 = arith.constant 8.000000e+00 : f32
        %mul3A_433 = vector.broadcast %mul3A_432 : f32 to vector<16xf32>
        %mul3A_434 = arith.mulf %get3A_431, %mul3A_433 : vector<16xf32>
        %swap3A_435 = arith.index_cast %add3A_403 : i32 to index
        %swap3A_436 = arith.constant 32 : index
        %swap3A_437 = tpu.vector_load %arg10[%swap3A_435, %swap3A_436] {strides = array<i32>} : memref<400x64xf32, #tpu.memory_space<vmem>>, vector<1x16xf32>,
        %swap3A_438 = vector.shape_cast %swap3A_437 : vector<1x16xf32> to vector<16xf32>
        %swap3A_439 = vector.shape_cast %mul3A_434 : vector<16xf32> to vector<1x16xf32>
        tpu.vector_store %arg10[%swap3A_435, %swap3A_436], %swap3A_439 {strides = array<i32>} : memref<400x64xf32, #tpu.memory_space<vmem>>, vector<1x16xf32>,
        %get3A_440 = arith.index_cast %add3A_403 : i32 to index
        %get3A_441 = arith.constant 48 : index
        %get3A_442 = tpu.vector_load %arg10[%get3A_440, %get3A_441] {strides = array<i32>} : memref<400x64xf32, #tpu.memory_space<vmem>>, vector<1x16xf32>,
        %get3A_443 = vector.shape_cast %get3A_442 : vector<1x16xf32> to vector<16xf32>
        %mul3A_444 = arith.constant 8.000000e+00 : f32
        %mul3A_445 = vector.broadcast %mul3A_444 : f32 to vector<16xf32>
        %mul3A_446 = arith.mulf %get3A_443, %mul3A_445 : vector<16xf32>
        %swap3A_447 = arith.index_cast %add3A_403 : i32 to index
        %swap3A_448 = arith.constant 48 : index
        %swap3A_449 = tpu.vector_load %arg10[%swap3A_447, %swap3A_448] {strides = array<i32>} : memref<400x64xf32, #tpu.memory_space<vmem>>, vector<1x16xf32>,
        %swap3A_450 = vector.shape_cast %swap3A_449 : vector<1x16xf32> to vector<16xf32>
        %swap3A_451 = vector.shape_cast %mul3A_446 : vector<16xf32> to vector<1x16xf32>
        tpu.vector_store %arg10[%swap3A_447, %swap3A_448], %swap3A_451 {strides = array<i32>} : memref<400x64xf32, #tpu.memory_space<vmem>>, vector<1x16xf32>,
        %scan3A_452 = arith.constant 5 : i32
        %scan3A_453 = arith.addi %scan3A_185, %scan3A_452 : i32
        %mul3A_454 = arith.constant 1 : i32
        %mul3A_455 = arith.muli %scan3A_453, %mul3A_454 : i32
        %add3A_456 = arith.constant 0 : i32
        %add3A_457 = arith.addi %add3A_456, %mul3A_455 : i32
        %get3A_458 = arith.index_cast %add3A_457 : i32 to index
        %get3A_459 = arith.constant 0 : index
        %get3A_460 = tpu.vector_load %arg10[%get3A_458, %get3A_459] {strides = array<i32>} : memref<400x64xf32, #tpu.memory_space<vmem>>, vector<1x16xf32>,
        %get3A_461 = vector.shape_cast %get3A_460 : vector<1x16xf32> to vector<16xf32>
        %mul3A_462 = arith.constant 8.000000e+00 : f32
        %mul3A_463 = vector.broadcast %mul3A_462 : f32 to vector<16xf32>
        %mul3A_464 = arith.mulf %get3A_461, %mul3A_463 : vector<16xf32>
        %swap3A_465 = arith.index_cast %add3A_457 : i32 to index
        %swap3A_466 = arith.constant 0 : index
        %swap3A_467 = tpu.vector_load %arg10[%swap3A_465, %swap3A_466] {strides = array<i32>} : memref<400x64xf32, #tpu.memory_space<vmem>>, vector<1x16xf32>,
        %swap3A_468 = vector.shape_cast %swap3A_467 : vector<1x16xf32> to vector<16xf32>
        %swap3A_469 = vector.shape_cast %mul3A_464 : vector<16xf32> to vector<1x16xf32>
        tpu.vector_store %arg10[%swap3A_465, %swap3A_466], %swap3A_469 {strides = array<i32>} : memref<400x64xf32, #tpu.memory_space<vmem>>, vector<1x16xf32>,
        %get3A_470 = arith.index_cast %add3A_457 : i32 to index
        %get3A_471 = arith.constant 16 : index
        %get3A_472 = tpu.vector_load %arg10[%get3A_470, %get3A_471] {strides = array<i32>} : memref<400x64xf32, #tpu.memory_space<vmem>>, vector<1x16xf32>,
        %get3A_473 = vector.shape_cast %get3A_472 : vector<1x16xf32> to vector<16xf32>
        %mul3A_474 = arith.constant 8.000000e+00 : f32
        %mul3A_475 = vector.broadcast %mul3A_474 : f32 to vector<16xf32>
        %mul3A_476 = arith.mulf %get3A_473, %mul3A_475 : vector<16xf32>
        %swap3A_477 = arith.index_cast %add3A_457 : i32 to index
        %swap3A_478 = arith.constant 16 : index
        %swap3A_479 = tpu.vector_load %arg10[%swap3A_477, %swap3A_478] {strides = array<i32>} : memref<400x64xf32, #tpu.memory_space<vmem>>, vector<1x16xf32>,
        %swap3A_480 = vector.shape_cast %swap3A_479 : vector<1x16xf32> to vector<16xf32>
        %swap3A_481 = vector.shape_cast %mul3A_476 : vector<16xf32> to vector<1x16xf32>
        tpu.vector_store %arg10[%swap3A_477, %swap3A_478], %swap3A_481 {strides = array<i32>} : memref<400x64xf32, #tpu.memory_space<vmem>>, vector<1x16xf32>,
        %get3A_482 = arith.index_cast %add3A_457 : i32 to index
        %get3A_483 = arith.constant 32 : index
        %get3A_484 = tpu.vector_load %arg10[%get3A_482, %get3A_483] {strides = array<i32>} : memref<400x64xf32, #tpu.memory_space<vmem>>, vector<1x16xf32>,
        %get3A_485 = vector.shape_cast %get3A_484 : vector<1x16xf32> to vector<16xf32>
        %mul3A_486 = arith.constant 8.000000e+00 : f32
        %mul3A_487 = vector.broadcast %mul3A_486 : f32 to vector<16xf32>
        %mul3A_488 = arith.mulf %get3A_485, %mul3A_487 : vector<16xf32>
        %swap3A_489 = arith.index_cast %add3A_457 : i32 to index
        %swap3A_490 = arith.constant 32 : index
        %swap3A_491 = tpu.vector_load %arg10[%swap3A_489, %swap3A_490] {strides = array<i32>} : memref<400x64xf32, #tpu.memory_space<vmem>>, vector<1x16xf32>,
        %swap3A_492 = vector.shape_cast %swap3A_491 : vector<1x16xf32> to vector<16xf32>
        %swap3A_493 = vector.shape_cast %mul3A_488 : vector<16xf32> to vector<1x16xf32>
        tpu.vector_store %arg10[%swap3A_489, %swap3A_490], %swap3A_493 {strides = array<i32>} : memref<400x64xf32, #tpu.memory_space<vmem>>, vector<1x16xf32>,
        %get3A_494 = arith.index_cast %add3A_457 : i32 to index
        %get3A_495 = arith.constant 48 : index
        %get3A_496 = tpu.vector_load %arg10[%get3A_494, %get3A_495] {strides = array<i32>} : memref<400x64xf32, #tpu.memory_space<vmem>>, vector<1x16xf32>,
        %get3A_497 = vector.shape_cast %get3A_496 : vector<1x16xf32> to vector<16xf32>
        %mul3A_498 = arith.constant 8.000000e+00 : f32
        %mul3A_499 = vector.broadcast %mul3A_498 : f32 to vector<16xf32>
        %mul3A_500 = arith.mulf %get3A_497, %mul3A_499 : vector<16xf32>
        %swap3A_501 = arith.index_cast %add3A_457 : i32 to index
        %swap3A_502 = arith.constant 48 : index
        %swap3A_503 = tpu.vector_load %arg10[%swap3A_501, %swap3A_502] {strides = array<i32>} : memref<400x64xf32, #tpu.memory_space<vmem>>, vector<1x16xf32>,
        %swap3A_504 = vector.shape_cast %swap3A_503 : vector<1x16xf32> to vector<16xf32>
        %swap3A_505 = vector.shape_cast %mul3A_500 : vector<16xf32> to vector<1x16xf32>
        tpu.vector_store %arg10[%swap3A_501, %swap3A_502], %swap3A_505 {strides = array<i32>} : memref<400x64xf32, #tpu.memory_space<vmem>>, vector<1x16xf32>,
        %scan3A_506 = arith.constant 6 : i32
        %scan3A_507 = arith.addi %scan3A_185, %scan3A_506 : i32
        %mul3A_508 = arith.constant 1 : i32
        %mul3A_509 = arith.muli %scan3A_507, %mul3A_508 : i32
        %add3A_510 = arith.constant 0 : i32
        %add3A_511 = arith.addi %add3A_510, %mul3A_509 : i32
        %get3A_512 = arith.index_cast %add3A_511 : i32 to index
        %get3A_513 = arith.constant 0 : index
        %get3A_514 = tpu.vector_load %arg10[%get3A_512, %get3A_513] {strides = array<i32>} : memref<400x64xf32, #tpu.memory_space<vmem>>, vector<1x16xf32>,
        %get3A_515 = vector.shape_cast %get3A_514 : vector<1x16xf32> to vector<16xf32>
        %mul3A_516 = arith.constant 8.000000e+00 : f32
        %mul3A_517 = vector.broadcast %mul3A_516 : f32 to vector<16xf32>
        %mul3A_518 = arith.mulf %get3A_515, %mul3A_517 : vector<16xf32>
        %swap3A_519 = arith.index_cast %add3A_511 : i32 to index
        %swap3A_520 = arith.constant 0 : index
        %swap3A_521 = tpu.vector_load %arg10[%swap3A_519, %swap3A_520] {strides = array<i32>} : memref<400x64xf32, #tpu.memory_space<vmem>>, vector<1x16xf32>,
        %swap3A_522 = vector.shape_cast %swap3A_521 : vector<1x16xf32> to vector<16xf32>
        %swap3A_523 = vector.shape_cast %mul3A_518 : vector<16xf32> to vector<1x16xf32>
        tpu.vector_store %arg10[%swap3A_519, %swap3A_520], %swap3A_523 {strides = array<i32>} : memref<400x64xf32, #tpu.memory_space<vmem>>, vector<1x16xf32>,
        %get3A_524 = arith.index_cast %add3A_511 : i32 to index
        %get3A_525 = arith.constant 16 : index
        %get3A_526 = tpu.vector_load %arg10[%get3A_524, %get3A_525] {strides = array<i32>} : memref<400x64xf32, #tpu.memory_space<vmem>>, vector<1x16xf32>,
        %get3A_527 = vector.shape_cast %get3A_526 : vector<1x16xf32> to vector<16xf32>
        %mul3A_528 = arith.constant 8.000000e+00 : f32
        %mul3A_529 = vector.broadcast %mul3A_528 : f32 to vector<16xf32>
        %mul3A_530 = arith.mulf %get3A_527, %mul3A_529 : vector<16xf32>
        %swap3A_531 = arith.index_cast %add3A_511 : i32 to index
        %swap3A_532 = arith.constant 16 : index
        %swap3A_533 = tpu.vector_load %arg10[%swap3A_531, %swap3A_532] {strides = array<i32>} : memref<400x64xf32, #tpu.memory_space<vmem>>, vector<1x16xf32>,
        %swap3A_534 = vector.shape_cast %swap3A_533 : vector<1x16xf32> to vector<16xf32>
        %swap3A_535 = vector.shape_cast %mul3A_530 : vector<16xf32> to vector<1x16xf32>
        tpu.vector_store %arg10[%swap3A_531, %swap3A_532], %swap3A_535 {strides = array<i32>} : memref<400x64xf32, #tpu.memory_space<vmem>>, vector<1x16xf32>,
        %get3A_536 = arith.index_cast %add3A_511 : i32 to index
        %get3A_537 = arith.constant 32 : index
        %get3A_538 = tpu.vector_load %arg10[%get3A_536, %get3A_537] {strides = array<i32>} : memref<400x64xf32, #tpu.memory_space<vmem>>, vector<1x16xf32>,
        %get3A_539 = vector.shape_cast %get3A_538 : vector<1x16xf32> to vector<16xf32>
        %mul3A_540 = arith.constant 8.000000e+00 : f32
        %mul3A_541 = vector.broadcast %mul3A_540 : f32 to vector<16xf32>
        %mul3A_542 = arith.mulf %get3A_539, %mul3A_541 : vector<16xf32>
        %swap3A_543 = arith.index_cast %add3A_511 : i32 to index
        %swap3A_544 = arith.constant 32 : index
        %swap3A_545 = tpu.vector_load %arg10[%swap3A_543, %swap3A_544] {strides = array<i32>} : memref<400x64xf32, #tpu.memory_space<vmem>>, vector<1x16xf32>,
        %swap3A_546 = vector.shape_cast %swap3A_545 : vector<1x16xf32> to vector<16xf32>
        %swap3A_547 = vector.shape_cast %mul3A_542 : vector<16xf32> to vector<1x16xf32>
        tpu.vector_store %arg10[%swap3A_543, %swap3A_544], %swap3A_547 {strides = array<i32>} : memref<400x64xf32, #tpu.memory_space<vmem>>, vector<1x16xf32>,
        %get3A_548 = arith.index_cast %add3A_511 : i32 to index
        %get3A_549 = arith.constant 48 : index
        %get3A_550 = tpu.vector_load %arg10[%get3A_548, %get3A_549] {strides = array<i32>} : memref<400x64xf32, #tpu.memory_space<vmem>>, vector<1x16xf32>,
        %get3A_551 = vector.shape_cast %get3A_550 : vector<1x16xf32> to vector<16xf32>
        %mul3A_552 = arith.constant 8.000000e+00 : f32
        %mul3A_553 = vector.broadcast %mul3A_552 : f32 to vector<16xf32>
        %mul3A_554 = arith.mulf %get3A_551, %mul3A_553 : vector<16xf32>
        %swap3A_555 = arith.index_cast %add3A_511 : i32 to index
        %swap3A_556 = arith.constant 48 : index
        %swap3A_557 = tpu.vector_load %arg10[%swap3A_555, %swap3A_556] {strides = array<i32>} : memref<400x64xf32, #tpu.memory_space<vmem>>, vector<1x16xf32>,
        %swap3A_558 = vector.shape_cast %swap3A_557 : vector<1x16xf32> to vector<16xf32>
        %swap3A_559 = vector.shape_cast %mul3A_554 : vector<16xf32> to vector<1x16xf32>
        tpu.vector_store %arg10[%swap3A_555, %swap3A_556], %swap3A_559 {strides = array<i32>} : memref<400x64xf32, #tpu.memory_space<vmem>>, vector<1x16xf32>,
        %scan3A_560 = arith.constant 7 : i32
        %scan3A_561 = arith.addi %scan3A_185, %scan3A_560 : i32
        %mul3A_562 = arith.constant 1 : i32
        %mul3A_563 = arith.muli %scan3A_561, %mul3A_562 : i32
        %add3A_564 = arith.constant 0 : i32
        %add3A_565 = arith.addi %add3A_564, %mul3A_563 : i32
        %get3A_566 = arith.index_cast %add3A_565 : i32 to index
        %get3A_567 = arith.constant 0 : index
        %get3A_568 = tpu.vector_load %arg10[%get3A_566, %get3A_567] {strides = array<i32>} : memref<400x64xf32, #tpu.memory_space<vmem>>, vector<1x16xf32>,
        %get3A_569 = vector.shape_cast %get3A_568 : vector<1x16xf32> to vector<16xf32>
        %mul3A_570 = arith.constant 8.000000e+00 : f32
        %mul3A_571 = vector.broadcast %mul3A_570 : f32 to vector<16xf32>
        %mul3A_572 = arith.mulf %get3A_569, %mul3A_571 : vector<16xf32>
        %swap3A_573 = arith.index_cast %add3A_565 : i32 to index
        %swap3A_574 = arith.constant 0 : index
        %swap3A_575 = tpu.vector_load %arg10[%swap3A_573, %swap3A_574] {strides = array<i32>} : memref<400x64xf32, #tpu.memory_space<vmem>>, vector<1x16xf32>,
        %swap3A_576 = vector.shape_cast %swap3A_575 : vector<1x16xf32> to vector<16xf32>
        %swap3A_577 = vector.shape_cast %mul3A_572 : vector<16xf32> to vector<1x16xf32>
        tpu.vector_store %arg10[%swap3A_573, %swap3A_574], %swap3A_577 {strides = array<i32>} : memref<400x64xf32, #tpu.memory_space<vmem>>, vector<1x16xf32>,
        %get3A_578 = arith.index_cast %add3A_565 : i32 to index
        %get3A_579 = arith.constant 16 : index
        %get3A_580 = tpu.vector_load %arg10[%get3A_578, %get3A_579] {strides = array<i32>} : memref<400x64xf32, #tpu.memory_space<vmem>>, vector<1x16xf32>,
        %get3A_581 = vector.shape_cast %get3A_580 : vector<1x16xf32> to vector<16xf32>
        %mul3A_582 = arith.constant 8.000000e+00 : f32
        %mul3A_583 = vector.broadcast %mul3A_582 : f32 to vector<16xf32>
        %mul3A_584 = arith.mulf %get3A_581, %mul3A_583 : vector<16xf32>
        %swap3A_585 = arith.index_cast %add3A_565 : i32 to index
        %swap3A_586 = arith.constant 16 : index
        %swap3A_587 = tpu.vector_load %arg10[%swap3A_585, %swap3A_586] {strides = array<i32>} : memref<400x64xf32, #tpu.memory_space<vmem>>, vector<1x16xf32>,
        %swap3A_588 = vector.shape_cast %swap3A_587 : vector<1x16xf32> to vector<16xf32>
        %swap3A_589 = vector.shape_cast %mul3A_584 : vector<16xf32> to vector<1x16xf32>
        tpu.vector_store %arg10[%swap3A_585, %swap3A_586], %swap3A_589 {strides = array<i32>} : memref<400x64xf32, #tpu.memory_space<vmem>>, vector<1x16xf32>,
        %get3A_590 = arith.index_cast %add3A_565 : i32 to index
        %get3A_591 = arith.constant 32 : index
        %get3A_592 = tpu.vector_load %arg10[%get3A_590, %get3A_591] {strides = array<i32>} : memref<400x64xf32, #tpu.memory_space<vmem>>, vector<1x16xf32>,
        %get3A_593 = vector.shape_cast %get3A_592 : vector<1x16xf32> to vector<16xf32>
        %mul3A_594 = arith.constant 8.000000e+00 : f32
        %mul3A_595 = vector.broadcast %mul3A_594 : f32 to vector<16xf32>
        %mul3A_596 = arith.mulf %get3A_593, %mul3A_595 : vector<16xf32>
        %swap3A_597 = arith.index_cast %add3A_565 : i32 to index
        %swap3A_598 = arith.constant 32 : index
        %swap3A_599 = tpu.vector_load %arg10[%swap3A_597, %swap3A_598] {strides = array<i32>} : memref<400x64xf32, #tpu.memory_space<vmem>>, vector<1x16xf32>,
        %swap3A_600 = vector.shape_cast %swap3A_599 : vector<1x16xf32> to vector<16xf32>
        %swap3A_601 = vector.shape_cast %mul3A_596 : vector<16xf32> to vector<1x16xf32>
        tpu.vector_store %arg10[%swap3A_597, %swap3A_598], %swap3A_601 {strides = array<i32>} : memref<400x64xf32, #tpu.memory_space<vmem>>, vector<1x16xf32>,
        %get3A_602 = arith.index_cast %add3A_565 : i32 to index
        %get3A_603 = arith.constant 48 : index
        %get3A_604 = tpu.vector_load %arg10[%get3A_602, %get3A_603] {strides = array<i32>} : memref<400x64xf32, #tpu.memory_space<vmem>>, vector<1x16xf32>,
        %get3A_605 = vector.shape_cast %get3A_604 : vector<1x16xf32> to vector<16xf32>
        %mul3A_606 = arith.constant 8.000000e+00 : f32
        %mul3A_607 = vector.broadcast %mul3A_606 : f32 to vector<16xf32>
        %mul3A_608 = arith.mulf %get3A_605, %mul3A_607 : vector<16xf32>
        %swap3A_609 = arith.index_cast %add3A_565 : i32 to index
        %swap3A_610 = arith.constant 48 : index
        %swap3A_611 = tpu.vector_load %arg10[%swap3A_609, %swap3A_610] {strides = array<i32>} : memref<400x64xf32, #tpu.memory_space<vmem>>, vector<1x16xf32>,
        %swap3A_612 = vector.shape_cast %swap3A_611 : vector<1x16xf32> to vector<16xf32>
        %swap3A_613 = vector.shape_cast %mul3A_608 : vector<16xf32> to vector<1x16xf32>
        tpu.vector_store %arg10[%swap3A_609, %swap3A_610], %swap3A_613 {strides = array<i32>} : memref<400x64xf32, #tpu.memory_space<vmem>>, vector<1x16xf32>,
      }
      %scan3A_115 = arith.constant 400 : i32
      %mul3A_116 = arith.constant 400 : i32
      %mul3A_117 = arith.muli %add3A_93, %mul3A_116 : i32
      %add3A_118 = arith.addi %mul3A_2, %mul3A_117 : i32
      %dma_start3A_119 = arith.constant 0 : i32
      %dma_start3A_120 = tpu.memref_slice %arg4[%add3A_118, %dma_start3A_119] : memref<3276800x128xf32, #tpu.memory_space<hbm>> -> memref<400x64xf32, #tpu.memory_space<hbm>>
      %dma_start3A_121 = arith.constant 0 : i32
      %dma_start3A_122 = tpu.memref_slice %arg4[%add3A_118, %dma_start3A_121] : memref<3276800x128xf32, #tpu.memory_space<hbm>> -> memref<400x64xf32, #tpu.memory_space<hbm>>
      tpu.enqueue_dma source(%arg10 : memref<400x64xf32, #tpu.memory_space<vmem>>) target(%dma_start3A_122 : memref<400x64xf32, #tpu.memory_space<hbm>>) target_semaphore(%arg22 : memref<!tpu.dma_semaphore, #tpu.memory_space<semaphore_mem>>)
      %add3A_123 = arith.constant 2 : i32
      %add3A_124 = arith.addi %add3A_63, %add3A_123 : i32
      %add3A_125 = arith.constant 2 : i32
      %add3A_126 = arith.addi %add3A_124, %add3A_125 : i32
      %lt3A_127 = arith.constant 256 : i32
      %lt3A_128 = arith.cmpi slt, %add3A_126, %lt3A_127 : i32
      %convert_element_type3A_129 = arith.extui %lt3A_128 : i1 to i32
      %cond3A_130 = arith.constant 0 : i32
      %cond3A_131 = arith.cmpi ne, %convert_element_type3A_129, %cond3A_130 : i32
      scf.if %cond3A_131 {
        %dma_wait3A_185 = arith.constant 0 : i32
        %dma_wait3A_186 = tpu.memref_slice %arg3[%dma_wait3A_185] : memref<3276800xi32, #tpu.memory_space<hbm>> -> memref<400xi32, #tpu.memory_space<hbm>>
        %dma_wait3A_187 = arith.constant 0 : i32
        %dma_wait3A_188 = tpu.memref_slice %arg3[%dma_wait3A_187] : memref<3276800xi32, #tpu.memory_space<hbm>> -> memref<400xi32, #tpu.memory_space<hbm>>
        tpu.wait_dma2 semaphore(%arg13 : memref<!tpu.dma_semaphore, #tpu.memory_space<semaphore_mem>>) src(%dma_wait3A_188 : memref<400xi32, #tpu.memory_space<hbm>>) dst(%arg5 : memref<400xi32, #tpu.memory_space<vmem>>)
        %ge3A = arith.constant 4 : i32
        %ge3A_189 = arith.cmpi sge, %add3A_126, %ge3A : i32
        %convert_element_type3A_190 = arith.extui %ge3A_189 : i1 to i32
        %cond3A_191 = arith.constant 0 : i32
        %cond3A_192 = arith.cmpi ne, %convert_element_type3A_190, %cond3A_191 : i32
        scf.if %cond3A_192 {
          %dma_wait3A_196 = arith.constant 0 : i32
          %dma_wait3A_197 = arith.constant 0 : i32
          %dma_wait3A_198 = tpu.memref_slice %arg4[%dma_wait3A_196, %dma_wait3A_197] : memref<3276800x128xf32, #tpu.memory_space<hbm>> -> memref<400x64xf32, #tpu.memory_space<hbm>>
          %dma_wait3A_199 = arith.constant 0 : i32
          %dma_wait3A_200 = arith.constant 0 : i32
          %dma_wait3A_201 = tpu.memref_slice %arg4[%dma_wait3A_199, %dma_wait3A_200] : memref<3276800x128xf32, #tpu.memory_space<hbm>> -> memref<400x64xf32, #tpu.memory_space<hbm>>
          tpu.wait_dma2 semaphore(%arg21 : memref<!tpu.dma_semaphore, #tpu.memory_space<semaphore_mem>>) src(%arg9 : memref<400x64xf32, #tpu.memory_space<vmem>>) dst(%dma_wait3A_201 : memref<400x64xf32, #tpu.memory_space<hbm>>)
        } else {
        }
        %dma_start3A_193 = arith.constant 0 : i32
        %dma_start3A_194 = arith.constant 0 : i32
        %dma_start3A_195 = tpu.memref_slice %arg2[%dma_start3A_193, %dma_start3A_194] : memref<1000000x64xf32, #tpu.memory_space<hbm>> -> memref<1000000x64xf32, #tpu.memory_space<hbm>>
        tpu.enqueue_indirect_dma source(%dma_start3A_195 : memref<1000000x64xf32, #tpu.memory_space<hbm>>) target(%arg9 : memref<400x64xf32, #tpu.memory_space<vmem>>) offsets(%arg5 : memref<400xi32, #tpu.memory_space<vmem>>) semaphore(%arg17 : memref<!tpu.dma_semaphore, #tpu.memory_space<semaphore_mem>>)
      } else {
      }
      %dma_wait3A_132 = arith.constant 0 : i32
      %dma_wait3A_133 = arith.constant 0 : i32
      %dma_wait3A_134 = tpu.memref_slice %arg2[%dma_wait3A_132, %dma_wait3A_133] : memref<1000000x64xf32, #tpu.memory_space<hbm>> -> memref<1000000x64xf32, #tpu.memory_space<hbm>>
      tpu.wait_indirect_dma semaphore(%arg19 : memref<!tpu.dma_semaphore, #tpu.memory_space<semaphore_mem>>) src(%dma_wait3A_134 : memref<1000000x64xf32, #tpu.memory_space<hbm>>) dst(%arg11 : memref<400x64xf32, #tpu.memory_space<vmem>>)
      %add3A_135 = arith.constant 4 : i32
      %add3A_136 = arith.addi %add3A_124, %add3A_135 : i32
      %lt3A_137 = arith.constant 256 : i32
      %lt3A_138 = arith.cmpi slt, %add3A_136, %lt3A_137 : i32
      %convert_element_type3A_139 = arith.extui %lt3A_138 : i1 to i32
      %cond3A_140 = arith.constant 0 : i32
      %cond3A_141 = arith.cmpi ne, %convert_element_type3A_139, %cond3A_140 : i32
      scf.if %cond3A_141 {
        %add3A_185 = arith.constant 4 : i32
        %add3A_186 = arith.addi %add3A_124, %add3A_185 : i32
        %mul3A_187 = arith.constant 400 : i32
        %mul3A_188 = arith.muli %add3A_186, %mul3A_187 : i32
        %add3A_189 = arith.addi %mul3A_2, %mul3A_188 : i32
        %dma_start3A_190 = tpu.memref_slice %arg3[%add3A_189] : memref<3276800xi32, #tpu.memory_space<hbm>> -> memref<400xi32, #tpu.memory_space<hbm>>
        %dma_start3A_191 = tpu.memref_slice %arg3[%add3A_189] : memref<3276800xi32, #tpu.memory_space<hbm>> -> memref<400xi32, #tpu.memory_space<hbm>>
        tpu.enqueue_dma source(%dma_start3A_191 : memref<400xi32, #tpu.memory_space<hbm>>) target(%arg7 : memref<400xi32, #tpu.memory_space<vmem>>) target_semaphore(%arg15 : memref<!tpu.dma_semaphore, #tpu.memory_space<semaphore_mem>>)
      } else {
      }
      %scan3A_142 = arith.constant 0 : i32
      %scan3A_143 = arith.constant 400 : i32
      %scan3A_144 = arith.addi %scan3A_142, %scan3A_143 : i32
      %scan3A_145 = arith.constant 8 : i32
      scf.for %scan3A_185 = %scan3A_142 to %scan3A_144 step %scan3A_145  : i32 {
        %mul3A_186 = arith.constant 1 : i32
        %mul3A_187 = arith.muli %scan3A_185, %mul3A_186 : i32
        %add3A_188 = arith.constant 0 : i32
        %add3A_189 = arith.addi %add3A_188, %mul3A_187 : i32
        %get3A = arith.index_cast %add3A_189 : i32 to index
        %get3A_190 = arith.constant 0 : index
        %get3A_191 = tpu.vector_load %arg11[%get3A, %get3A_190] {strides = array<i32>} : memref<400x64xf32, #tpu.memory_space<vmem>>, vector<1x16xf32>,
        %get3A_192 = vector.shape_cast %get3A_191 : vector<1x16xf32> to vector<16xf32>
        %mul3A_193 = arith.constant 8.000000e+00 : f32
        %mul3A_194 = vector.broadcast %mul3A_193 : f32 to vector<16xf32>
        %mul3A_195 = arith.mulf %get3A_192, %mul3A_194 : vector<16xf32>
        %swap3A = arith.index_cast %add3A_189 : i32 to index
        %swap3A_196 = arith.constant 0 : index
        %swap3A_197 = tpu.vector_load %arg11[%swap3A, %swap3A_196] {strides = array<i32>} : memref<400x64xf32, #tpu.memory_space<vmem>>, vector<1x16xf32>,
        %swap3A_198 = vector.shape_cast %swap3A_197 : vector<1x16xf32> to vector<16xf32>
        %swap3A_199 = vector.shape_cast %mul3A_195 : vector<16xf32> to vector<1x16xf32>
        tpu.vector_store %arg11[%swap3A, %swap3A_196], %swap3A_199 {strides = array<i32>} : memref<400x64xf32, #tpu.memory_space<vmem>>, vector<1x16xf32>,
        %get3A_200 = arith.index_cast %add3A_189 : i32 to index
        %get3A_201 = arith.constant 16 : index
        %get3A_202 = tpu.vector_load %arg11[%get3A_200, %get3A_201] {strides = array<i32>} : memref<400x64xf32, #tpu.memory_space<vmem>>, vector<1x16xf32>,
        %get3A_203 = vector.shape_cast %get3A_202 : vector<1x16xf32> to vector<16xf32>
        %mul3A_204 = arith.constant 8.000000e+00 : f32
        %mul3A_205 = vector.broadcast %mul3A_204 : f32 to vector<16xf32>
        %mul3A_206 = arith.mulf %get3A_203, %mul3A_205 : vector<16xf32>
        %swap3A_207 = arith.index_cast %add3A_189 : i32 to index
        %swap3A_208 = arith.constant 16 : index
        %swap3A_209 = tpu.vector_load %arg11[%swap3A_207, %swap3A_208] {strides = array<i32>} : memref<400x64xf32, #tpu.memory_space<vmem>>, vector<1x16xf32>,
        %swap3A_210 = vector.shape_cast %swap3A_209 : vector<1x16xf32> to vector<16xf32>
        %swap3A_211 = vector.shape_cast %mul3A_206 : vector<16xf32> to vector<1x16xf32>
        tpu.vector_store %arg11[%swap3A_207, %swap3A_208], %swap3A_211 {strides = array<i32>} : memref<400x64xf32, #tpu.memory_space<vmem>>, vector<1x16xf32>,
        %get3A_212 = arith.index_cast %add3A_189 : i32 to index
        %get3A_213 = arith.constant 32 : index
        %get3A_214 = tpu.vector_load %arg11[%get3A_212, %get3A_213] {strides = array<i32>} : memref<400x64xf32, #tpu.memory_space<vmem>>, vector<1x16xf32>,
        %get3A_215 = vector.shape_cast %get3A_214 : vector<1x16xf32> to vector<16xf32>
        %mul3A_216 = arith.constant 8.000000e+00 : f32
        %mul3A_217 = vector.broadcast %mul3A_216 : f32 to vector<16xf32>
        %mul3A_218 = arith.mulf %get3A_215, %mul3A_217 : vector<16xf32>
        %swap3A_219 = arith.index_cast %add3A_189 : i32 to index
        %swap3A_220 = arith.constant 32 : index
        %swap3A_221 = tpu.vector_load %arg11[%swap3A_219, %swap3A_220] {strides = array<i32>} : memref<400x64xf32, #tpu.memory_space<vmem>>, vector<1x16xf32>,
        %swap3A_222 = vector.shape_cast %swap3A_221 : vector<1x16xf32> to vector<16xf32>
        %swap3A_223 = vector.shape_cast %mul3A_218 : vector<16xf32> to vector<1x16xf32>
        tpu.vector_store %arg11[%swap3A_219, %swap3A_220], %swap3A_223 {strides = array<i32>} : memref<400x64xf32, #tpu.memory_space<vmem>>, vector<1x16xf32>,
        %get3A_224 = arith.index_cast %add3A_189 : i32 to index
        %get3A_225 = arith.constant 48 : index
        %get3A_226 = tpu.vector_load %arg11[%get3A_224, %get3A_225] {strides = array<i32>} : memref<400x64xf32, #tpu.memory_space<vmem>>, vector<1x16xf32>,
        %get3A_227 = vector.shape_cast %get3A_226 : vector<1x16xf32> to vector<16xf32>
        %mul3A_228 = arith.constant 8.000000e+00 : f32
        %mul3A_229 = vector.broadcast %mul3A_228 : f32 to vector<16xf32>
        %mul3A_230 = arith.mulf %get3A_227, %mul3A_229 : vector<16xf32>
        %swap3A_231 = arith.index_cast %add3A_189 : i32 to index
        %swap3A_232 = arith.constant 48 : index
        %swap3A_233 = tpu.vector_load %arg11[%swap3A_231, %swap3A_232] {strides = array<i32>} : memref<400x64xf32, #tpu.memory_space<vmem>>, vector<1x16xf32>,
        %swap3A_234 = vector.shape_cast %swap3A_233 : vector<1x16xf32> to vector<16xf32>
        %swap3A_235 = vector.shape_cast %mul3A_230 : vector<16xf32> to vector<1x16xf32>
        tpu.vector_store %arg11[%swap3A_231, %swap3A_232], %swap3A_235 {strides = array<i32>} : memref<400x64xf32, #tpu.memory_space<vmem>>, vector<1x16xf32>,
        %scan3A_236 = arith.constant 1 : i32
        %scan3A_237 = arith.addi %scan3A_185, %scan3A_236 : i32
        %mul3A_238 = arith.constant 1 : i32
        %mul3A_239 = arith.muli %scan3A_237, %mul3A_238 : i32
        %add3A_240 = arith.constant 0 : i32
        %add3A_241 = arith.addi %add3A_240, %mul3A_239 : i32
        %get3A_242 = arith.index_cast %add3A_241 : i32 to index
        %get3A_243 = arith.constant 0 : index
        %get3A_244 = tpu.vector_load %arg11[%get3A_242, %get3A_243] {strides = array<i32>} : memref<400x64xf32, #tpu.memory_space<vmem>>, vector<1x16xf32>,
        %get3A_245 = vector.shape_cast %get3A_244 : vector<1x16xf32> to vector<16xf32>
        %mul3A_246 = arith.constant 8.000000e+00 : f32
        %mul3A_247 = vector.broadcast %mul3A_246 : f32 to vector<16xf32>
        %mul3A_248 = arith.mulf %get3A_245, %mul3A_247 : vector<16xf32>
        %swap3A_249 = arith.index_cast %add3A_241 : i32 to index
        %swap3A_250 = arith.constant 0 : index
        %swap3A_251 = tpu.vector_load %arg11[%swap3A_249, %swap3A_250] {strides = array<i32>} : memref<400x64xf32, #tpu.memory_space<vmem>>, vector<1x16xf32>,
        %swap3A_252 = vector.shape_cast %swap3A_251 : vector<1x16xf32> to vector<16xf32>
        %swap3A_253 = vector.shape_cast %mul3A_248 : vector<16xf32> to vector<1x16xf32>
        tpu.vector_store %arg11[%swap3A_249, %swap3A_250], %swap3A_253 {strides = array<i32>} : memref<400x64xf32, #tpu.memory_space<vmem>>, vector<1x16xf32>,
        %get3A_254 = arith.index_cast %add3A_241 : i32 to index
        %get3A_255 = arith.constant 16 : index
        %get3A_256 = tpu.vector_load %arg11[%get3A_254, %get3A_255] {strides = array<i32>} : memref<400x64xf32, #tpu.memory_space<vmem>>, vector<1x16xf32>,
        %get3A_257 = vector.shape_cast %get3A_256 : vector<1x16xf32> to vector<16xf32>
        %mul3A_258 = arith.constant 8.000000e+00 : f32
        %mul3A_259 = vector.broadcast %mul3A_258 : f32 to vector<16xf32>
        %mul3A_260 = arith.mulf %get3A_257, %mul3A_259 : vector<16xf32>
        %swap3A_261 = arith.index_cast %add3A_241 : i32 to index
        %swap3A_262 = arith.constant 16 : index
        %swap3A_263 = tpu.vector_load %arg11[%swap3A_261, %swap3A_262] {strides = array<i32>} : memref<400x64xf32, #tpu.memory_space<vmem>>, vector<1x16xf32>,
        %swap3A_264 = vector.shape_cast %swap3A_263 : vector<1x16xf32> to vector<16xf32>
        %swap3A_265 = vector.shape_cast %mul3A_260 : vector<16xf32> to vector<1x16xf32>
        tpu.vector_store %arg11[%swap3A_261, %swap3A_262], %swap3A_265 {strides = array<i32>} : memref<400x64xf32, #tpu.memory_space<vmem>>, vector<1x16xf32>,
        %get3A_266 = arith.index_cast %add3A_241 : i32 to index
        %get3A_267 = arith.constant 32 : index
        %get3A_268 = tpu.vector_load %arg11[%get3A_266, %get3A_267] {strides = array<i32>} : memref<400x64xf32, #tpu.memory_space<vmem>>, vector<1x16xf32>,
        %get3A_269 = vector.shape_cast %get3A_268 : vector<1x16xf32> to vector<16xf32>
        %mul3A_270 = arith.constant 8.000000e+00 : f32
        %mul3A_271 = vector.broadcast %mul3A_270 : f32 to vector<16xf32>
        %mul3A_272 = arith.mulf %get3A_269, %mul3A_271 : vector<16xf32>
        %swap3A_273 = arith.index_cast %add3A_241 : i32 to index
        %swap3A_274 = arith.constant 32 : index
        %swap3A_275 = tpu.vector_load %arg11[%swap3A_273, %swap3A_274] {strides = array<i32>} : memref<400x64xf32, #tpu.memory_space<vmem>>, vector<1x16xf32>,
        %swap3A_276 = vector.shape_cast %swap3A_275 : vector<1x16xf32> to vector<16xf32>
        %swap3A_277 = vector.shape_cast %mul3A_272 : vector<16xf32> to vector<1x16xf32>
        tpu.vector_store %arg11[%swap3A_273, %swap3A_274], %swap3A_277 {strides = array<i32>} : memref<400x64xf32, #tpu.memory_space<vmem>>, vector<1x16xf32>,
        %get3A_278 = arith.index_cast %add3A_241 : i32 to index
        %get3A_279 = arith.constant 48 : index
        %get3A_280 = tpu.vector_load %arg11[%get3A_278, %get3A_279] {strides = array<i32>} : memref<400x64xf32, #tpu.memory_space<vmem>>, vector<1x16xf32>,
        %get3A_281 = vector.shape_cast %get3A_280 : vector<1x16xf32> to vector<16xf32>
        %mul3A_282 = arith.constant 8.000000e+00 : f32
        %mul3A_283 = vector.broadcast %mul3A_282 : f32 to vector<16xf32>
        %mul3A_284 = arith.mulf %get3A_281, %mul3A_283 : vector<16xf32>
        %swap3A_285 = arith.index_cast %add3A_241 : i32 to index
        %swap3A_286 = arith.constant 48 : index
        %swap3A_287 = tpu.vector_load %arg11[%swap3A_285, %swap3A_286] {strides = array<i32>} : memref<400x64xf32, #tpu.memory_space<vmem>>, vector<1x16xf32>,
        %swap3A_288 = vector.shape_cast %swap3A_287 : vector<1x16xf32> to vector<16xf32>
        %swap3A_289 = vector.shape_cast %mul3A_284 : vector<16xf32> to vector<1x16xf32>
        tpu.vector_store %arg11[%swap3A_285, %swap3A_286], %swap3A_289 {strides = array<i32>} : memref<400x64xf32, #tpu.memory_space<vmem>>, vector<1x16xf32>,
        %scan3A_290 = arith.constant 2 : i32
        %scan3A_291 = arith.addi %scan3A_185, %scan3A_290 : i32
        %mul3A_292 = arith.constant 1 : i32
        %mul3A_293 = arith.muli %scan3A_291, %mul3A_292 : i32
        %add3A_294 = arith.constant 0 : i32
        %add3A_295 = arith.addi %add3A_294, %mul3A_293 : i32
        %get3A_296 = arith.index_cast %add3A_295 : i32 to index
        %get3A_297 = arith.constant 0 : index
        %get3A_298 = tpu.vector_load %arg11[%get3A_296, %get3A_297] {strides = array<i32>} : memref<400x64xf32, #tpu.memory_space<vmem>>, vector<1x16xf32>,
        %get3A_299 = vector.shape_cast %get3A_298 : vector<1x16xf32> to vector<16xf32>
        %mul3A_300 = arith.constant 8.000000e+00 : f32
        %mul3A_301 = vector.broadcast %mul3A_300 : f32 to vector<16xf32>
        %mul3A_302 = arith.mulf %get3A_299, %mul3A_301 : vector<16xf32>
        %swap3A_303 = arith.index_cast %add3A_295 : i32 to index
        %swap3A_304 = arith.constant 0 : index
        %swap3A_305 = tpu.vector_load %arg11[%swap3A_303, %swap3A_304] {strides = array<i32>} : memref<400x64xf32, #tpu.memory_space<vmem>>, vector<1x16xf32>,
        %swap3A_306 = vector.shape_cast %swap3A_305 : vector<1x16xf32> to vector<16xf32>
        %swap3A_307 = vector.shape_cast %mul3A_302 : vector<16xf32> to vector<1x16xf32>
        tpu.vector_store %arg11[%swap3A_303, %swap3A_304], %swap3A_307 {strides = array<i32>} : memref<400x64xf32, #tpu.memory_space<vmem>>, vector<1x16xf32>,
        %get3A_308 = arith.index_cast %add3A_295 : i32 to index
        %get3A_309 = arith.constant 16 : index
        %get3A_310 = tpu.vector_load %arg11[%get3A_308, %get3A_309] {strides = array<i32>} : memref<400x64xf32, #tpu.memory_space<vmem>>, vector<1x16xf32>,
        %get3A_311 = vector.shape_cast %get3A_310 : vector<1x16xf32> to vector<16xf32>
        %mul3A_312 = arith.constant 8.000000e+00 : f32
        %mul3A_313 = vector.broadcast %mul3A_312 : f32 to vector<16xf32>
        %mul3A_314 = arith.mulf %get3A_311, %mul3A_313 : vector<16xf32>
        %swap3A_315 = arith.index_cast %add3A_295 : i32 to index
        %swap3A_316 = arith.constant 16 : index
        %swap3A_317 = tpu.vector_load %arg11[%swap3A_315, %swap3A_316] {strides = array<i32>} : memref<400x64xf32, #tpu.memory_space<vmem>>, vector<1x16xf32>,
        %swap3A_318 = vector.shape_cast %swap3A_317 : vector<1x16xf32> to vector<16xf32>
        %swap3A_319 = vector.shape_cast %mul3A_314 : vector<16xf32> to vector<1x16xf32>
        tpu.vector_store %arg11[%swap3A_315, %swap3A_316], %swap3A_319 {strides = array<i32>} : memref<400x64xf32, #tpu.memory_space<vmem>>, vector<1x16xf32>,
        %get3A_320 = arith.index_cast %add3A_295 : i32 to index
        %get3A_321 = arith.constant 32 : index
        %get3A_322 = tpu.vector_load %arg11[%get3A_320, %get3A_321] {strides = array<i32>} : memref<400x64xf32, #tpu.memory_space<vmem>>, vector<1x16xf32>,
        %get3A_323 = vector.shape_cast %get3A_322 : vector<1x16xf32> to vector<16xf32>
        %mul3A_324 = arith.constant 8.000000e+00 : f32
        %mul3A_325 = vector.broadcast %mul3A_324 : f32 to vector<16xf32>
        %mul3A_326 = arith.mulf %get3A_323, %mul3A_325 : vector<16xf32>
        %swap3A_327 = arith.index_cast %add3A_295 : i32 to index
        %swap3A_328 = arith.constant 32 : index
        %swap3A_329 = tpu.vector_load %arg11[%swap3A_327, %swap3A_328] {strides = array<i32>} : memref<400x64xf32, #tpu.memory_space<vmem>>, vector<1x16xf32>,
        %swap3A_330 = vector.shape_cast %swap3A_329 : vector<1x16xf32> to vector<16xf32>
        %swap3A_331 = vector.shape_cast %mul3A_326 : vector<16xf32> to vector<1x16xf32>
        tpu.vector_store %arg11[%swap3A_327, %swap3A_328], %swap3A_331 {strides = array<i32>} : memref<400x64xf32, #tpu.memory_space<vmem>>, vector<1x16xf32>,
        %get3A_332 = arith.index_cast %add3A_295 : i32 to index
        %get3A_333 = arith.constant 48 : index
        %get3A_334 = tpu.vector_load %arg11[%get3A_332, %get3A_333] {strides = array<i32>} : memref<400x64xf32, #tpu.memory_space<vmem>>, vector<1x16xf32>,
        %get3A_335 = vector.shape_cast %get3A_334 : vector<1x16xf32> to vector<16xf32>
        %mul3A_336 = arith.constant 8.000000e+00 : f32
        %mul3A_337 = vector.broadcast %mul3A_336 : f32 to vector<16xf32>
        %mul3A_338 = arith.mulf %get3A_335, %mul3A_337 : vector<16xf32>
        %swap3A_339 = arith.index_cast %add3A_295 : i32 to index
        %swap3A_340 = arith.constant 48 : index
        %swap3A_341 = tpu.vector_load %arg11[%swap3A_339, %swap3A_340] {strides = array<i32>} : memref<400x64xf32, #tpu.memory_space<vmem>>, vector<1x16xf32>,
        %swap3A_342 = vector.shape_cast %swap3A_341 : vector<1x16xf32> to vector<16xf32>
        %swap3A_343 = vector.shape_cast %mul3A_338 : vector<16xf32> to vector<1x16xf32>
        tpu.vector_store %arg11[%swap3A_339, %swap3A_340], %swap3A_343 {strides = array<i32>} : memref<400x64xf32, #tpu.memory_space<vmem>>, vector<1x16xf32>,
        %scan3A_344 = arith.constant 3 : i32
        %scan3A_345 = arith.addi %scan3A_185, %scan3A_344 : i32
        %mul3A_346 = arith.constant 1 : i32
        %mul3A_347 = arith.muli %scan3A_345, %mul3A_346 : i32
        %add3A_348 = arith.constant 0 : i32
        %add3A_349 = arith.addi %add3A_348, %mul3A_347 : i32
        %get3A_350 = arith.index_cast %add3A_349 : i32 to index
        %get3A_351 = arith.constant 0 : index
        %get3A_352 = tpu.vector_load %arg11[%get3A_350, %get3A_351] {strides = array<i32>} : memref<400x64xf32, #tpu.memory_space<vmem>>, vector<1x16xf32>,
        %get3A_353 = vector.shape_cast %get3A_352 : vector<1x16xf32> to vector<16xf32>
        %mul3A_354 = arith.constant 8.000000e+00 : f32
        %mul3A_355 = vector.broadcast %mul3A_354 : f32 to vector<16xf32>
        %mul3A_356 = arith.mulf %get3A_353, %mul3A_355 : vector<16xf32>
        %swap3A_357 = arith.index_cast %add3A_349 : i32 to index
        %swap3A_358 = arith.constant 0 : index
        %swap3A_359 = tpu.vector_load %arg11[%swap3A_357, %swap3A_358] {strides = array<i32>} : memref<400x64xf32, #tpu.memory_space<vmem>>, vector<1x16xf32>,
        %swap3A_360 = vector.shape_cast %swap3A_359 : vector<1x16xf32> to vector<16xf32>
        %swap3A_361 = vector.shape_cast %mul3A_356 : vector<16xf32> to vector<1x16xf32>
        tpu.vector_store %arg11[%swap3A_357, %swap3A_358], %swap3A_361 {strides = array<i32>} : memref<400x64xf32, #tpu.memory_space<vmem>>, vector<1x16xf32>,
        %get3A_362 = arith.index_cast %add3A_349 : i32 to index
        %get3A_363 = arith.constant 16 : index
        %get3A_364 = tpu.vector_load %arg11[%get3A_362, %get3A_363] {strides = array<i32>} : memref<400x64xf32, #tpu.memory_space<vmem>>, vector<1x16xf32>,
        %get3A_365 = vector.shape_cast %get3A_364 : vector<1x16xf32> to vector<16xf32>
        %mul3A_366 = arith.constant 8.000000e+00 : f32
        %mul3A_367 = vector.broadcast %mul3A_366 : f32 to vector<16xf32>
        %mul3A_368 = arith.mulf %get3A_365, %mul3A_367 : vector<16xf32>
        %swap3A_369 = arith.index_cast %add3A_349 : i32 to index
        %swap3A_370 = arith.constant 16 : index
        %swap3A_371 = tpu.vector_load %arg11[%swap3A_369, %swap3A_370] {strides = array<i32>} : memref<400x64xf32, #tpu.memory_space<vmem>>, vector<1x16xf32>,
        %swap3A_372 = vector.shape_cast %swap3A_371 : vector<1x16xf32> to vector<16xf32>
        %swap3A_373 = vector.shape_cast %mul3A_368 : vector<16xf32> to vector<1x16xf32>
        tpu.vector_store %arg11[%swap3A_369, %swap3A_370], %swap3A_373 {strides = array<i32>} : memref<400x64xf32, #tpu.memory_space<vmem>>, vector<1x16xf32>,
        %get3A_374 = arith.index_cast %add3A_349 : i32 to index
        %get3A_375 = arith.constant 32 : index
        %get3A_376 = tpu.vector_load %arg11[%get3A_374, %get3A_375] {strides = array<i32>} : memref<400x64xf32, #tpu.memory_space<vmem>>, vector<1x16xf32>,
        %get3A_377 = vector.shape_cast %get3A_376 : vector<1x16xf32> to vector<16xf32>
        %mul3A_378 = arith.constant 8.000000e+00 : f32
        %mul3A_379 = vector.broadcast %mul3A_378 : f32 to vector<16xf32>
        %mul3A_380 = arith.mulf %get3A_377, %mul3A_379 : vector<16xf32>
        %swap3A_381 = arith.index_cast %add3A_349 : i32 to index
        %swap3A_382 = arith.constant 32 : index
        %swap3A_383 = tpu.vector_load %arg11[%swap3A_381, %swap3A_382] {strides = array<i32>} : memref<400x64xf32, #tpu.memory_space<vmem>>, vector<1x16xf32>,
        %swap3A_384 = vector.shape_cast %swap3A_383 : vector<1x16xf32> to vector<16xf32>
        %swap3A_385 = vector.shape_cast %mul3A_380 : vector<16xf32> to vector<1x16xf32>
        tpu.vector_store %arg11[%swap3A_381, %swap3A_382], %swap3A_385 {strides = array<i32>} : memref<400x64xf32, #tpu.memory_space<vmem>>, vector<1x16xf32>,
        %get3A_386 = arith.index_cast %add3A_349 : i32 to index
        %get3A_387 = arith.constant 48 : index
        %get3A_388 = tpu.vector_load %arg11[%get3A_386, %get3A_387] {strides = array<i32>} : memref<400x64xf32, #tpu.memory_space<vmem>>, vector<1x16xf32>,
        %get3A_389 = vector.shape_cast %get3A_388 : vector<1x16xf32> to vector<16xf32>
        %mul3A_390 = arith.constant 8.000000e+00 : f32
        %mul3A_391 = vector.broadcast %mul3A_390 : f32 to vector<16xf32>
        %mul3A_392 = arith.mulf %get3A_389, %mul3A_391 : vector<16xf32>
        %swap3A_393 = arith.index_cast %add3A_349 : i32 to index
        %swap3A_394 = arith.constant 48 : index
        %swap3A_395 = tpu.vector_load %arg11[%swap3A_393, %swap3A_394] {strides = array<i32>} : memref<400x64xf32, #tpu.memory_space<vmem>>, vector<1x16xf32>,
        %swap3A_396 = vector.shape_cast %swap3A_395 : vector<1x16xf32> to vector<16xf32>
        %swap3A_397 = vector.shape_cast %mul3A_392 : vector<16xf32> to vector<1x16xf32>
        tpu.vector_store %arg11[%swap3A_393, %swap3A_394], %swap3A_397 {strides = array<i32>} : memref<400x64xf32, #tpu.memory_space<vmem>>, vector<1x16xf32>,
        %scan3A_398 = arith.constant 4 : i32
        %scan3A_399 = arith.addi %scan3A_185, %scan3A_398 : i32
        %mul3A_400 = arith.constant 1 : i32
        %mul3A_401 = arith.muli %scan3A_399, %mul3A_400 : i32
        %add3A_402 = arith.constant 0 : i32
        %add3A_403 = arith.addi %add3A_402, %mul3A_401 : i32
        %get3A_404 = arith.index_cast %add3A_403 : i32 to index
        %get3A_405 = arith.constant 0 : index
        %get3A_406 = tpu.vector_load %arg11[%get3A_404, %get3A_405] {strides = array<i32>} : memref<400x64xf32, #tpu.memory_space<vmem>>, vector<1x16xf32>,
        %get3A_407 = vector.shape_cast %get3A_406 : vector<1x16xf32> to vector<16xf32>
        %mul3A_408 = arith.constant 8.000000e+00 : f32
        %mul3A_409 = vector.broadcast %mul3A_408 : f32 to vector<16xf32>
        %mul3A_410 = arith.mulf %get3A_407, %mul3A_409 : vector<16xf32>
        %swap3A_411 = arith.index_cast %add3A_403 : i32 to index
        %swap3A_412 = arith.constant 0 : index
        %swap3A_413 = tpu.vector_load %arg11[%swap3A_411, %swap3A_412] {strides = array<i32>} : memref<400x64xf32, #tpu.memory_space<vmem>>, vector<1x16xf32>,
        %swap3A_414 = vector.shape_cast %swap3A_413 : vector<1x16xf32> to vector<16xf32>
        %swap3A_415 = vector.shape_cast %mul3A_410 : vector<16xf32> to vector<1x16xf32>
        tpu.vector_store %arg11[%swap3A_411, %swap3A_412], %swap3A_415 {strides = array<i32>} : memref<400x64xf32, #tpu.memory_space<vmem>>, vector<1x16xf32>,
        %get3A_416 = arith.index_cast %add3A_403 : i32 to index
        %get3A_417 = arith.constant 16 : index
        %get3A_418 = tpu.vector_load %arg11[%get3A_416, %get3A_417] {strides = array<i32>} : memref<400x64xf32, #tpu.memory_space<vmem>>, vector<1x16xf32>,
        %get3A_419 = vector.shape_cast %get3A_418 : vector<1x16xf32> to vector<16xf32>
        %mul3A_420 = arith.constant 8.000000e+00 : f32
        %mul3A_421 = vector.broadcast %mul3A_420 : f32 to vector<16xf32>
        %mul3A_422 = arith.mulf %get3A_419, %mul3A_421 : vector<16xf32>
        %swap3A_423 = arith.index_cast %add3A_403 : i32 to index
        %swap3A_424 = arith.constant 16 : index
        %swap3A_425 = tpu.vector_load %arg11[%swap3A_423, %swap3A_424] {strides = array<i32>} : memref<400x64xf32, #tpu.memory_space<vmem>>, vector<1x16xf32>,
        %swap3A_426 = vector.shape_cast %swap3A_425 : vector<1x16xf32> to vector<16xf32>
        %swap3A_427 = vector.shape_cast %mul3A_422 : vector<16xf32> to vector<1x16xf32>
        tpu.vector_store %arg11[%swap3A_423, %swap3A_424], %swap3A_427 {strides = array<i32>} : memref<400x64xf32, #tpu.memory_space<vmem>>, vector<1x16xf32>,
        %get3A_428 = arith.index_cast %add3A_403 : i32 to index
        %get3A_429 = arith.constant 32 : index
        %get3A_430 = tpu.vector_load %arg11[%get3A_428, %get3A_429] {strides = array<i32>} : memref<400x64xf32, #tpu.memory_space<vmem>>, vector<1x16xf32>,
        %get3A_431 = vector.shape_cast %get3A_430 : vector<1x16xf32> to vector<16xf32>
        %mul3A_432 = arith.constant 8.000000e+00 : f32
        %mul3A_433 = vector.broadcast %mul3A_432 : f32 to vector<16xf32>
        %mul3A_434 = arith.mulf %get3A_431, %mul3A_433 : vector<16xf32>
        %swap3A_435 = arith.index_cast %add3A_403 : i32 to index
        %swap3A_436 = arith.constant 32 : index
        %swap3A_437 = tpu.vector_load %arg11[%swap3A_435, %swap3A_436] {strides = array<i32>} : memref<400x64xf32, #tpu.memory_space<vmem>>, vector<1x16xf32>,
        %swap3A_438 = vector.shape_cast %swap3A_437 : vector<1x16xf32> to vector<16xf32>
        %swap3A_439 = vector.shape_cast %mul3A_434 : vector<16xf32> to vector<1x16xf32>
        tpu.vector_store %arg11[%swap3A_435, %swap3A_436], %swap3A_439 {strides = array<i32>} : memref<400x64xf32, #tpu.memory_space<vmem>>, vector<1x16xf32>,
        %get3A_440 = arith.index_cast %add3A_403 : i32 to index
        %get3A_441 = arith.constant 48 : index
        %get3A_442 = tpu.vector_load %arg11[%get3A_440, %get3A_441] {strides = array<i32>} : memref<400x64xf32, #tpu.memory_space<vmem>>, vector<1x16xf32>,
        %get3A_443 = vector.shape_cast %get3A_442 : vector<1x16xf32> to vector<16xf32>
        %mul3A_444 = arith.constant 8.000000e+00 : f32
        %mul3A_445 = vector.broadcast %mul3A_444 : f32 to vector<16xf32>
        %mul3A_446 = arith.mulf %get3A_443, %mul3A_445 : vector<16xf32>
        %swap3A_447 = arith.index_cast %add3A_403 : i32 to index
        %swap3A_448 = arith.constant 48 : index
        %swap3A_449 = tpu.vector_load %arg11[%swap3A_447, %swap3A_448] {strides = array<i32>} : memref<400x64xf32, #tpu.memory_space<vmem>>, vector<1x16xf32>,
        %swap3A_450 = vector.shape_cast %swap3A_449 : vector<1x16xf32> to vector<16xf32>
        %swap3A_451 = vector.shape_cast %mul3A_446 : vector<16xf32> to vector<1x16xf32>
        tpu.vector_store %arg11[%swap3A_447, %swap3A_448], %swap3A_451 {strides = array<i32>} : memref<400x64xf32, #tpu.memory_space<vmem>>, vector<1x16xf32>,
        %scan3A_452 = arith.constant 5 : i32
        %scan3A_453 = arith.addi %scan3A_185, %scan3A_452 : i32
        %mul3A_454 = arith.constant 1 : i32
        %mul3A_455 = arith.muli %scan3A_453, %mul3A_454 : i32
        %add3A_456 = arith.constant 0 : i32
        %add3A_457 = arith.addi %add3A_456, %mul3A_455 : i32
        %get3A_458 = arith.index_cast %add3A_457 : i32 to index
        %get3A_459 = arith.constant 0 : index
        %get3A_460 = tpu.vector_load %arg11[%get3A_458, %get3A_459] {strides = array<i32>} : memref<400x64xf32, #tpu.memory_space<vmem>>, vector<1x16xf32>,
        %get3A_461 = vector.shape_cast %get3A_460 : vector<1x16xf32> to vector<16xf32>
        %mul3A_462 = arith.constant 8.000000e+00 : f32
        %mul3A_463 = vector.broadcast %mul3A_462 : f32 to vector<16xf32>
        %mul3A_464 = arith.mulf %get3A_461, %mul3A_463 : vector<16xf32>
        %swap3A_465 = arith.index_cast %add3A_457 : i32 to index
        %swap3A_466 = arith.constant 0 : index
        %swap3A_467 = tpu.vector_load %arg11[%swap3A_465, %swap3A_466] {strides = array<i32>} : memref<400x64xf32, #tpu.memory_space<vmem>>, vector<1x16xf32>,
        %swap3A_468 = vector.shape_cast %swap3A_467 : vector<1x16xf32> to vector<16xf32>
        %swap3A_469 = vector.shape_cast %mul3A_464 : vector<16xf32> to vector<1x16xf32>
        tpu.vector_store %arg11[%swap3A_465, %swap3A_466], %swap3A_469 {strides = array<i32>} : memref<400x64xf32, #tpu.memory_space<vmem>>, vector<1x16xf32>,
        %get3A_470 = arith.index_cast %add3A_457 : i32 to index
        %get3A_471 = arith.constant 16 : index
        %get3A_472 = tpu.vector_load %arg11[%get3A_470, %get3A_471] {strides = array<i32>} : memref<400x64xf32, #tpu.memory_space<vmem>>, vector<1x16xf32>,
        %get3A_473 = vector.shape_cast %get3A_472 : vector<1x16xf32> to vector<16xf32>
        %mul3A_474 = arith.constant 8.000000e+00 : f32
        %mul3A_475 = vector.broadcast %mul3A_474 : f32 to vector<16xf32>
        %mul3A_476 = arith.mulf %get3A_473, %mul3A_475 : vector<16xf32>
        %swap3A_477 = arith.index_cast %add3A_457 : i32 to index
        %swap3A_478 = arith.constant 16 : index
        %swap3A_479 = tpu.vector_load %arg11[%swap3A_477, %swap3A_478] {strides = array<i32>} : memref<400x64xf32, #tpu.memory_space<vmem>>, vector<1x16xf32>,
        %swap3A_480 = vector.shape_cast %swap3A_479 : vector<1x16xf32> to vector<16xf32>
        %swap3A_481 = vector.shape_cast %mul3A_476 : vector<16xf32> to vector<1x16xf32>
        tpu.vector_store %arg11[%swap3A_477, %swap3A_478], %swap3A_481 {strides = array<i32>} : memref<400x64xf32, #tpu.memory_space<vmem>>, vector<1x16xf32>,
        %get3A_482 = arith.index_cast %add3A_457 : i32 to index
        %get3A_483 = arith.constant 32 : index
        %get3A_484 = tpu.vector_load %arg11[%get3A_482, %get3A_483] {strides = array<i32>} : memref<400x64xf32, #tpu.memory_space<vmem>>, vector<1x16xf32>,
        %get3A_485 = vector.shape_cast %get3A_484 : vector<1x16xf32> to vector<16xf32>
        %mul3A_486 = arith.constant 8.000000e+00 : f32
        %mul3A_487 = vector.broadcast %mul3A_486 : f32 to vector<16xf32>
        %mul3A_488 = arith.mulf %get3A_485, %mul3A_487 : vector<16xf32>
        %swap3A_489 = arith.index_cast %add3A_457 : i32 to index
        %swap3A_490 = arith.constant 32 : index
        %swap3A_491 = tpu.vector_load %arg11[%swap3A_489, %swap3A_490] {strides = array<i32>} : memref<400x64xf32, #tpu.memory_space<vmem>>, vector<1x16xf32>,
        %swap3A_492 = vector.shape_cast %swap3A_491 : vector<1x16xf32> to vector<16xf32>
        %swap3A_493 = vector.shape_cast %mul3A_488 : vector<16xf32> to vector<1x16xf32>
        tpu.vector_store %arg11[%swap3A_489, %swap3A_490], %swap3A_493 {strides = array<i32>} : memref<400x64xf32, #tpu.memory_space<vmem>>, vector<1x16xf32>,
        %get3A_494 = arith.index_cast %add3A_457 : i32 to index
        %get3A_495 = arith.constant 48 : index
        %get3A_496 = tpu.vector_load %arg11[%get3A_494, %get3A_495] {strides = array<i32>} : memref<400x64xf32, #tpu.memory_space<vmem>>, vector<1x16xf32>,
        %get3A_497 = vector.shape_cast %get3A_496 : vector<1x16xf32> to vector<16xf32>
        %mul3A_498 = arith.constant 8.000000e+00 : f32
        %mul3A_499 = vector.broadcast %mul3A_498 : f32 to vector<16xf32>
        %mul3A_500 = arith.mulf %get3A_497, %mul3A_499 : vector<16xf32>
        %swap3A_501 = arith.index_cast %add3A_457 : i32 to index
        %swap3A_502 = arith.constant 48 : index
        %swap3A_503 = tpu.vector_load %arg11[%swap3A_501, %swap3A_502] {strides = array<i32>} : memref<400x64xf32, #tpu.memory_space<vmem>>, vector<1x16xf32>,
        %swap3A_504 = vector.shape_cast %swap3A_503 : vector<1x16xf32> to vector<16xf32>
        %swap3A_505 = vector.shape_cast %mul3A_500 : vector<16xf32> to vector<1x16xf32>
        tpu.vector_store %arg11[%swap3A_501, %swap3A_502], %swap3A_505 {strides = array<i32>} : memref<400x64xf32, #tpu.memory_space<vmem>>, vector<1x16xf32>,
        %scan3A_506 = arith.constant 6 : i32
        %scan3A_507 = arith.addi %scan3A_185, %scan3A_506 : i32
        %mul3A_508 = arith.constant 1 : i32
        %mul3A_509 = arith.muli %scan3A_507, %mul3A_508 : i32
        %add3A_510 = arith.constant 0 : i32
        %add3A_511 = arith.addi %add3A_510, %mul3A_509 : i32
        %get3A_512 = arith.index_cast %add3A_511 : i32 to index
        %get3A_513 = arith.constant 0 : index
        %get3A_514 = tpu.vector_load %arg11[%get3A_512, %get3A_513] {strides = array<i32>} : memref<400x64xf32, #tpu.memory_space<vmem>>, vector<1x16xf32>,
        %get3A_515 = vector.shape_cast %get3A_514 : vector<1x16xf32> to vector<16xf32>
        %mul3A_516 = arith.constant 8.000000e+00 : f32
        %mul3A_517 = vector.broadcast %mul3A_516 : f32 to vector<16xf32>
        %mul3A_518 = arith.mulf %get3A_515, %mul3A_517 : vector<16xf32>
        %swap3A_519 = arith.index_cast %add3A_511 : i32 to index
        %swap3A_520 = arith.constant 0 : index
        %swap3A_521 = tpu.vector_load %arg11[%swap3A_519, %swap3A_520] {strides = array<i32>} : memref<400x64xf32, #tpu.memory_space<vmem>>, vector<1x16xf32>,
        %swap3A_522 = vector.shape_cast %swap3A_521 : vector<1x16xf32> to vector<16xf32>
        %swap3A_523 = vector.shape_cast %mul3A_518 : vector<16xf32> to vector<1x16xf32>
        tpu.vector_store %arg11[%swap3A_519, %swap3A_520], %swap3A_523 {strides = array<i32>} : memref<400x64xf32, #tpu.memory_space<vmem>>, vector<1x16xf32>,
        %get3A_524 = arith.index_cast %add3A_511 : i32 to index
        %get3A_525 = arith.constant 16 : index
        %get3A_526 = tpu.vector_load %arg11[%get3A_524, %get3A_525] {strides = array<i32>} : memref<400x64xf32, #tpu.memory_space<vmem>>, vector<1x16xf32>,
        %get3A_527 = vector.shape_cast %get3A_526 : vector<1x16xf32> to vector<16xf32>
        %mul3A_528 = arith.constant 8.000000e+00 : f32
        %mul3A_529 = vector.broadcast %mul3A_528 : f32 to vector<16xf32>
        %mul3A_530 = arith.mulf %get3A_527, %mul3A_529 : vector<16xf32>
        %swap3A_531 = arith.index_cast %add3A_511 : i32 to index
        %swap3A_532 = arith.constant 16 : index
        %swap3A_533 = tpu.vector_load %arg11[%swap3A_531, %swap3A_532] {strides = array<i32>} : memref<400x64xf32, #tpu.memory_space<vmem>>, vector<1x16xf32>,
        %swap3A_534 = vector.shape_cast %swap3A_533 : vector<1x16xf32> to vector<16xf32>
        %swap3A_535 = vector.shape_cast %mul3A_530 : vector<16xf32> to vector<1x16xf32>
        tpu.vector_store %arg11[%swap3A_531, %swap3A_532], %swap3A_535 {strides = array<i32>} : memref<400x64xf32, #tpu.memory_space<vmem>>, vector<1x16xf32>,
        %get3A_536 = arith.index_cast %add3A_511 : i32 to index
        %get3A_537 = arith.constant 32 : index
        %get3A_538 = tpu.vector_load %arg11[%get3A_536, %get3A_537] {strides = array<i32>} : memref<400x64xf32, #tpu.memory_space<vmem>>, vector<1x16xf32>,
        %get3A_539 = vector.shape_cast %get3A_538 : vector<1x16xf32> to vector<16xf32>
        %mul3A_540 = arith.constant 8.000000e+00 : f32
        %mul3A_541 = vector.broadcast %mul3A_540 : f32 to vector<16xf32>
        %mul3A_542 = arith.mulf %get3A_539, %mul3A_541 : vector<16xf32>
        %swap3A_543 = arith.index_cast %add3A_511 : i32 to index
        %swap3A_544 = arith.constant 32 : index
        %swap3A_545 = tpu.vector_load %arg11[%swap3A_543, %swap3A_544] {strides = array<i32>} : memref<400x64xf32, #tpu.memory_space<vmem>>, vector<1x16xf32>,
        %swap3A_546 = vector.shape_cast %swap3A_545 : vector<1x16xf32> to vector<16xf32>
        %swap3A_547 = vector.shape_cast %mul3A_542 : vector<16xf32> to vector<1x16xf32>
        tpu.vector_store %arg11[%swap3A_543, %swap3A_544], %swap3A_547 {strides = array<i32>} : memref<400x64xf32, #tpu.memory_space<vmem>>, vector<1x16xf32>,
        %get3A_548 = arith.index_cast %add3A_511 : i32 to index
        %get3A_549 = arith.constant 48 : index
        %get3A_550 = tpu.vector_load %arg11[%get3A_548, %get3A_549] {strides = array<i32>} : memref<400x64xf32, #tpu.memory_space<vmem>>, vector<1x16xf32>,
        %get3A_551 = vector.shape_cast %get3A_550 : vector<1x16xf32> to vector<16xf32>
        %mul3A_552 = arith.constant 8.000000e+00 : f32
        %mul3A_553 = vector.broadcast %mul3A_552 : f32 to vector<16xf32>
        %mul3A_554 = arith.mulf %get3A_551, %mul3A_553 : vector<16xf32>
        %swap3A_555 = arith.index_cast %add3A_511 : i32 to index
        %swap3A_556 = arith.constant 48 : index
        %swap3A_557 = tpu.vector_load %arg11[%swap3A_555, %swap3A_556] {strides = array<i32>} : memref<400x64xf32, #tpu.memory_space<vmem>>, vector<1x16xf32>,
        %swap3A_558 = vector.shape_cast %swap3A_557 : vector<1x16xf32> to vector<16xf32>
        %swap3A_559 = vector.shape_cast %mul3A_554 : vector<16xf32> to vector<1x16xf32>
        tpu.vector_store %arg11[%swap3A_555, %swap3A_556], %swap3A_559 {strides = array<i32>} : memref<400x64xf32, #tpu.memory_space<vmem>>, vector<1x16xf32>,
        %scan3A_560 = arith.constant 7 : i32
        %scan3A_561 = arith.addi %scan3A_185, %scan3A_560 : i32
        %mul3A_562 = arith.constant 1 : i32
        %mul3A_563 = arith.muli %scan3A_561, %mul3A_562 : i32
        %add3A_564 = arith.constant 0 : i32
        %add3A_565 = arith.addi %add3A_564, %mul3A_563 : i32
        %get3A_566 = arith.index_cast %add3A_565 : i32 to index
        %get3A_567 = arith.constant 0 : index
        %get3A_568 = tpu.vector_load %arg11[%get3A_566, %get3A_567] {strides = array<i32>} : memref<400x64xf32, #tpu.memory_space<vmem>>, vector<1x16xf32>,
        %get3A_569 = vector.shape_cast %get3A_568 : vector<1x16xf32> to vector<16xf32>
        %mul3A_570 = arith.constant 8.000000e+00 : f32
        %mul3A_571 = vector.broadcast %mul3A_570 : f32 to vector<16xf32>
        %mul3A_572 = arith.mulf %get3A_569, %mul3A_571 : vector<16xf32>
        %swap3A_573 = arith.index_cast %add3A_565 : i32 to index
        %swap3A_574 = arith.constant 0 : index
        %swap3A_575 = tpu.vector_load %arg11[%swap3A_573, %swap3A_574] {strides = array<i32>} : memref<400x64xf32, #tpu.memory_space<vmem>>, vector<1x16xf32>,
        %swap3A_576 = vector.shape_cast %swap3A_575 : vector<1x16xf32> to vector<16xf32>
        %swap3A_577 = vector.shape_cast %mul3A_572 : vector<16xf32> to vector<1x16xf32>
        tpu.vector_store %arg11[%swap3A_573, %swap3A_574], %swap3A_577 {strides = array<i32>} : memref<400x64xf32, #tpu.memory_space<vmem>>, vector<1x16xf32>,
        %get3A_578 = arith.index_cast %add3A_565 : i32 to index
        %get3A_579 = arith.constant 16 : index
        %get3A_580 = tpu.vector_load %arg11[%get3A_578, %get3A_579] {strides = array<i32>} : memref<400x64xf32, #tpu.memory_space<vmem>>, vector<1x16xf32>,
        %get3A_581 = vector.shape_cast %get3A_580 : vector<1x16xf32> to vector<16xf32>
        %mul3A_582 = arith.constant 8.000000e+00 : f32
        %mul3A_583 = vector.broadcast %mul3A_582 : f32 to vector<16xf32>
        %mul3A_584 = arith.mulf %get3A_581, %mul3A_583 : vector<16xf32>
        %swap3A_585 = arith.index_cast %add3A_565 : i32 to index
        %swap3A_586 = arith.constant 16 : index
        %swap3A_587 = tpu.vector_load %arg11[%swap3A_585, %swap3A_586] {strides = array<i32>} : memref<400x64xf32, #tpu.memory_space<vmem>>, vector<1x16xf32>,
        %swap3A_588 = vector.shape_cast %swap3A_587 : vector<1x16xf32> to vector<16xf32>
        %swap3A_589 = vector.shape_cast %mul3A_584 : vector<16xf32> to vector<1x16xf32>
        tpu.vector_store %arg11[%swap3A_585, %swap3A_586], %swap3A_589 {strides = array<i32>} : memref<400x64xf32, #tpu.memory_space<vmem>>, vector<1x16xf32>,
        %get3A_590 = arith.index_cast %add3A_565 : i32 to index
        %get3A_591 = arith.constant 32 : index
        %get3A_592 = tpu.vector_load %arg11[%get3A_590, %get3A_591] {strides = array<i32>} : memref<400x64xf32, #tpu.memory_space<vmem>>, vector<1x16xf32>,
        %get3A_593 = vector.shape_cast %get3A_592 : vector<1x16xf32> to vector<16xf32>
        %mul3A_594 = arith.constant 8.000000e+00 : f32
        %mul3A_595 = vector.broadcast %mul3A_594 : f32 to vector<16xf32>
        %mul3A_596 = arith.mulf %get3A_593, %mul3A_595 : vector<16xf32>
        %swap3A_597 = arith.index_cast %add3A_565 : i32 to index
        %swap3A_598 = arith.constant 32 : index
        %swap3A_599 = tpu.vector_load %arg11[%swap3A_597, %swap3A_598] {strides = array<i32>} : memref<400x64xf32, #tpu.memory_space<vmem>>, vector<1x16xf32>,
        %swap3A_600 = vector.shape_cast %swap3A_599 : vector<1x16xf32> to vector<16xf32>
        %swap3A_601 = vector.shape_cast %mul3A_596 : vector<16xf32> to vector<1x16xf32>
        tpu.vector_store %arg11[%swap3A_597, %swap3A_598], %swap3A_601 {strides = array<i32>} : memref<400x64xf32, #tpu.memory_space<vmem>>, vector<1x16xf32>,
        %get3A_602 = arith.index_cast %add3A_565 : i32 to index
        %get3A_603 = arith.constant 48 : index
        %get3A_604 = tpu.vector_load %arg11[%get3A_602, %get3A_603] {strides = array<i32>} : memref<400x64xf32, #tpu.memory_space<vmem>>, vector<1x16xf32>,
        %get3A_605 = vector.shape_cast %get3A_604 : vector<1x16xf32> to vector<16xf32>
        %mul3A_606 = arith.constant 8.000000e+00 : f32
        %mul3A_607 = vector.broadcast %mul3A_606 : f32 to vector<16xf32>
        %mul3A_608 = arith.mulf %get3A_605, %mul3A_607 : vector<16xf32>
        %swap3A_609 = arith.index_cast %add3A_565 : i32 to index
        %swap3A_610 = arith.constant 48 : index
        %swap3A_611 = tpu.vector_load %arg11[%swap3A_609, %swap3A_610] {strides = array<i32>} : memref<400x64xf32, #tpu.memory_space<vmem>>, vector<1x16xf32>,
        %swap3A_612 = vector.shape_cast %swap3A_611 : vector<1x16xf32> to vector<16xf32>
        %swap3A_613 = vector.shape_cast %mul3A_608 : vector<16xf32> to vector<1x16xf32>
        tpu.vector_store %arg11[%swap3A_609, %swap3A_610], %swap3A_613 {strides = array<i32>} : memref<400x64xf32, #tpu.memory_space<vmem>>, vector<1x16xf32>,
      }
      %scan3A_146 = arith.constant 400 : i32
      %mul3A_147 = arith.constant 400 : i32
      %mul3A_148 = arith.muli %add3A_124, %mul3A_147 : i32
      %add3A_149 = arith.addi %mul3A_2, %mul3A_148 : i32
      %dma_start3A_150 = arith.constant 0 : i32
      %dma_start3A_151 = tpu.memref_slice %arg4[%add3A_149, %dma_start3A_150] : memref<3276800x128xf32, #tpu.memory_space<hbm>> -> memref<400x64xf32, #tpu.memory_space<hbm>>
      %dma_start3A_152 = arith.constant 0 : i32
      %dma_start3A_153 = tpu.memref_slice %arg4[%add3A_149, %dma_start3A_152] : memref<3276800x128xf32, #tpu.memory_space<hbm>> -> memref<400x64xf32, #tpu.memory_space<hbm>>
      tpu.enqueue_dma source(%arg11 : memref<400x64xf32, #tpu.memory_space<vmem>>) target(%dma_start3A_153 : memref<400x64xf32, #tpu.memory_space<hbm>>) target_semaphore(%arg23 : memref<!tpu.dma_semaphore, #tpu.memory_space<semaphore_mem>>)
      %add3A_154 = arith.constant 3 : i32
      %add3A_155 = arith.addi %add3A_63, %add3A_154 : i32
      %add3A_156 = arith.constant 2 : i32
      %add3A_157 = arith.addi %add3A_155, %add3A_156 : i32
      %lt3A_158 = arith.constant 256 : i32
      %lt3A_159 = arith.cmpi slt, %add3A_157, %lt3A_158 : i32
      %convert_element_type3A_160 = arith.extui %lt3A_159 : i1 to i32
      %cond3A_161 = arith.constant 0 : i32
      %cond3A_162 = arith.cmpi ne, %convert_element_type3A_160, %cond3A_161 : i32
      scf.if %cond3A_162 {
        %dma_wait3A_185 = arith.constant 0 : i32
        %dma_wait3A_186 = tpu.memref_slice %arg3[%dma_wait3A_185] : memref<3276800xi32, #tpu.memory_space<hbm>> -> memref<400xi32, #tpu.memory_space<hbm>>
        %dma_wait3A_187 = arith.constant 0 : i32
        %dma_wait3A_188 = tpu.memref_slice %arg3[%dma_wait3A_187] : memref<3276800xi32, #tpu.memory_space<hbm>> -> memref<400xi32, #tpu.memory_space<hbm>>
        tpu.wait_dma2 semaphore(%arg14 : memref<!tpu.dma_semaphore, #tpu.memory_space<semaphore_mem>>) src(%dma_wait3A_188 : memref<400xi32, #tpu.memory_space<hbm>>) dst(%arg6 : memref<400xi32, #tpu.memory_space<vmem>>)
        %ge3A = arith.constant 4 : i32
        %ge3A_189 = arith.cmpi sge, %add3A_157, %ge3A : i32
        %convert_element_type3A_190 = arith.extui %ge3A_189 : i1 to i32
        %cond3A_191 = arith.constant 0 : i32
        %cond3A_192 = arith.cmpi ne, %convert_element_type3A_190, %cond3A_191 : i32
        scf.if %cond3A_192 {
          %dma_wait3A_196 = arith.constant 0 : i32
          %dma_wait3A_197 = arith.constant 0 : i32
          %dma_wait3A_198 = tpu.memref_slice %arg4[%dma_wait3A_196, %dma_wait3A_197] : memref<3276800x128xf32, #tpu.memory_space<hbm>> -> memref<400x64xf32, #tpu.memory_space<hbm>>
          %dma_wait3A_199 = arith.constant 0 : i32
          %dma_wait3A_200 = arith.constant 0 : i32
          %dma_wait3A_201 = tpu.memref_slice %arg4[%dma_wait3A_199, %dma_wait3A_200] : memref<3276800x128xf32, #tpu.memory_space<hbm>> -> memref<400x64xf32, #tpu.memory_space<hbm>>
          tpu.wait_dma2 semaphore(%arg22 : memref<!tpu.dma_semaphore, #tpu.memory_space<semaphore_mem>>) src(%arg10 : memref<400x64xf32, #tpu.memory_space<vmem>>) dst(%dma_wait3A_201 : memref<400x64xf32, #tpu.memory_space<hbm>>)
        } else {
        }
        %dma_start3A_193 = arith.constant 0 : i32
        %dma_start3A_194 = arith.constant 0 : i32
        %dma_start3A_195 = tpu.memref_slice %arg2[%dma_start3A_193, %dma_start3A_194] : memref<1000000x64xf32, #tpu.memory_space<hbm>> -> memref<1000000x64xf32, #tpu.memory_space<hbm>>
        tpu.enqueue_indirect_dma source(%dma_start3A_195 : memref<1000000x64xf32, #tpu.memory_space<hbm>>) target(%arg10 : memref<400x64xf32, #tpu.memory_space<vmem>>) offsets(%arg6 : memref<400xi32, #tpu.memory_space<vmem>>) semaphore(%arg18 : memref<!tpu.dma_semaphore, #tpu.memory_space<semaphore_mem>>)
      } else {
      }
      %dma_wait3A_163 = arith.constant 0 : i32
      %dma_wait3A_164 = arith.constant 0 : i32
      %dma_wait3A_165 = tpu.memref_slice %arg2[%dma_wait3A_163, %dma_wait3A_164] : memref<1000000x64xf32, #tpu.memory_space<hbm>> -> memref<1000000x64xf32, #tpu.memory_space<hbm>>
      tpu.wait_indirect_dma semaphore(%arg20 : memref<!tpu.dma_semaphore, #tpu.memory_space<semaphore_mem>>) src(%dma_wait3A_165 : memref<1000000x64xf32, #tpu.memory_space<hbm>>) dst(%arg12 : memref<400x64xf32, #tpu.memory_space<vmem>>)
      %add3A_166 = arith.constant 4 : i32
      %add3A_167 = arith.addi %add3A_155, %add3A_166 : i32
      %lt3A_168 = arith.constant 256 : i32
      %lt3A_169 = arith.cmpi slt, %add3A_167, %lt3A_168 : i32
      %convert_element_type3A_170 = arith.extui %lt3A_169 : i1 to i32
      %cond3A_171 = arith.constant 0 : i32
      %cond3A_172 = arith.cmpi ne, %convert_element_type3A_170, %cond3A_171 : i32
      scf.if %cond3A_172 {
        %add3A_185 = arith.constant 4 : i32
        %add3A_186 = arith.addi %add3A_155, %add3A_185 : i32
        %mul3A_187 = arith.constant 400 : i32
        %mul3A_188 = arith.muli %add3A_186, %mul3A_187 : i32
        %add3A_189 = arith.addi %mul3A_2, %mul3A_188 : i32
        %dma_start3A_190 = tpu.memref_slice %arg3[%add3A_189] : memref<3276800xi32, #tpu.memory_space<hbm>> -> memref<400xi32, #tpu.memory_space<hbm>>
        %dma_start3A_191 = tpu.memref_slice %arg3[%add3A_189] : memref<3276800xi32, #tpu.memory_space<hbm>> -> memref<400xi32, #tpu.memory_space<hbm>>
        tpu.enqueue_dma source(%dma_start3A_191 : memref<400xi32, #tpu.memory_space<hbm>>) target(%arg8 : memref<400xi32, #tpu.memory_space<vmem>>) target_semaphore(%arg16 : memref<!tpu.dma_semaphore, #tpu.memory_space<semaphore_mem>>)
      } else {
      }
      %scan3A_173 = arith.constant 0 : i32
      %scan3A_174 = arith.constant 400 : i32
      %scan3A_175 = arith.addi %scan3A_173, %scan3A_174 : i32
      %scan3A_176 = arith.constant 8 : i32
      scf.for %scan3A_185 = %scan3A_173 to %scan3A_175 step %scan3A_176  : i32 {
        %mul3A_186 = arith.constant 1 : i32
        %mul3A_187 = arith.muli %scan3A_185, %mul3A_186 : i32
        %add3A_188 = arith.constant 0 : i32
        %add3A_189 = arith.addi %add3A_188, %mul3A_187 : i32
        %get3A = arith.index_cast %add3A_189 : i32 to index
        %get3A_190 = arith.constant 0 : index
        %get3A_191 = tpu.vector_load %arg12[%get3A, %get3A_190] {strides = array<i32>} : memref<400x64xf32, #tpu.memory_space<vmem>>, vector<1x16xf32>,
        %get3A_192 = vector.shape_cast %get3A_191 : vector<1x16xf32> to vector<16xf32>
        %mul3A_193 = arith.constant 8.000000e+00 : f32
        %mul3A_194 = vector.broadcast %mul3A_193 : f32 to vector<16xf32>
        %mul3A_195 = arith.mulf %get3A_192, %mul3A_194 : vector<16xf32>
        %swap3A = arith.index_cast %add3A_189 : i32 to index
        %swap3A_196 = arith.constant 0 : index
        %swap3A_197 = tpu.vector_load %arg12[%swap3A, %swap3A_196] {strides = array<i32>} : memref<400x64xf32, #tpu.memory_space<vmem>>, vector<1x16xf32>,
        %swap3A_198 = vector.shape_cast %swap3A_197 : vector<1x16xf32> to vector<16xf32>
        %swap3A_199 = vector.shape_cast %mul3A_195 : vector<16xf32> to vector<1x16xf32>
        tpu.vector_store %arg12[%swap3A, %swap3A_196], %swap3A_199 {strides = array<i32>} : memref<400x64xf32, #tpu.memory_space<vmem>>, vector<1x16xf32>,
        %get3A_200 = arith.index_cast %add3A_189 : i32 to index
        %get3A_201 = arith.constant 16 : index
        %get3A_202 = tpu.vector_load %arg12[%get3A_200, %get3A_201] {strides = array<i32>} : memref<400x64xf32, #tpu.memory_space<vmem>>, vector<1x16xf32>,
        %get3A_203 = vector.shape_cast %get3A_202 : vector<1x16xf32> to vector<16xf32>
        %mul3A_204 = arith.constant 8.000000e+00 : f32
        %mul3A_205 = vector.broadcast %mul3A_204 : f32 to vector<16xf32>
        %mul3A_206 = arith.mulf %get3A_203, %mul3A_205 : vector<16xf32>
        %swap3A_207 = arith.index_cast %add3A_189 : i32 to index
        %swap3A_208 = arith.constant 16 : index
        %swap3A_209 = tpu.vector_load %arg12[%swap3A_207, %swap3A_208] {strides = array<i32>} : memref<400x64xf32, #tpu.memory_space<vmem>>, vector<1x16xf32>,
        %swap3A_210 = vector.shape_cast %swap3A_209 : vector<1x16xf32> to vector<16xf32>
        %swap3A_211 = vector.shape_cast %mul3A_206 : vector<16xf32> to vector<1x16xf32>
        tpu.vector_store %arg12[%swap3A_207, %swap3A_208], %swap3A_211 {strides = array<i32>} : memref<400x64xf32, #tpu.memory_space<vmem>>, vector<1x16xf32>,
        %get3A_212 = arith.index_cast %add3A_189 : i32 to index
        %get3A_213 = arith.constant 32 : index
        %get3A_214 = tpu.vector_load %arg12[%get3A_212, %get3A_213] {strides = array<i32>} : memref<400x64xf32, #tpu.memory_space<vmem>>, vector<1x16xf32>,
        %get3A_215 = vector.shape_cast %get3A_214 : vector<1x16xf32> to vector<16xf32>
        %mul3A_216 = arith.constant 8.000000e+00 : f32
        %mul3A_217 = vector.broadcast %mul3A_216 : f32 to vector<16xf32>
        %mul3A_218 = arith.mulf %get3A_215, %mul3A_217 : vector<16xf32>
        %swap3A_219 = arith.index_cast %add3A_189 : i32 to index
        %swap3A_220 = arith.constant 32 : index
        %swap3A_221 = tpu.vector_load %arg12[%swap3A_219, %swap3A_220] {strides = array<i32>} : memref<400x64xf32, #tpu.memory_space<vmem>>, vector<1x16xf32>,
        %swap3A_222 = vector.shape_cast %swap3A_221 : vector<1x16xf32> to vector<16xf32>
        %swap3A_223 = vector.shape_cast %mul3A_218 : vector<16xf32> to vector<1x16xf32>
        tpu.vector_store %arg12[%swap3A_219, %swap3A_220], %swap3A_223 {strides = array<i32>} : memref<400x64xf32, #tpu.memory_space<vmem>>, vector<1x16xf32>,
        %get3A_224 = arith.index_cast %add3A_189 : i32 to index
        %get3A_225 = arith.constant 48 : index
        %get3A_226 = tpu.vector_load %arg12[%get3A_224, %get3A_225] {strides = array<i32>} : memref<400x64xf32, #tpu.memory_space<vmem>>, vector<1x16xf32>,
        %get3A_227 = vector.shape_cast %get3A_226 : vector<1x16xf32> to vector<16xf32>
        %mul3A_228 = arith.constant 8.000000e+00 : f32
        %mul3A_229 = vector.broadcast %mul3A_228 : f32 to vector<16xf32>
        %mul3A_230 = arith.mulf %get3A_227, %mul3A_229 : vector<16xf32>
        %swap3A_231 = arith.index_cast %add3A_189 : i32 to index
        %swap3A_232 = arith.constant 48 : index
        %swap3A_233 = tpu.vector_load %arg12[%swap3A_231, %swap3A_232] {strides = array<i32>} : memref<400x64xf32, #tpu.memory_space<vmem>>, vector<1x16xf32>,
        %swap3A_234 = vector.shape_cast %swap3A_233 : vector<1x16xf32> to vector<16xf32>
        %swap3A_235 = vector.shape_cast %mul3A_230 : vector<16xf32> to vector<1x16xf32>
        tpu.vector_store %arg12[%swap3A_231, %swap3A_232], %swap3A_235 {strides = array<i32>} : memref<400x64xf32, #tpu.memory_space<vmem>>, vector<1x16xf32>,
        %scan3A_236 = arith.constant 1 : i32
        %scan3A_237 = arith.addi %scan3A_185, %scan3A_236 : i32
        %mul3A_238 = arith.constant 1 : i32
        %mul3A_239 = arith.muli %scan3A_237, %mul3A_238 : i32
        %add3A_240 = arith.constant 0 : i32
        %add3A_241 = arith.addi %add3A_240, %mul3A_239 : i32
        %get3A_242 = arith.index_cast %add3A_241 : i32 to index
        %get3A_243 = arith.constant 0 : index
        %get3A_244 = tpu.vector_load %arg12[%get3A_242, %get3A_243] {strides = array<i32>} : memref<400x64xf32, #tpu.memory_space<vmem>>, vector<1x16xf32>,
        %get3A_245 = vector.shape_cast %get3A_244 : vector<1x16xf32> to vector<16xf32>
        %mul3A_246 = arith.constant 8.000000e+00 : f32
        %mul3A_247 = vector.broadcast %mul3A_246 : f32 to vector<16xf32>
        %mul3A_248 = arith.mulf %get3A_245, %mul3A_247 : vector<16xf32>
        %swap3A_249 = arith.index_cast %add3A_241 : i32 to index
        %swap3A_250 = arith.constant 0 : index
        %swap3A_251 = tpu.vector_load %arg12[%swap3A_249, %swap3A_250] {strides = array<i32>} : memref<400x64xf32, #tpu.memory_space<vmem>>, vector<1x16xf32>,
        %swap3A_252 = vector.shape_cast %swap3A_251 : vector<1x16xf32> to vector<16xf32>
        %swap3A_253 = vector.shape_cast %mul3A_248 : vector<16xf32> to vector<1x16xf32>
        tpu.vector_store %arg12[%swap3A_249, %swap3A_250], %swap3A_253 {strides = array<i32>} : memref<400x64xf32, #tpu.memory_space<vmem>>, vector<1x16xf32>,
        %get3A_254 = arith.index_cast %add3A_241 : i32 to index
        %get3A_255 = arith.constant 16 : index
        %get3A_256 = tpu.vector_load %arg12[%get3A_254, %get3A_255] {strides = array<i32>} : memref<400x64xf32, #tpu.memory_space<vmem>>, vector<1x16xf32>,
        %get3A_257 = vector.shape_cast %get3A_256 : vector<1x16xf32> to vector<16xf32>
        %mul3A_258 = arith.constant 8.000000e+00 : f32
        %mul3A_259 = vector.broadcast %mul3A_258 : f32 to vector<16xf32>
        %mul3A_260 = arith.mulf %get3A_257, %mul3A_259 : vector<16xf32>
        %swap3A_261 = arith.index_cast %add3A_241 : i32 to index
        %swap3A_262 = arith.constant 16 : index
        %swap3A_263 = tpu.vector_load %arg12[%swap3A_261, %swap3A_262] {strides = array<i32>} : memref<400x64xf32, #tpu.memory_space<vmem>>, vector<1x16xf32>,
        %swap3A_264 = vector.shape_cast %swap3A_263 : vector<1x16xf32> to vector<16xf32>
        %swap3A_265 = vector.shape_cast %mul3A_260 : vector<16xf32> to vector<1x16xf32>
        tpu.vector_store %arg12[%swap3A_261, %swap3A_262], %swap3A_265 {strides = array<i32>} : memref<400x64xf32, #tpu.memory_space<vmem>>, vector<1x16xf32>,
        %get3A_266 = arith.index_cast %add3A_241 : i32 to index
        %get3A_267 = arith.constant 32 : index
        %get3A_268 = tpu.vector_load %arg12[%get3A_266, %get3A_267] {strides = array<i32>} : memref<400x64xf32, #tpu.memory_space<vmem>>, vector<1x16xf32>,
        %get3A_269 = vector.shape_cast %get3A_268 : vector<1x16xf32> to vector<16xf32>
        %mul3A_270 = arith.constant 8.000000e+00 : f32
        %mul3A_271 = vector.broadcast %mul3A_270 : f32 to vector<16xf32>
        %mul3A_272 = arith.mulf %get3A_269, %mul3A_271 : vector<16xf32>
        %swap3A_273 = arith.index_cast %add3A_241 : i32 to index
        %swap3A_274 = arith.constant 32 : index
        %swap3A_275 = tpu.vector_load %arg12[%swap3A_273, %swap3A_274] {strides = array<i32>} : memref<400x64xf32, #tpu.memory_space<vmem>>, vector<1x16xf32>,
        %swap3A_276 = vector.shape_cast %swap3A_275 : vector<1x16xf32> to vector<16xf32>
        %swap3A_277 = vector.shape_cast %mul3A_272 : vector<16xf32> to vector<1x16xf32>
        tpu.vector_store %arg12[%swap3A_273, %swap3A_274], %swap3A_277 {strides = array<i32>} : memref<400x64xf32, #tpu.memory_space<vmem>>, vector<1x16xf32>,
        %get3A_278 = arith.index_cast %add3A_241 : i32 to index
        %get3A_279 = arith.constant 48 : index
        %get3A_280 = tpu.vector_load %arg12[%get3A_278, %get3A_279] {strides = array<i32>} : memref<400x64xf32, #tpu.memory_space<vmem>>, vector<1x16xf32>,
        %get3A_281 = vector.shape_cast %get3A_280 : vector<1x16xf32> to vector<16xf32>
        %mul3A_282 = arith.constant 8.000000e+00 : f32
        %mul3A_283 = vector.broadcast %mul3A_282 : f32 to vector<16xf32>
        %mul3A_284 = arith.mulf %get3A_281, %mul3A_283 : vector<16xf32>
        %swap3A_285 = arith.index_cast %add3A_241 : i32 to index
        %swap3A_286 = arith.constant 48 : index
        %swap3A_287 = tpu.vector_load %arg12[%swap3A_285, %swap3A_286] {strides = array<i32>} : memref<400x64xf32, #tpu.memory_space<vmem>>, vector<1x16xf32>,
        %swap3A_288 = vector.shape_cast %swap3A_287 : vector<1x16xf32> to vector<16xf32>
        %swap3A_289 = vector.shape_cast %mul3A_284 : vector<16xf32> to vector<1x16xf32>
        tpu.vector_store %arg12[%swap3A_285, %swap3A_286], %swap3A_289 {strides = array<i32>} : memref<400x64xf32, #tpu.memory_space<vmem>>, vector<1x16xf32>,
        %scan3A_290 = arith.constant 2 : i32
        %scan3A_291 = arith.addi %scan3A_185, %scan3A_290 : i32
        %mul3A_292 = arith.constant 1 : i32
        %mul3A_293 = arith.muli %scan3A_291, %mul3A_292 : i32
        %add3A_294 = arith.constant 0 : i32
        %add3A_295 = arith.addi %add3A_294, %mul3A_293 : i32
        %get3A_296 = arith.index_cast %add3A_295 : i32 to index
        %get3A_297 = arith.constant 0 : index
        %get3A_298 = tpu.vector_load %arg12[%get3A_296, %get3A_297] {strides = array<i32>} : memref<400x64xf32, #tpu.memory_space<vmem>>, vector<1x16xf32>,
        %get3A_299 = vector.shape_cast %get3A_298 : vector<1x16xf32> to vector<16xf32>
        %mul3A_300 = arith.constant 8.000000e+00 : f32
        %mul3A_301 = vector.broadcast %mul3A_300 : f32 to vector<16xf32>
        %mul3A_302 = arith.mulf %get3A_299, %mul3A_301 : vector<16xf32>
        %swap3A_303 = arith.index_cast %add3A_295 : i32 to index
        %swap3A_304 = arith.constant 0 : index
        %swap3A_305 = tpu.vector_load %arg12[%swap3A_303, %swap3A_304] {strides = array<i32>} : memref<400x64xf32, #tpu.memory_space<vmem>>, vector<1x16xf32>,
        %swap3A_306 = vector.shape_cast %swap3A_305 : vector<1x16xf32> to vector<16xf32>
        %swap3A_307 = vector.shape_cast %mul3A_302 : vector<16xf32> to vector<1x16xf32>
        tpu.vector_store %arg12[%swap3A_303, %swap3A_304], %swap3A_307 {strides = array<i32>} : memref<400x64xf32, #tpu.memory_space<vmem>>, vector<1x16xf32>,
        %get3A_308 = arith.index_cast %add3A_295 : i32 to index
        %get3A_309 = arith.constant 16 : index
        %get3A_310 = tpu.vector_load %arg12[%get3A_308, %get3A_309] {strides = array<i32>} : memref<400x64xf32, #tpu.memory_space<vmem>>, vector<1x16xf32>,
        %get3A_311 = vector.shape_cast %get3A_310 : vector<1x16xf32> to vector<16xf32>
        %mul3A_312 = arith.constant 8.000000e+00 : f32
        %mul3A_313 = vector.broadcast %mul3A_312 : f32 to vector<16xf32>
        %mul3A_314 = arith.mulf %get3A_311, %mul3A_313 : vector<16xf32>
        %swap3A_315 = arith.index_cast %add3A_295 : i32 to index
        %swap3A_316 = arith.constant 16 : index
        %swap3A_317 = tpu.vector_load %arg12[%swap3A_315, %swap3A_316] {strides = array<i32>} : memref<400x64xf32, #tpu.memory_space<vmem>>, vector<1x16xf32>,
        %swap3A_318 = vector.shape_cast %swap3A_317 : vector<1x16xf32> to vector<16xf32>
        %swap3A_319 = vector.shape_cast %mul3A_314 : vector<16xf32> to vector<1x16xf32>
        tpu.vector_store %arg12[%swap3A_315, %swap3A_316], %swap3A_319 {strides = array<i32>} : memref<400x64xf32, #tpu.memory_space<vmem>>, vector<1x16xf32>,
        %get3A_320 = arith.index_cast %add3A_295 : i32 to index
        %get3A_321 = arith.constant 32 : index
        %get3A_322 = tpu.vector_load %arg12[%get3A_320, %get3A_321] {strides = array<i32>} : memref<400x64xf32, #tpu.memory_space<vmem>>, vector<1x16xf32>,
        %get3A_323 = vector.shape_cast %get3A_322 : vector<1x16xf32> to vector<16xf32>
        %mul3A_324 = arith.constant 8.000000e+00 : f32
        %mul3A_325 = vector.broadcast %mul3A_324 : f32 to vector<16xf32>
        %mul3A_326 = arith.mulf %get3A_323, %mul3A_325 : vector<16xf32>
        %swap3A_327 = arith.index_cast %add3A_295 : i32 to index
        %swap3A_328 = arith.constant 32 : index
        %swap3A_329 = tpu.vector_load %arg12[%swap3A_327, %swap3A_328] {strides = array<i32>} : memref<400x64xf32, #tpu.memory_space<vmem>>, vector<1x16xf32>,
        %swap3A_330 = vector.shape_cast %swap3A_329 : vector<1x16xf32> to vector<16xf32>
        %swap3A_331 = vector.shape_cast %mul3A_326 : vector<16xf32> to vector<1x16xf32>
        tpu.vector_store %arg12[%swap3A_327, %swap3A_328], %swap3A_331 {strides = array<i32>} : memref<400x64xf32, #tpu.memory_space<vmem>>, vector<1x16xf32>,
        %get3A_332 = arith.index_cast %add3A_295 : i32 to index
        %get3A_333 = arith.constant 48 : index
        %get3A_334 = tpu.vector_load %arg12[%get3A_332, %get3A_333] {strides = array<i32>} : memref<400x64xf32, #tpu.memory_space<vmem>>, vector<1x16xf32>,
        %get3A_335 = vector.shape_cast %get3A_334 : vector<1x16xf32> to vector<16xf32>
        %mul3A_336 = arith.constant 8.000000e+00 : f32
        %mul3A_337 = vector.broadcast %mul3A_336 : f32 to vector<16xf32>
        %mul3A_338 = arith.mulf %get3A_335, %mul3A_337 : vector<16xf32>
        %swap3A_339 = arith.index_cast %add3A_295 : i32 to index
        %swap3A_340 = arith.constant 48 : index
        %swap3A_341 = tpu.vector_load %arg12[%swap3A_339, %swap3A_340] {strides = array<i32>} : memref<400x64xf32, #tpu.memory_space<vmem>>, vector<1x16xf32>,
        %swap3A_342 = vector.shape_cast %swap3A_341 : vector<1x16xf32> to vector<16xf32>
        %swap3A_343 = vector.shape_cast %mul3A_338 : vector<16xf32> to vector<1x16xf32>
        tpu.vector_store %arg12[%swap3A_339, %swap3A_340], %swap3A_343 {strides = array<i32>} : memref<400x64xf32, #tpu.memory_space<vmem>>, vector<1x16xf32>,
        %scan3A_344 = arith.constant 3 : i32
        %scan3A_345 = arith.addi %scan3A_185, %scan3A_344 : i32
        %mul3A_346 = arith.constant 1 : i32
        %mul3A_347 = arith.muli %scan3A_345, %mul3A_346 : i32
        %add3A_348 = arith.constant 0 : i32
        %add3A_349 = arith.addi %add3A_348, %mul3A_347 : i32
        %get3A_350 = arith.index_cast %add3A_349 : i32 to index
        %get3A_351 = arith.constant 0 : index
        %get3A_352 = tpu.vector_load %arg12[%get3A_350, %get3A_351] {strides = array<i32>} : memref<400x64xf32, #tpu.memory_space<vmem>>, vector<1x16xf32>,
        %get3A_353 = vector.shape_cast %get3A_352 : vector<1x16xf32> to vector<16xf32>
        %mul3A_354 = arith.constant 8.000000e+00 : f32
        %mul3A_355 = vector.broadcast %mul3A_354 : f32 to vector<16xf32>
        %mul3A_356 = arith.mulf %get3A_353, %mul3A_355 : vector<16xf32>
        %swap3A_357 = arith.index_cast %add3A_349 : i32 to index
        %swap3A_358 = arith.constant 0 : index
        %swap3A_359 = tpu.vector_load %arg12[%swap3A_357, %swap3A_358] {strides = array<i32>} : memref<400x64xf32, #tpu.memory_space<vmem>>, vector<1x16xf32>,
        %swap3A_360 = vector.shape_cast %swap3A_359 : vector<1x16xf32> to vector<16xf32>
        %swap3A_361 = vector.shape_cast %mul3A_356 : vector<16xf32> to vector<1x16xf32>
        tpu.vector_store %arg12[%swap3A_357, %swap3A_358], %swap3A_361 {strides = array<i32>} : memref<400x64xf32, #tpu.memory_space<vmem>>, vector<1x16xf32>,
        %get3A_362 = arith.index_cast %add3A_349 : i32 to index
        %get3A_363 = arith.constant 16 : index
        %get3A_364 = tpu.vector_load %arg12[%get3A_362, %get3A_363] {strides = array<i32>} : memref<400x64xf32, #tpu.memory_space<vmem>>, vector<1x16xf32>,
        %get3A_365 = vector.shape_cast %get3A_364 : vector<1x16xf32> to vector<16xf32>
        %mul3A_366 = arith.constant 8.000000e+00 : f32
        %mul3A_367 = vector.broadcast %mul3A_366 : f32 to vector<16xf32>
        %mul3A_368 = arith.mulf %get3A_365, %mul3A_367 : vector<16xf32>
        %swap3A_369 = arith.index_cast %add3A_349 : i32 to index
        %swap3A_370 = arith.constant 16 : index
        %swap3A_371 = tpu.vector_load %arg12[%swap3A_369, %swap3A_370] {strides = array<i32>} : memref<400x64xf32, #tpu.memory_space<vmem>>, vector<1x16xf32>,
        %swap3A_372 = vector.shape_cast %swap3A_371 : vector<1x16xf32> to vector<16xf32>
        %swap3A_373 = vector.shape_cast %mul3A_368 : vector<16xf32> to vector<1x16xf32>
        tpu.vector_store %arg12[%swap3A_369, %swap3A_370], %swap3A_373 {strides = array<i32>} : memref<400x64xf32, #tpu.memory_space<vmem>>, vector<1x16xf32>,
        %get3A_374 = arith.index_cast %add3A_349 : i32 to index
        %get3A_375 = arith.constant 32 : index
        %get3A_376 = tpu.vector_load %arg12[%get3A_374, %get3A_375] {strides = array<i32>} : memref<400x64xf32, #tpu.memory_space<vmem>>, vector<1x16xf32>,
        %get3A_377 = vector.shape_cast %get3A_376 : vector<1x16xf32> to vector<16xf32>
        %mul3A_378 = arith.constant 8.000000e+00 : f32
        %mul3A_379 = vector.broadcast %mul3A_378 : f32 to vector<16xf32>
        %mul3A_380 = arith.mulf %get3A_377, %mul3A_379 : vector<16xf32>
        %swap3A_381 = arith.index_cast %add3A_349 : i32 to index
        %swap3A_382 = arith.constant 32 : index
        %swap3A_383 = tpu.vector_load %arg12[%swap3A_381, %swap3A_382] {strides = array<i32>} : memref<400x64xf32, #tpu.memory_space<vmem>>, vector<1x16xf32>,
        %swap3A_384 = vector.shape_cast %swap3A_383 : vector<1x16xf32> to vector<16xf32>
        %swap3A_385 = vector.shape_cast %mul3A_380 : vector<16xf32> to vector<1x16xf32>
        tpu.vector_store %arg12[%swap3A_381, %swap3A_382], %swap3A_385 {strides = array<i32>} : memref<400x64xf32, #tpu.memory_space<vmem>>, vector<1x16xf32>,
        %get3A_386 = arith.index_cast %add3A_349 : i32 to index
        %get3A_387 = arith.constant 48 : index
        %get3A_388 = tpu.vector_load %arg12[%get3A_386, %get3A_387] {strides = array<i32>} : memref<400x64xf32, #tpu.memory_space<vmem>>, vector<1x16xf32>,
        %get3A_389 = vector.shape_cast %get3A_388 : vector<1x16xf32> to vector<16xf32>
        %mul3A_390 = arith.constant 8.000000e+00 : f32
        %mul3A_391 = vector.broadcast %mul3A_390 : f32 to vector<16xf32>
        %mul3A_392 = arith.mulf %get3A_389, %mul3A_391 : vector<16xf32>
        %swap3A_393 = arith.index_cast %add3A_349 : i32 to index
        %swap3A_394 = arith.constant 48 : index
        %swap3A_395 = tpu.vector_load %arg12[%swap3A_393, %swap3A_394] {strides = array<i32>} : memref<400x64xf32, #tpu.memory_space<vmem>>, vector<1x16xf32>,
        %swap3A_396 = vector.shape_cast %swap3A_395 : vector<1x16xf32> to vector<16xf32>
        %swap3A_397 = vector.shape_cast %mul3A_392 : vector<16xf32> to vector<1x16xf32>
        tpu.vector_store %arg12[%swap3A_393, %swap3A_394], %swap3A_397 {strides = array<i32>} : memref<400x64xf32, #tpu.memory_space<vmem>>, vector<1x16xf32>,
        %scan3A_398 = arith.constant 4 : i32
        %scan3A_399 = arith.addi %scan3A_185, %scan3A_398 : i32
        %mul3A_400 = arith.constant 1 : i32
        %mul3A_401 = arith.muli %scan3A_399, %mul3A_400 : i32
        %add3A_402 = arith.constant 0 : i32
        %add3A_403 = arith.addi %add3A_402, %mul3A_401 : i32
        %get3A_404 = arith.index_cast %add3A_403 : i32 to index
        %get3A_405 = arith.constant 0 : index
        %get3A_406 = tpu.vector_load %arg12[%get3A_404, %get3A_405] {strides = array<i32>} : memref<400x64xf32, #tpu.memory_space<vmem>>, vector<1x16xf32>,
        %get3A_407 = vector.shape_cast %get3A_406 : vector<1x16xf32> to vector<16xf32>
        %mul3A_408 = arith.constant 8.000000e+00 : f32
        %mul3A_409 = vector.broadcast %mul3A_408 : f32 to vector<16xf32>
        %mul3A_410 = arith.mulf %get3A_407, %mul3A_409 : vector<16xf32>
        %swap3A_411 = arith.index_cast %add3A_403 : i32 to index
        %swap3A_412 = arith.constant 0 : index
        %swap3A_413 = tpu.vector_load %arg12[%swap3A_411, %swap3A_412] {strides = array<i32>} : memref<400x64xf32, #tpu.memory_space<vmem>>, vector<1x16xf32>,
        %swap3A_414 = vector.shape_cast %swap3A_413 : vector<1x16xf32> to vector<16xf32>
        %swap3A_415 = vector.shape_cast %mul3A_410 : vector<16xf32> to vector<1x16xf32>
        tpu.vector_store %arg12[%swap3A_411, %swap3A_412], %swap3A_415 {strides = array<i32>} : memref<400x64xf32, #tpu.memory_space<vmem>>, vector<1x16xf32>,
        %get3A_416 = arith.index_cast %add3A_403 : i32 to index
        %get3A_417 = arith.constant 16 : index
        %get3A_418 = tpu.vector_load %arg12[%get3A_416, %get3A_417] {strides = array<i32>} : memref<400x64xf32, #tpu.memory_space<vmem>>, vector<1x16xf32>,
        %get3A_419 = vector.shape_cast %get3A_418 : vector<1x16xf32> to vector<16xf32>
        %mul3A_420 = arith.constant 8.000000e+00 : f32
        %mul3A_421 = vector.broadcast %mul3A_420 : f32 to vector<16xf32>
        %mul3A_422 = arith.mulf %get3A_419, %mul3A_421 : vector<16xf32>
        %swap3A_423 = arith.index_cast %add3A_403 : i32 to index
        %swap3A_424 = arith.constant 16 : index
        %swap3A_425 = tpu.vector_load %arg12[%swap3A_423, %swap3A_424] {strides = array<i32>} : memref<400x64xf32, #tpu.memory_space<vmem>>, vector<1x16xf32>,
        %swap3A_426 = vector.shape_cast %swap3A_425 : vector<1x16xf32> to vector<16xf32>
        %swap3A_427 = vector.shape_cast %mul3A_422 : vector<16xf32> to vector<1x16xf32>
        tpu.vector_store %arg12[%swap3A_423, %swap3A_424], %swap3A_427 {strides = array<i32>} : memref<400x64xf32, #tpu.memory_space<vmem>>, vector<1x16xf32>,
        %get3A_428 = arith.index_cast %add3A_403 : i32 to index
        %get3A_429 = arith.constant 32 : index
        %get3A_430 = tpu.vector_load %arg12[%get3A_428, %get3A_429] {strides = array<i32>} : memref<400x64xf32, #tpu.memory_space<vmem>>, vector<1x16xf32>,
        %get3A_431 = vector.shape_cast %get3A_430 : vector<1x16xf32> to vector<16xf32>
        %mul3A_432 = arith.constant 8.000000e+00 : f32
        %mul3A_433 = vector.broadcast %mul3A_432 : f32 to vector<16xf32>
        %mul3A_434 = arith.mulf %get3A_431, %mul3A_433 : vector<16xf32>
        %swap3A_435 = arith.index_cast %add3A_403 : i32 to index
        %swap3A_436 = arith.constant 32 : index
        %swap3A_437 = tpu.vector_load %arg12[%swap3A_435, %swap3A_436] {strides = array<i32>} : memref<400x64xf32, #tpu.memory_space<vmem>>, vector<1x16xf32>,
        %swap3A_438 = vector.shape_cast %swap3A_437 : vector<1x16xf32> to vector<16xf32>
        %swap3A_439 = vector.shape_cast %mul3A_434 : vector<16xf32> to vector<1x16xf32>
        tpu.vector_store %arg12[%swap3A_435, %swap3A_436], %swap3A_439 {strides = array<i32>} : memref<400x64xf32, #tpu.memory_space<vmem>>, vector<1x16xf32>,
        %get3A_440 = arith.index_cast %add3A_403 : i32 to index
        %get3A_441 = arith.constant 48 : index
        %get3A_442 = tpu.vector_load %arg12[%get3A_440, %get3A_441] {strides = array<i32>} : memref<400x64xf32, #tpu.memory_space<vmem>>, vector<1x16xf32>,
        %get3A_443 = vector.shape_cast %get3A_442 : vector<1x16xf32> to vector<16xf32>
        %mul3A_444 = arith.constant 8.000000e+00 : f32
        %mul3A_445 = vector.broadcast %mul3A_444 : f32 to vector<16xf32>
        %mul3A_446 = arith.mulf %get3A_443, %mul3A_445 : vector<16xf32>
        %swap3A_447 = arith.index_cast %add3A_403 : i32 to index
        %swap3A_448 = arith.constant 48 : index
        %swap3A_449 = tpu.vector_load %arg12[%swap3A_447, %swap3A_448] {strides = array<i32>} : memref<400x64xf32, #tpu.memory_space<vmem>>, vector<1x16xf32>,
        %swap3A_450 = vector.shape_cast %swap3A_449 : vector<1x16xf32> to vector<16xf32>
        %swap3A_451 = vector.shape_cast %mul3A_446 : vector<16xf32> to vector<1x16xf32>
        tpu.vector_store %arg12[%swap3A_447, %swap3A_448], %swap3A_451 {strides = array<i32>} : memref<400x64xf32, #tpu.memory_space<vmem>>, vector<1x16xf32>,
        %scan3A_452 = arith.constant 5 : i32
        %scan3A_453 = arith.addi %scan3A_185, %scan3A_452 : i32
        %mul3A_454 = arith.constant 1 : i32
        %mul3A_455 = arith.muli %scan3A_453, %mul3A_454 : i32
        %add3A_456 = arith.constant 0 : i32
        %add3A_457 = arith.addi %add3A_456, %mul3A_455 : i32
        %get3A_458 = arith.index_cast %add3A_457 : i32 to index
        %get3A_459 = arith.constant 0 : index
        %get3A_460 = tpu.vector_load %arg12[%get3A_458, %get3A_459] {strides = array<i32>} : memref<400x64xf32, #tpu.memory_space<vmem>>, vector<1x16xf32>,
        %get3A_461 = vector.shape_cast %get3A_460 : vector<1x16xf32> to vector<16xf32>
        %mul3A_462 = arith.constant 8.000000e+00 : f32
        %mul3A_463 = vector.broadcast %mul3A_462 : f32 to vector<16xf32>
        %mul3A_464 = arith.mulf %get3A_461, %mul3A_463 : vector<16xf32>
        %swap3A_465 = arith.index_cast %add3A_457 : i32 to index
        %swap3A_466 = arith.constant 0 : index
        %swap3A_467 = tpu.vector_load %arg12[%swap3A_465, %swap3A_466] {strides = array<i32>} : memref<400x64xf32, #tpu.memory_space<vmem>>, vector<1x16xf32>,
        %swap3A_468 = vector.shape_cast %swap3A_467 : vector<1x16xf32> to vector<16xf32>
        %swap3A_469 = vector.shape_cast %mul3A_464 : vector<16xf32> to vector<1x16xf32>
        tpu.vector_store %arg12[%swap3A_465, %swap3A_466], %swap3A_469 {strides = array<i32>} : memref<400x64xf32, #tpu.memory_space<vmem>>, vector<1x16xf32>,
        %get3A_470 = arith.index_cast %add3A_457 : i32 to index
        %get3A_471 = arith.constant 16 : index
        %get3A_472 = tpu.vector_load %arg12[%get3A_470, %get3A_471] {strides = array<i32>} : memref<400x64xf32, #tpu.memory_space<vmem>>, vector<1x16xf32>,
        %get3A_473 = vector.shape_cast %get3A_472 : vector<1x16xf32> to vector<16xf32>
        %mul3A_474 = arith.constant 8.000000e+00 : f32
        %mul3A_475 = vector.broadcast %mul3A_474 : f32 to vector<16xf32>
        %mul3A_476 = arith.mulf %get3A_473, %mul3A_475 : vector<16xf32>
        %swap3A_477 = arith.index_cast %add3A_457 : i32 to index
        %swap3A_478 = arith.constant 16 : index
        %swap3A_479 = tpu.vector_load %arg12[%swap3A_477, %swap3A_478] {strides = array<i32>} : memref<400x64xf32, #tpu.memory_space<vmem>>, vector<1x16xf32>,
        %swap3A_480 = vector.shape_cast %swap3A_479 : vector<1x16xf32> to vector<16xf32>
        %swap3A_481 = vector.shape_cast %mul3A_476 : vector<16xf32> to vector<1x16xf32>
        tpu.vector_store %arg12[%swap3A_477, %swap3A_478], %swap3A_481 {strides = array<i32>} : memref<400x64xf32, #tpu.memory_space<vmem>>, vector<1x16xf32>,
        %get3A_482 = arith.index_cast %add3A_457 : i32 to index
        %get3A_483 = arith.constant 32 : index
        %get3A_484 = tpu.vector_load %arg12[%get3A_482, %get3A_483] {strides = array<i32>} : memref<400x64xf32, #tpu.memory_space<vmem>>, vector<1x16xf32>,
        %get3A_485 = vector.shape_cast %get3A_484 : vector<1x16xf32> to vector<16xf32>
        %mul3A_486 = arith.constant 8.000000e+00 : f32
        %mul3A_487 = vector.broadcast %mul3A_486 : f32 to vector<16xf32>
        %mul3A_488 = arith.mulf %get3A_485, %mul3A_487 : vector<16xf32>
        %swap3A_489 = arith.index_cast %add3A_457 : i32 to index
        %swap3A_490 = arith.constant 32 : index
        %swap3A_491 = tpu.vector_load %arg12[%swap3A_489, %swap3A_490] {strides = array<i32>} : memref<400x64xf32, #tpu.memory_space<vmem>>, vector<1x16xf32>,
        %swap3A_492 = vector.shape_cast %swap3A_491 : vector<1x16xf32> to vector<16xf32>
        %swap3A_493 = vector.shape_cast %mul3A_488 : vector<16xf32> to vector<1x16xf32>
        tpu.vector_store %arg12[%swap3A_489, %swap3A_490], %swap3A_493 {strides = array<i32>} : memref<400x64xf32, #tpu.memory_space<vmem>>, vector<1x16xf32>,
        %get3A_494 = arith.index_cast %add3A_457 : i32 to index
        %get3A_495 = arith.constant 48 : index
        %get3A_496 = tpu.vector_load %arg12[%get3A_494, %get3A_495] {strides = array<i32>} : memref<400x64xf32, #tpu.memory_space<vmem>>, vector<1x16xf32>,
        %get3A_497 = vector.shape_cast %get3A_496 : vector<1x16xf32> to vector<16xf32>
        %mul3A_498 = arith.constant 8.000000e+00 : f32
        %mul3A_499 = vector.broadcast %mul3A_498 : f32 to vector<16xf32>
        %mul3A_500 = arith.mulf %get3A_497, %mul3A_499 : vector<16xf32>
        %swap3A_501 = arith.index_cast %add3A_457 : i32 to index
        %swap3A_502 = arith.constant 48 : index
        %swap3A_503 = tpu.vector_load %arg12[%swap3A_501, %swap3A_502] {strides = array<i32>} : memref<400x64xf32, #tpu.memory_space<vmem>>, vector<1x16xf32>,
        %swap3A_504 = vector.shape_cast %swap3A_503 : vector<1x16xf32> to vector<16xf32>
        %swap3A_505 = vector.shape_cast %mul3A_500 : vector<16xf32> to vector<1x16xf32>
        tpu.vector_store %arg12[%swap3A_501, %swap3A_502], %swap3A_505 {strides = array<i32>} : memref<400x64xf32, #tpu.memory_space<vmem>>, vector<1x16xf32>,
        %scan3A_506 = arith.constant 6 : i32
        %scan3A_507 = arith.addi %scan3A_185, %scan3A_506 : i32
        %mul3A_508 = arith.constant 1 : i32
        %mul3A_509 = arith.muli %scan3A_507, %mul3A_508 : i32
        %add3A_510 = arith.constant 0 : i32
        %add3A_511 = arith.addi %add3A_510, %mul3A_509 : i32
        %get3A_512 = arith.index_cast %add3A_511 : i32 to index
        %get3A_513 = arith.constant 0 : index
        %get3A_514 = tpu.vector_load %arg12[%get3A_512, %get3A_513] {strides = array<i32>} : memref<400x64xf32, #tpu.memory_space<vmem>>, vector<1x16xf32>,
        %get3A_515 = vector.shape_cast %get3A_514 : vector<1x16xf32> to vector<16xf32>
        %mul3A_516 = arith.constant 8.000000e+00 : f32
        %mul3A_517 = vector.broadcast %mul3A_516 : f32 to vector<16xf32>
        %mul3A_518 = arith.mulf %get3A_515, %mul3A_517 : vector<16xf32>
        %swap3A_519 = arith.index_cast %add3A_511 : i32 to index
        %swap3A_520 = arith.constant 0 : index
        %swap3A_521 = tpu.vector_load %arg12[%swap3A_519, %swap3A_520] {strides = array<i32>} : memref<400x64xf32, #tpu.memory_space<vmem>>, vector<1x16xf32>,
        %swap3A_522 = vector.shape_cast %swap3A_521 : vector<1x16xf32> to vector<16xf32>
        %swap3A_523 = vector.shape_cast %mul3A_518 : vector<16xf32> to vector<1x16xf32>
        tpu.vector_store %arg12[%swap3A_519, %swap3A_520], %swap3A_523 {strides = array<i32>} : memref<400x64xf32, #tpu.memory_space<vmem>>, vector<1x16xf32>,
        %get3A_524 = arith.index_cast %add3A_511 : i32 to index
        %get3A_525 = arith.constant 16 : index
        %get3A_526 = tpu.vector_load %arg12[%get3A_524, %get3A_525] {strides = array<i32>} : memref<400x64xf32, #tpu.memory_space<vmem>>, vector<1x16xf32>,
        %get3A_527 = vector.shape_cast %get3A_526 : vector<1x16xf32> to vector<16xf32>
        %mul3A_528 = arith.constant 8.000000e+00 : f32
        %mul3A_529 = vector.broadcast %mul3A_528 : f32 to vector<16xf32>
        %mul3A_530 = arith.mulf %get3A_527, %mul3A_529 : vector<16xf32>
        %swap3A_531 = arith.index_cast %add3A_511 : i32 to index
        %swap3A_532 = arith.constant 16 : index
        %swap3A_533 = tpu.vector_load %arg12[%swap3A_531, %swap3A_532] {strides = array<i32>} : memref<400x64xf32, #tpu.memory_space<vmem>>, vector<1x16xf32>,
        %swap3A_534 = vector.shape_cast %swap3A_533 : vector<1x16xf32> to vector<16xf32>
        %swap3A_535 = vector.shape_cast %mul3A_530 : vector<16xf32> to vector<1x16xf32>
        tpu.vector_store %arg12[%swap3A_531, %swap3A_532], %swap3A_535 {strides = array<i32>} : memref<400x64xf32, #tpu.memory_space<vmem>>, vector<1x16xf32>,
        %get3A_536 = arith.index_cast %add3A_511 : i32 to index
        %get3A_537 = arith.constant 32 : index
        %get3A_538 = tpu.vector_load %arg12[%get3A_536, %get3A_537] {strides = array<i32>} : memref<400x64xf32, #tpu.memory_space<vmem>>, vector<1x16xf32>,
        %get3A_539 = vector.shape_cast %get3A_538 : vector<1x16xf32> to vector<16xf32>
        %mul3A_540 = arith.constant 8.000000e+00 : f32
        %mul3A_541 = vector.broadcast %mul3A_540 : f32 to vector<16xf32>
        %mul3A_542 = arith.mulf %get3A_539, %mul3A_541 : vector<16xf32>
        %swap3A_543 = arith.index_cast %add3A_511 : i32 to index
        %swap3A_544 = arith.constant 32 : index
        %swap3A_545 = tpu.vector_load %arg12[%swap3A_543, %swap3A_544] {strides = array<i32>} : memref<400x64xf32, #tpu.memory_space<vmem>>, vector<1x16xf32>,
        %swap3A_546 = vector.shape_cast %swap3A_545 : vector<1x16xf32> to vector<16xf32>
        %swap3A_547 = vector.shape_cast %mul3A_542 : vector<16xf32> to vector<1x16xf32>
        tpu.vector_store %arg12[%swap3A_543, %swap3A_544], %swap3A_547 {strides = array<i32>} : memref<400x64xf32, #tpu.memory_space<vmem>>, vector<1x16xf32>,
        %get3A_548 = arith.index_cast %add3A_511 : i32 to index
        %get3A_549 = arith.constant 48 : index
        %get3A_550 = tpu.vector_load %arg12[%get3A_548, %get3A_549] {strides = array<i32>} : memref<400x64xf32, #tpu.memory_space<vmem>>, vector<1x16xf32>,
        %get3A_551 = vector.shape_cast %get3A_550 : vector<1x16xf32> to vector<16xf32>
        %mul3A_552 = arith.constant 8.000000e+00 : f32
        %mul3A_553 = vector.broadcast %mul3A_552 : f32 to vector<16xf32>
        %mul3A_554 = arith.mulf %get3A_551, %mul3A_553 : vector<16xf32>
        %swap3A_555 = arith.index_cast %add3A_511 : i32 to index
        %swap3A_556 = arith.constant 48 : index
        %swap3A_557 = tpu.vector_load %arg12[%swap3A_555, %swap3A_556] {strides = array<i32>} : memref<400x64xf32, #tpu.memory_space<vmem>>, vector<1x16xf32>,
        %swap3A_558 = vector.shape_cast %swap3A_557 : vector<1x16xf32> to vector<16xf32>
        %swap3A_559 = vector.shape_cast %mul3A_554 : vector<16xf32> to vector<1x16xf32>
        tpu.vector_store %arg12[%swap3A_555, %swap3A_556], %swap3A_559 {strides = array<i32>} : memref<400x64xf32, #tpu.memory_space<vmem>>, vector<1x16xf32>,
        %scan3A_560 = arith.constant 7 : i32
        %scan3A_561 = arith.addi %scan3A_185, %scan3A_560 : i32
        %mul3A_562 = arith.constant 1 : i32
        %mul3A_563 = arith.muli %scan3A_561, %mul3A_562 : i32
        %add3A_564 = arith.constant 0 : i32
        %add3A_565 = arith.addi %add3A_564, %mul3A_563 : i32
        %get3A_566 = arith.index_cast %add3A_565 : i32 to index
        %get3A_567 = arith.constant 0 : index
        %get3A_568 = tpu.vector_load %arg12[%get3A_566, %get3A_567] {strides = array<i32>} : memref<400x64xf32, #tpu.memory_space<vmem>>, vector<1x16xf32>,
        %get3A_569 = vector.shape_cast %get3A_568 : vector<1x16xf32> to vector<16xf32>
        %mul3A_570 = arith.constant 8.000000e+00 : f32
        %mul3A_571 = vector.broadcast %mul3A_570 : f32 to vector<16xf32>
        %mul3A_572 = arith.mulf %get3A_569, %mul3A_571 : vector<16xf32>
        %swap3A_573 = arith.index_cast %add3A_565 : i32 to index
        %swap3A_574 = arith.constant 0 : index
        %swap3A_575 = tpu.vector_load %arg12[%swap3A_573, %swap3A_574] {strides = array<i32>} : memref<400x64xf32, #tpu.memory_space<vmem>>, vector<1x16xf32>,
        %swap3A_576 = vector.shape_cast %swap3A_575 : vector<1x16xf32> to vector<16xf32>
        %swap3A_577 = vector.shape_cast %mul3A_572 : vector<16xf32> to vector<1x16xf32>
        tpu.vector_store %arg12[%swap3A_573, %swap3A_574], %swap3A_577 {strides = array<i32>} : memref<400x64xf32, #tpu.memory_space<vmem>>, vector<1x16xf32>,
        %get3A_578 = arith.index_cast %add3A_565 : i32 to index
        %get3A_579 = arith.constant 16 : index
        %get3A_580 = tpu.vector_load %arg12[%get3A_578, %get3A_579] {strides = array<i32>} : memref<400x64xf32, #tpu.memory_space<vmem>>, vector<1x16xf32>,
        %get3A_581 = vector.shape_cast %get3A_580 : vector<1x16xf32> to vector<16xf32>
        %mul3A_582 = arith.constant 8.000000e+00 : f32
        %mul3A_583 = vector.broadcast %mul3A_582 : f32 to vector<16xf32>
        %mul3A_584 = arith.mulf %get3A_581, %mul3A_583 : vector<16xf32>
        %swap3A_585 = arith.index_cast %add3A_565 : i32 to index
        %swap3A_586 = arith.constant 16 : index
        %swap3A_587 = tpu.vector_load %arg12[%swap3A_585, %swap3A_586] {strides = array<i32>} : memref<400x64xf32, #tpu.memory_space<vmem>>, vector<1x16xf32>,
        %swap3A_588 = vector.shape_cast %swap3A_587 : vector<1x16xf32> to vector<16xf32>
        %swap3A_589 = vector.shape_cast %mul3A_584 : vector<16xf32> to vector<1x16xf32>
        tpu.vector_store %arg12[%swap3A_585, %swap3A_586], %swap3A_589 {strides = array<i32>} : memref<400x64xf32, #tpu.memory_space<vmem>>, vector<1x16xf32>,
        %get3A_590 = arith.index_cast %add3A_565 : i32 to index
        %get3A_591 = arith.constant 32 : index
        %get3A_592 = tpu.vector_load %arg12[%get3A_590, %get3A_591] {strides = array<i32>} : memref<400x64xf32, #tpu.memory_space<vmem>>, vector<1x16xf32>,
        %get3A_593 = vector.shape_cast %get3A_592 : vector<1x16xf32> to vector<16xf32>
        %mul3A_594 = arith.constant 8.000000e+00 : f32
        %mul3A_595 = vector.broadcast %mul3A_594 : f32 to vector<16xf32>
        %mul3A_596 = arith.mulf %get3A_593, %mul3A_595 : vector<16xf32>
        %swap3A_597 = arith.index_cast %add3A_565 : i32 to index
        %swap3A_598 = arith.constant 32 : index
        %swap3A_599 = tpu.vector_load %arg12[%swap3A_597, %swap3A_598] {strides = array<i32>} : memref<400x64xf32, #tpu.memory_space<vmem>>, vector<1x16xf32>,
        %swap3A_600 = vector.shape_cast %swap3A_599 : vector<1x16xf32> to vector<16xf32>
        %swap3A_601 = vector.shape_cast %mul3A_596 : vector<16xf32> to vector<1x16xf32>
        tpu.vector_store %arg12[%swap3A_597, %swap3A_598], %swap3A_601 {strides = array<i32>} : memref<400x64xf32, #tpu.memory_space<vmem>>, vector<1x16xf32>,
        %get3A_602 = arith.index_cast %add3A_565 : i32 to index
        %get3A_603 = arith.constant 48 : index
        %get3A_604 = tpu.vector_load %arg12[%get3A_602, %get3A_603] {strides = array<i32>} : memref<400x64xf32, #tpu.memory_space<vmem>>, vector<1x16xf32>,
        %get3A_605 = vector.shape_cast %get3A_604 : vector<1x16xf32> to vector<16xf32>
        %mul3A_606 = arith.constant 8.000000e+00 : f32
        %mul3A_607 = vector.broadcast %mul3A_606 : f32 to vector<16xf32>
        %mul3A_608 = arith.mulf %get3A_605, %mul3A_607 : vector<16xf32>
        %swap3A_609 = arith.index_cast %add3A_565 : i32 to index
        %swap3A_610 = arith.constant 48 : index
        %swap3A_611 = tpu.vector_load %arg12[%swap3A_609, %swap3A_610] {strides = array<i32>} : memref<400x64xf32, #tpu.memory_space<vmem>>, vector<1x16xf32>,
        %swap3A_612 = vector.shape_cast %swap3A_611 : vector<1x16xf32> to vector<16xf32>
        %swap3A_613 = vector.shape_cast %mul3A_608 : vector<16xf32> to vector<1x16xf32>
        tpu.vector_store %arg12[%swap3A_609, %swap3A_610], %swap3A_613 {strides = array<i32>} : memref<400x64xf32, #tpu.memory_space<vmem>>, vector<1x16xf32>,
      }
      %scan3A_177 = arith.constant 400 : i32
      %mul3A_178 = arith.constant 400 : i32
      %mul3A_179 = arith.muli %add3A_155, %mul3A_178 : i32
      %add3A_180 = arith.addi %mul3A_2, %mul3A_179 : i32
      %dma_start3A_181 = arith.constant 0 : i32
      %dma_start3A_182 = tpu.memref_slice %arg4[%add3A_180, %dma_start3A_181] : memref<3276800x128xf32, #tpu.memory_space<hbm>> -> memref<400x64xf32, #tpu.memory_space<hbm>>
      %dma_start3A_183 = arith.constant 0 : i32
      %dma_start3A_184 = tpu.memref_slice %arg4[%add3A_180, %dma_start3A_183] : memref<3276800x128xf32, #tpu.memory_space<hbm>> -> memref<400x64xf32, #tpu.memory_space<hbm>>
      tpu.enqueue_dma source(%arg12 : memref<400x64xf32, #tpu.memory_space<vmem>>) target(%dma_start3A_184 : memref<400x64xf32, #tpu.memory_space<hbm>>) target_semaphore(%arg24 : memref<!tpu.dma_semaphore, #tpu.memory_space<semaphore_mem>>)
    }
    %scan3A_34 = arith.constant 64 : i32
    %dma_wait3A_35 = arith.constant 0 : i32
    %dma_wait3A_36 = arith.constant 0 : i32
    %dma_wait3A_37 = tpu.memref_slice %arg4[%dma_wait3A_35, %dma_wait3A_36] : memref<3276800x128xf32, #tpu.memory_space<hbm>> -> memref<400x64xf32, #tpu.memory_space<hbm>>
    %dma_wait3A_38 = arith.constant 0 : i32
    %dma_wait3A_39 = arith.constant 0 : i32
    %dma_wait3A_40 = tpu.memref_slice %arg4[%dma_wait3A_38, %dma_wait3A_39] : memref<3276800x128xf32, #tpu.memory_space<hbm>> -> memref<400x64xf32, #tpu.memory_space<hbm>>
    tpu.wait_dma2 semaphore(%arg21 : memref<!tpu.dma_semaphore, #tpu.memory_space<semaphore_mem>>) src(%arg9 : memref<400x64xf32, #tpu.memory_space<vmem>>) dst(%dma_wait3A_40 : memref<400x64xf32, #tpu.memory_space<hbm>>)
    %dma_wait3A_41 = arith.constant 0 : i32
    %dma_wait3A_42 = arith.constant 0 : i32
    %dma_wait3A_43 = tpu.memref_slice %arg4[%dma_wait3A_41, %dma_wait3A_42] : memref<3276800x128xf32, #tpu.memory_space<hbm>> -> memref<400x64xf32, #tpu.memory_space<hbm>>
    %dma_wait3A_44 = arith.constant 0 : i32
    %dma_wait3A_45 = arith.constant 0 : i32
    %dma_wait3A_46 = tpu.memref_slice %arg4[%dma_wait3A_44, %dma_wait3A_45] : memref<3276800x128xf32, #tpu.memory_space<hbm>> -> memref<400x64xf32, #tpu.memory_space<hbm>>
    tpu.wait_dma2 semaphore(%arg22 : memref<!tpu.dma_semaphore, #tpu.memory_space<semaphore_mem>>) src(%arg10 : memref<400x64xf32, #tpu.memory_space<vmem>>) dst(%dma_wait3A_46 : memref<400x64xf32, #tpu.memory_space<hbm>>)
    %dma_wait3A_47 = arith.constant 0 : i32
    %dma_wait3A_48 = arith.constant 0 : i32
    %dma_wait3A_49 = tpu.memref_slice %arg4[%dma_wait3A_47, %dma_wait3A_48] : memref<3276800x128xf32, #tpu.memory_space<hbm>> -> memref<400x64xf32, #tpu.memory_space<hbm>>
    %dma_wait3A_50 = arith.constant 0 : i32
    %dma_wait3A_51 = arith.constant 0 : i32
    %dma_wait3A_52 = tpu.memref_slice %arg4[%dma_wait3A_50, %dma_wait3A_51] : memref<3276800x128xf32, #tpu.memory_space<hbm>> -> memref<400x64xf32, #tpu.memory_space<hbm>>
    tpu.wait_dma2 semaphore(%arg23 : memref<!tpu.dma_semaphore, #tpu.memory_space<semaphore_mem>>) src(%arg11 : memref<400x64xf32, #tpu.memory_space<vmem>>) dst(%dma_wait3A_52 : memref<400x64xf32, #tpu.memory_space<hbm>>)
    %dma_wait3A_53 = arith.constant 0 : i32
    %dma_wait3A_54 = arith.constant 0 : i32
    %dma_wait3A_55 = tpu.memref_slice %arg4[%dma_wait3A_53, %dma_wait3A_54] : memref<3276800x128xf32, #tpu.memory_space<hbm>> -> memref<400x64xf32, #tpu.memory_space<hbm>>
    %dma_wait3A_56 = arith.constant 0 : i32
    %dma_wait3A_57 = arith.constant 0 : i32
    %dma_wait3A_58 = tpu.memref_slice %arg4[%dma_wait3A_56, %dma_wait3A_57] : memref<3276800x128xf32, #tpu.memory_space<hbm>> -> memref<400x64xf32, #tpu.memory_space<hbm>>
    tpu.wait_dma2 semaphore(%arg24 : memref<!tpu.dma_semaphore, #tpu.memory_space<semaphore_mem>>) src(%arg12 : memref<400x64xf32, #tpu.memory_space<vmem>>) dst(%dma_wait3A_58 : memref<400x64xf32, #tpu.memory_space<hbm>>)
    return
  }
}

</mosaic_0001>

<sc_bundles>
// kernel: kernel.3.cloned.1.call-start
scs
__scs_entry_jumppad:
0x0: {  	(pc) =	sbr.rel $0x88, $3  }
0x1: {  	(tag) =	ssettag $0x0;
	lr =	simm.s32 $0x1  }
0x2: {  	[smem:$0x3F9F] =	sst lr;
	_ =	strace $0xD0000000  }
0x3: {  	_ = 	snop  }
0x4: {  	_ = 	snop  }
0x5: {  	_ = 	snop  }
0x6: {  	_ = 	snop  }
0x7: {  	_ = 	snop  }
__scs_overlays_trampoline_lowered:
0x8: {  	[smem:$0x3FAE] =	sst s0  }
0x9: {  	[smem:$0x3FAF] =	sst s1  }
0xa: {  	[smem:$0x3FB0] =	sst s2  }
0xb: {  	[smem:$0x3FB1] =	sst s3  }
0xc: {  	[smem:$0x3FB2] =	sst s4  }
0xd: {  	[smem:$0x3FB3] =	sst s5  }
0xe: {  	[smem:$0x3FB4] =	sst s6  }
0xf: {  	[smem:$0x3FB5] =	sst s7  }
0x10: {  	[smem:$0x3FB6] =	sst s8  }
0x11: {  	[smem:$0x3FB7] =	sst s9;
	s0 =	simm.s32 @!p0 $0x0  }
0x12: {  	s1 =	sld [smem:$0x3F9D];
	s0 =	simm.s32 @p0 $0x1  }
0x13: {  	[smem:$0x3FB8] =	sst s0;
	s0 =	simm.s32 @!p1 $0x0  }
0x14: {  	s2 =	sld [smem:$0x3F9C];
	s0 =	simm.s32 @p1 $0x1  }
0x15: {  	[smem:$0x3FB9] =	sst s0;
	s0 =	simm.s32 @!p2 $0x0  }
0x16: {  	s3 =	sld [smem:$0x3FDB];
	s0 =	simm.s32 @p2 $0x1  }
0x17: {  	s4 =	simm.s32 $0x1BF5;
	[smem:$0x3FBB] =	sst s0  }
0x18: {  	s0 =	sld [smem:$0x3F9E];
	_ =	swait.ge [sflag:s4], $0x0  }
0x19: {  	s7 =	sld [smem:$0x3F9F]  }
0x1a: {  	s8 =	sadd.s32 $0xFFFFE003, lr  }
0x1b: {  	s9 =	sadd.s32 $0xFFFFFEF7, lr;
	s5 =	simm.s32 $0xFFFFFFFF;
	p2 =	slt.u32 s8, $0xFFFFF086  }
0x1c: {  	p1 =	slt.u32 s9, $0xF7A;
	s5 =	simm.s32 @!p2 $0x0  }
0x1d: {  	s5 =	simm.s32 @p1 $0x1;
	p0 =	seq.s32 s7, s2  }
0x1e: {  	s7 =	smul.u32 @!p0 $0xF7A, s2;
	p2 =	seq.s32 @!p0 s5, $0x0  }
0x1f: {  	s9 =	smul.u32 $0xF7A, s1;
	s8 =	simm.s32 @!p0 $0x1BF5;
	p2 =	por !p2, p0  }
0x20: {  	[sflag:s8] =	ssyncset.s32 @!p0 $0xFFFFF086;
	s6 =	sadd.s32 @!p0 s3, s7;
	s7 =	simm.s32 @!p0 $0x108  }
0x21: {  	s3 =	sadd.s32 s3, s9;
	s6 =	sadd.s32 @!p0 $0x88, s6;
	s7 =	simm.s32 @p2 $0x1082  }
0x22: {  	[simem:s7], [sflag:s8] =	dma.local @!p0 [hbm:s6], $0xF7A  }
0x23: {  	s9 =	sor.u32 $0xD0000000, s2;
	s6 =	simm.s32 $0x108;
	_ =	swait.ge @!p0 [sflag:s8], $0x0  }
0x24: {  	s3 =	sadd.s32 $0x88, s3;
	s6 =	simm.s32 @!p1 $0x1082;
	[sflag:s4] =	ssyncset.s32 $0xFFFFF086  }
0x25: {  	[simem:s6], [sflag:s4] =	dma.local [hbm:s3], $0xF7A  }
0x26: {  	[smem:$0x3F9F] =	sst s1;
	(tag) =	ssettag s2;
	_ =	strace s9  }
0x27: {  	s1 =	sld [smem:$0x3FAF]  }
0x28: {  	s2 =	sld [smem:$0x3FB0]  }
0x29: {  	s4 =	sld [smem:$0x3FB2]  }
0x2a: {  	p0 =	seq.s32 s5, $0x0;
	s5 =	sld [smem:$0x3FB3]  }
0x2b: {  	s6 =	sld [smem:$0x3FB4]  }
0x2c: {  	s7 =	sld [smem:$0x3FB5]  }
0x2d: {  	s3 =	simm.s32 $0x108;
	s8 =	sld [smem:$0x3FB6]  }
0x2e: {  	s3 =	simm.s32 @!p0 $0x1082;
	s9 =	sld [smem:$0x3FB7]  }
0x2f: {  	lr =	sadd.s32 s0, s3;
	s0 =	sld [smem:$0x3FAE]  }
0x30: {  	s3 =	sld [smem:$0x3FB1]  }
0x31: {  	[smem:$0x3FBA] =	sst s10  }
0x32: {  	s10 =	sld [smem:$0x3FB8];
	_ =	sdelay $0x3  }
0x33: {  	p0 =	seq.s32 s10, $0x1;
	s10 =	sld [smem:$0x3FBA];
	_ =	sdelay $0x3  }
0x34: {  	[smem:$0x3FBA] =	sst s10  }
0x35: {  	s10 =	sld [smem:$0x3FB9];
	_ =	sdelay $0x3  }
0x36: {  	p1 =	seq.s32 s10, $0x1;
	s10 =	sld [smem:$0x3FBA];
	_ =	sdelay $0x3  }
0x37: {  	[smem:$0x3FBA] =	sst s10  }
0x38: {  	s10 =	sld [smem:$0x3FBB]  }
0x39: {  	_ = 	snop;
	(pc) =	sbr.ind lr, $3  }
0x3a: {  	_ = 	snop  }
0x3b: {  	_ = 	snop  }
0x3c: {  	p2 =	seq.s32 s10, $0x1;
	s10 =	sld [smem:$0x3FBA]  }
0x3d: {  	_ =	shalt  }
0x3e: {  	_ =	shalt  }
0x3f: {  	_ =	shalt  }
0x40: {  	_ =	shalt  }
0x41: {  	_ =	shalt  }
0x42: {  	_ =	shalt  }
0x43: {  	_ =	shalt  }
0x44: {  	_ =	shalt  }
0x45: {  	_ =	shalt  }
0x46: {  	_ =	shalt  }
0x47: {  	_ =	shalt  }
0x48: {  	_ =	shalt  }
0x49: {  	_ =	shalt  }
0x4a: {  	_ =	shalt  }
0x4b: {  	_ =	shalt  }
0x4c: {  	_ =	shalt  }
0x4d: {  	_ =	shalt  }
0x4e: {  	_ =	shalt  }
0x4f: {  	_ =	shalt  }
0x50: {  	_ =	shalt  }
0x51: {  	_ =	shalt  }
0x52: {  	_ =	shalt  }
0x53: {  	_ =	shalt  }
0x54: {  	_ =	shalt  }
0x55: {  	_ =	shalt  }
0x56: {  	_ =	shalt  }
0x57: {  	_ =	shalt  }
0x58: {  	_ =	shalt  }
0x59: {  	_ =	shalt  }
0x5a: {  	_ =	shalt  }
0x5b: {  	_ =	shalt  }
0x5c: {  	_ =	shalt  }
0x5d: {  	_ =	shalt  }
0x5e: {  	_ =	shalt  }
0x5f: {  	_ =	shalt  }
0x60: {  	_ =	shalt  }
0x61: {  	_ =	shalt  }
0x62: {  	_ =	shalt  }
0x63: {  	_ =	shalt  }
0x64: {  	_ =	shalt  }
0x65: {  	_ =	shalt  }
0x66: {  	_ =	shalt  }
0x67: {  	_ =	shalt  }
0x68: {  	_ =	shalt  }
0x69: {  	_ =	shalt  }
0x6a: {  	_ =	shalt  }
0x6b: {  	_ =	shalt  }
0x6c: {  	_ =	shalt  }
0x6d: {  	_ =	shalt  }
0x6e: {  	_ =	shalt  }
0x6f: {  	_ =	shalt  }
0x70: {  	_ =	shalt  }
0x71: {  	_ =	shalt  }
0x72: {  	_ =	shalt  }
0x73: {  	_ =	shalt  }
0x74: {  	_ =	shalt  }
0x75: {  	_ =	shalt  }
0x76: {  	_ =	shalt  }
0x77: {  	_ =	shalt  }
0x78: {  	_ =	shalt  }
0x79: {  	_ =	shalt  }
0x7a: {  	_ =	shalt  }
0x7b: {  	_ =	shalt  }
0x7c: {  	_ =	shalt  }
0x7d: {  	_ =	shalt  }
0x7e: {  	_ =	shalt  }
0x7f: {  	_ =	shalt  }
0x80: {  	_ =	shalt  }
0x81: {  	_ =	shalt  }
0x82: {  	_ =	shalt  }
0x83: {  	_ =	shalt  }
0x84: {  	_ =	shalt  }
0x85: {  	_ =	shalt  }
0x86: {  	_ =	shalt  }
0x87: {  	_ =	shalt  }
.Lfunc_end0:
.L_simem_size_0:
called_computation.1_lowered:
.L_overlay_start_0:
0x88: {  	s2 =	sld [smem:$0x3FD9]  }
0x89: {  	s3 =	sld [smem:$0x3FFE];
	_ =	sdelay $0x1  }
0x8a: {  	s1 =	srdreg.scid  }
0x8b: {  	s0 =	sand.u32 $0x1, s1  }
0x8c: {  	s16 =	sshll.u32 s0, $0xA;
	s2 =	sadd.s32 s3, s2  }
0x8d: {  	s2 =	sadd.s32 s2, s16  }
0x8e: {  	[smem:$0x3FC6] =	sst s2  }
0x8f: {  	_ = 	snop  }
0x90: {  	(tm) =	ssettm $0x1  }
0x91: {  	s17 =	sld [smem:$0x3FFB];
	_ =	sdelay $0x3  }
0x92: {  	_ =	strace s17  }
0x93: {  	s2 =	sld [smem:$0x3FFC];
	_ =	sdelay $0x3  }
0x94: {  	_ =	strace s2  }
0x95: {  	s2 =	sld [smem:$0x3FFD];
	_ =	sdelay $0x3  }
0x96: {  	_ =	strace s2  }
0x97: {  	_ =	strace $0x8FFFFFFF  }
0x98: {  	s18 =	sld [smem:$0x3FDB];
	_ =	sdelay $0x1  }
0x99: {  	s19 =	simm.s32 $_scs_section_size  }
0x9a: {  	s4 =	simm.s32 $_size__tile_overlayer_lowered;
	s5 =	simm.s32 $_tile_overlayer_lowered  }
0x9b: {  	s22 =	simm.s32 $0x1BFF;
	s21 =	sshll.u32 s5, $0x1;
	s2 =	sadd.s32 s19, s18  }
0x9c: {  	s6 =	simm.s32 $0x0;
	s20 =	sshll.u32 s4, $0x1;
	s4 =	sadd.s32 s21, s2  }
0x9d: {  	[timem:s6], [sflag:s22] =	dma.local [hbm:s4], s20  }
0x9e: {  	_ =	swait.ge [sflag:s22], s20  }
0x9f: {  	s3 =	ssub.s32 $0x0, s20;
	[sflag:s22] =	ssyncset.done $0x0  }
0xa0: {  	[sflag:s22] =	ssyncadd.s32 s3;
	_ =	sdelay $0x1  }
0xa1: {  	s23 =	simm.s32 $0x1B8B  }
0xa2: {  	_ =	swait.ge [sflag:s23], $0x1  }
0xa3: {  	[sflag:s23] =	ssyncset.done $0x0  }
0xa4: {  	s25 =	simm.s32 $0x1B8E;
	s24 =	sld [smem:$0x3FFE];
	[sflag:s23] =	ssyncadd.s32 $0xFFFFFFFF  }
0xa5: {  	s26 =	simm.s32 $execute0_lowered;
	[smem:$0x3FD2] =	sst s25  }
0xa6: {  	s4 =	sshll.u32 s26, $0x1;
	_ =	strace $0x80000046;
	[dreg:$0x1] =	wrdreg $0xFFFFFFFF  }
0xa7: {  	s28 =	simm.s32 $_size_execute0_lowered;
	s2 =	sadd.s32 s2, s4;
	[dreg:$0x0] =	wrdreg $0x0  }
0xa8: {  	s4 =	sshll.u32 s28, $0x1;
	[dreg:$0x2] =	wrdreg s2  }
0xa9: {  	[dreg:$0x3] =	wrdreg s4  }
0xaa: {  	[dreg:$0x4] =	wrdreg $0xC0  }
0xab: {  	_ =	task [dreg:s6], $0x5FFFF  }
0xac: {  	[dreg:$0x1] =	wrdreg $0xFFFFFFFF  }
0xad: {  	[dreg:$0x0] =	wrdreg $0x60  }
0xae: {  	[dreg:$0x2] =	wrdreg s24  }
0xaf: {  	[dreg:$0x3] =	wrdreg $0x9  }
0xb0: {  	_ =	task.clear_ibuf [dreg:s6], $0x4FFFF;
	_ =	strace $0x90000046  }
0xb1: {  	s29 =	simm.s32 $0x9;
	_ =	strace $0x80000048  }
0xb2: {  	_ =	swait.ge [sflag:s29], $0x1  }
0xb3: {  	[sflag:s29] =	ssyncadd.s32 $0xFFFFFFFF  }
0xb4: {  	_ =	strace $0x90000048  }
0xb5: {  	_ =	sfence  }
0xb6: {  	s30 =	sld [smem:$0x0];
	_ =	sdelay $0x2  }
0xb7: {  	s31 =	sshll.u32 s1, $0xD;
	s1 =	sshrl.u32 s1, $0x2  }
0xb8: {  	s3 =	sand.u32 $0x4000, s31;
	s1 =	sadd.s32 s1, s30  }
0xb9: {  	s0 =	sor.u32 s3, s0;
	s1 =	sshll.u32 s1, $0x11  }
0xba: {  	s0 =	sor.u32 s1, s0  }
0xbb: {  	s0 =	sadd.s32 $0x8F2B, s0  }
0xbc: {  	[sflag:s0] =	ssyncadd.remote.s32 $0x1  }
0xbd: {  	_ =	sfence.sel $0xFFFF  }
0xbe: {  	[dreg:$0x0] =	wrdreg $0xFFFFFFFF;
	(pc) =	sbr.abs _section_cstart, $3  }
0xbf: {  	[dreg:$0x1] =	wrdreg $0xFFFFFFFF  }
0xc0: {  	_ =	task.clear_ibuf [dreg:s6], $0x2FFFF;
	_ =	strace $0x9FFFFFFF  }
0xc1: {  	(tm) =	ssettm $0x7FFFFFFF  }
tec
execute0_lowered:
.L_overlay_start_1:
0x0: {  	(tag) =	ssettag $0x1  }
0x1: {  	s0 =	srdreg.scid  }
0x2: {  	s2 =	stileid.u32;
	s1 =	rddreg [dreg:$0x0]  }
0x3: {  	s19 =	simm.s32 $0x190;
	s20 =	simm.s32 $0x320;
	s21 =	simm.s32 $0x4B0  }
0x4: {  	s23 =	simm.s32 $0x640;
	s28 =	simm.s32 $0xCE40;
	s29 =	simm.s32 $0x5  }
0x5: {  	s30 =	simm.s32 $0x40;
	s31 =	simm.s32 $0x80;
	s22 =	simm.s32 $0x0  }
0x6: {  	s0 =	sand.u32 $0x1, s0;
	s3 =	sshll.u32 s2, $0x1;
	s2 =	simm.s32 $0x0  }
0x7: {  	s4 =	sadd.s32 $0x800, s1;
	s5 =	sadd.s32 $0x64800, s1;
	s7 =	sadd.s32 $0x805A00, s1  }
0x8: {  	s1 =	simm.s32 $0x4;
	s3 =	sor.u32 s0, s3;
	s0 =	ssub.s32 $0x2, s0  }
0x9: {  	[smem:$0x7FF] =	sst s2;
	s3 =	smul.u32 $0x19000, s3;
	s8 =	sshrl.u32 s0, $0x1  }
0xa: {  	_ =	strace $0x80000047;
	s0 =	ssub.s32 s0, s8;
	s8 =	simm.s32 $0x6  }
0xb: {  	s6 =	sshrl.u32 s3, $0x3;
	s11 =	sor.u32 $0x640, s3;
	s12 =	sor.u32 $0x7D0, s3  }
0xc: {  	s13 =	sor.u32 $0x190, s3;
	s14 =	sor.u32 $0x960, s3;
	s0 =	smax.u32 s0, $0x1  }
0xd: {  	s15 =	sor.u32 $0x320, s3;
	s6 =	sadd.s32 s4, s6;
	[dreg:$0x6] =	wrdreg s0  }
0xe: {  	s16 =	sor.u32 $0xAF0, s3;
	s24 =	sadd.s32 $0x32, s6;
	[dreg:$0x2] =	wrdreg s6  }
0xf: {  	s17 =	sor.u32 $0x4B0, s3;
	s25 =	sadd.s32 $0x64, s6;
	[dreg:$0x3] =	wrdreg s24  }
0x10: {  	s0 =	simm.s32 $0x13240;
	s26 =	sadd.s32 $0x96, s6;
	[dreg:$0x4] =	wrdreg s25  }
0x11: {  	[dreg:$0x5] =	wrdreg s26;
	s25 =	simm.s32 $0x6A40;
	s26 =	simm.s32 $0x3  }
.LBB2_1:
0x12: {  	s6 =	rddreg [dreg:$0x2]  }
0x13: {  	[tilespmem:s2], [sflag:$0x1] =	stream.linear.gather [hbm4b:s6+s2], $0x190, $0x38;
	[tilespmem:$0x19640] =	vst v63  }
0x14: {  	s24 =	rddreg [dreg:$0x3]  }
0x15: {  	[tilespmem:s19], [sflag:$0x2] =	stream.linear.gather [hbm4b:s24+s2], $0x190, $0x38;
	[tilespmem:$0x19640] =	vst v63  }
0x16: {  	s9 =	rddreg [dreg:$0x4]  }
0x17: {  	[tilespmem:s20], [sflag:$0x3] =	stream.linear.gather [hbm4b:s9+s2], $0x190, $0x38;
	[tilespmem:$0x19640] =	vst v63  }
0x18: {  	s10 =	rddreg [dreg:$0x5];
	s18 =	simm.s32 $0x1  }
0x19: {  	[tilespmem:s21], [sflag:$0x4] =	stream.linear.gather [hbm4b:s10+s2], $0x190, $0x38;
	[tilespmem:$0x19640] =	vst v63  }
0x1a: {  	_ =	swait.ge [sflag:s18], $0x190  }
0x1b: {  	[sflag:s18] =	ssyncset.done $0x0  }
0x1c: {  	s24 =	simm.s32 $0x2;
	[sflag:s18] =	ssyncadd.s32 $0xFFFFFE70  }
0x1d: {  	[tilespmem:s23], [sflag:$0x5] =	stream.indirect.gather [hbm4b:s5+s19], $0x40, s2, s19, $0xb8;
	[tilespmem:$0x19640] =	vst v63  }
0x1e: {  	_ =	swait.ge [sflag:s24], $0x190  }
0x1f: {  	[sflag:s24] =	ssyncset.done $0x0  }
0x20: {  	[sflag:s24] =	ssyncadd.s32 $0xFFFFFE70;
	s24 =	simm.s32 $0x0  }
0x21: {  	[tilespmem:s25], [sflag:$0x6] =	stream.indirect.gather [hbm4b:s5+s19], $0x40, s19, s19, $0xb8;
	[tilespmem:$0x19640] =	vst v63  }
.LBB2_2:
0x22: {  	_ =	swait.ge [sflag:s26], $0x190  }
0x23: {  	p1 =	seq.s32 s24, $0x0;
	[sflag:s26] =	ssyncset.done $0x0  }
0x24: {  	s6 =	simm.s32 @!p1 $0xB;
	[sflag:s26] =	ssyncadd.s32 $0xFFFFFE70  }
0x25: {  	_ =	swait.ge @!p1 [sflag:s6], $0x6400  }
0x26: {  	p0 =	seq.s32 s24, $0x3F;
	[sflag:s6] =	ssyncset.done @!p1 $0x0  }
0x27: {  	[sflag:s6] =	ssyncadd.s32 @!p1 $0xFFFF9C00;
	s6 =	smul.u32 @!p0 $0x640, s24  }
0x28: {  	[tilespmem:s28], [sflag:$0x7] =	stream.indirect.gather [hbm4b:s5+s19], $0x40, s20, s19, $0xb8;
	[tilespmem:$0x19640] =	vst v63  }
0x29: {  	_ =	swait.ge [sflag:s29], $0x6400;
	s6 =	sadd.s32 @!p0 s6, s11  }
0x2a: {  	s10 =	simm.s32 $0x740;
	[sflag:s29] =	ssyncset.done $0x0;
	s6 =	sshrl.u32 @!p0 s6, $0x3  }
0x2b: {  	s9 =	simm.s32 @!p0 $0x0;
	[sflag:s29] =	ssyncadd.s32 $0xFFFF9C00;
	s6 =	sadd.s32 @!p0 s4, s6  }
0x2c: {  	[tilespmem:s9], [sflag:$0x1] =	stream.linear.gather @!p0 [hbm4b:s6+s9], $0x190, $0x38;
	[tilespmem:$0x19640] =	vst v63  }
0x2d: {  	v0 =	vld [tilespmem:s10+$0xFFFFFF00]  }
0x2e: {  	v1 =	vld [tilespmem:s10+$0xFFFFFF10]  }
0x2f: {  	v2 =	vld [tilespmem:s10+$0xFFFFFF20]  }
0x30: {  	v3 =	vld [tilespmem:s10+$0xFFFFFF30]  }
0x31: {  	v4 =	vld [tilespmem:s10+$0xFFFFFF40]  }
0x32: {  	v5 =	vld [tilespmem:s10+$0xFFFFFF50];
	v0 =	vmul.f32 $8.000000000e+00, v0  }
0x33: {  	v6 =	vld [tilespmem:s10+$0xFFFFFF60];
	v1 =	vmul.f32 $8.000000000e+00, v1  }
0x34: {  	[tilespmem:s10+$0xFFFFFF00] =	vst v0;
	v0 =	vmul.f32 $8.000000000e+00, v2;
	v2 =	vld [tilespmem:s10+$0xFFFFFF70]  }
0x35: {  	[tilespmem:s10+$0xFFFFFF10] =	vst v1;
	v1 =	vmul.f32 $8.000000000e+00, v3;
	v3 =	vld [tilespmem:s10+$0xFFFFFF80]  }
0x36: {  	[tilespmem:s10+$0xFFFFFF20] =	vst v0;
	v0 =	vmul.f32 $8.000000000e+00, v4;
	v4 =	vld [tilespmem:s10+$0xFFFFFF90]  }
0x37: {  	[tilespmem:s10+$0xFFFFFF30] =	vst v1;
	v1 =	vmul.f32 $8.000000000e+00, v5;
	v5 =	vld [tilespmem:s10+$0xFFFFFFA0]  }
0x38: {  	[tilespmem:s10+$0xFFFFFF40] =	vst v0;
	v0 =	vmul.f32 $8.000000000e+00, v6;
	v6 =	vld [tilespmem:s10+$0xFFFFFFB0]  }
0x39: {  	[tilespmem:s10+$0xFFFFFF50] =	vst v1;
	v1 =	vmul.f32 $8.000000000e+00, v2;
	v2 =	vld [tilespmem:s10+$0xFFFFFFC0]  }
0x3a: {  	[tilespmem:s10+$0xFFFFFF60] =	vst v0;
	v0 =	vmul.f32 $8.000000000e+00, v3;
	v3 =	vld [tilespmem:s10+$0xFFFFFFD0]  }
0x3b: {  	[tilespmem:s10+$0xFFFFFF70] =	vst v1;
	v1 =	vmul.f32 $8.000000000e+00, v4;
	v4 =	vld [tilespmem:s10+$0xFFFFFFE0]  }
0x3c: {  	[tilespmem:s10+$0xFFFFFF80] =	vst v0;
	v0 =	vmul.f32 $8.000000000e+00, v5;
	v5 =	vld [tilespmem:s10+$0x0]  }
0x3d: {  	[tilespmem:s10+$0xFFFFFF90] =	vst v1;
	v1 =	vmul.f32 $8.000000000e+00, v6;
	v6 =	vld [tilespmem:s10+$0x10]  }
0x3e: {  	[tilespmem:s10+$0xFFFFFFA0] =	vst v0;
	v0 =	vmul.f32 $8.000000000e+00, v2;
	v2 =	vld [tilespmem:s10+$0x20]  }
0x3f: {  	[tilespmem:s10+$0xFFFFFFB0] =	vst v1;
	v1 =	vmul.f32 $8.000000000e+00, v3;
	v3 =	vld [tilespmem:s10+$0x30]  }
0x40: {  	[tilespmem:s10+$0xFFFFFFC0] =	vst v0;
	v0 =	vmul.f32 $8.000000000e+00, v4;
	v4 =	vld [tilespmem:s10+$0x40]  }
0x41: {  	[tilespmem:s10+$0xFFFFFFD0] =	vst v1;
	v1 =	vmul.f32 $8.000000000e+00, v5;
	v5 =	vld [tilespmem:s10+$0x50]  }
0x42: {  	[tilespmem:s10+$0xFFFFFFE0] =	vst v0;
	v0 =	vmul.f32 $8.000000000e+00, v6;
	v6 =	vld [tilespmem:s10+$0x60]  }
0x43: {  	[tilespmem:s10+$0x0] =	vst v1;
	v1 =	vmul.f32 $8.000000000e+00, v2;
	v2 =	vld [tilespmem:s10+$0x70]  }
0x44: {  	[tilespmem:s10+$0x10] =	vst v0;
	v0 =	vmul.f32 $8.000000000e+00, v3;
	v3 =	vld [tilespmem:s10+$0x80]  }
0x45: {  	[tilespmem:s10+$0x20] =	vst v1;
	v1 =	vmul.f32 $8.000000000e+00, v4;
	v4 =	vld [tilespmem:s10+$0x90]  }
0x46: {  	[tilespmem:s10+$0x30] =	vst v0;
	v0 =	vmul.f32 $8.000000000e+00, v5;
	v5 =	vld [tilespmem:s10+$0xA0]  }
0x47: {  	[tilespmem:s10+$0x40] =	vst v1;
	v1 =	vmul.f32 $8.000000000e+00, v6;
	v6 =	vld [tilespmem:s10+$0xB0]  }
0x48: {  	[tilespmem:s10+$0x50] =	vst v0;
	v2 =	vmul.f32 $8.000000000e+00, v2;
	v0 =	vld [tilespmem:s10+$0xC0]  }
0x49: {  	[tilespmem:s10+$0x60] =	vst v1;
	v7 =	vmul.f32 $8.000000000e+00, v3;
	v1 =	vld [tilespmem:s10+$0xD0]  }
0x4a: {  	v3 =	vld [tilespmem:s10+$0xE0];
	[tilespmem:s10+$0x70] =	vst v2;
	v8 =	vmul.f32 $8.000000000e+00, v4  }
0x4b: {  	v2 =	vld [tilespmem:s10+$0xF0];
	[tilespmem:s10+$0x80] =	vst v7;
	v5 =	vmul.f32 $8.000000000e+00, v5  }
0x4c: {  	s18 =	simm.s32 $0x940;
	s9 =	simm.s32 $0x0;
	v4 =	vld [tilespmem:s10+$0xFFFFFFF0];
	[tilespmem:s10+$0x90] =	vst v8;
	v6 =	vmul.f32 $8.000000000e+00, v6  }
.LBB2_3:
0x4d: {  	v7 =	vld [tilespmem:s18+$0xFFFFFF00];
	[tilespmem:s10+$0xA0] =	vst v5;
	v0 =	vmul.f32 $8.000000000e+00, v0  }
0x4e: {  	v5 =	vld [tilespmem:s18+$0xFFFFFF10];
	[tilespmem:s10+$0xB0] =	vst v6;
	v1 =	vmul.f32 $8.000000000e+00, v1  }
0x4f: {  	v6 =	vld [tilespmem:s18+$0xFFFFFF20];
	[tilespmem:s10+$0xC0] =	vst v0;
	v0 =	vmul.f32 $8.000000000e+00, v3  }
0x50: {  	v3 =	vld [tilespmem:s18+$0xFFFFFF30];
	[tilespmem:s10+$0xD0] =	vst v1;
	v1 =	vmul.f32 $8.000000000e+00, v2  }
0x51: {  	v2 =	vld [tilespmem:s18+$0xFFFFFF40];
	v4 =	vmul.f32 $8.000000000e+00, v4;
	[tilespmem:s10+$0xE0] =	vst v0  }
0x52: {  	v0 =	vmul.f32 $8.000000000e+00, v7;
	v7 =	vld [tilespmem:s18+$0xFFFFFF50];
	[tilespmem:s10+$0xF0] =	vst v1  }
0x53: {  	v1 =	vmul.f32 $8.000000000e+00, v5;
	v5 =	vld [tilespmem:s18+$0xFFFFFF60];
	[tilespmem:s10+$0xFFFFFFF0] =	vst v4;
	s10 =	smov.u32 s18  }
0x54: {  	[tilespmem:s18+$0xFFFFFF00] =	vst v0;
	v0 =	vmul.f32 $8.000000000e+00, v6;
	v4 =	vld [tilespmem:s18+$0xFFFFFF70]  }
0x55: {  	[tilespmem:s18+$0xFFFFFF10] =	vst v1;
	v1 =	vmul.f32 $8.000000000e+00, v3;
	v3 =	vld [tilespmem:s18+$0xFFFFFF80]  }
0x56: {  	[tilespmem:s18+$0xFFFFFF20] =	vst v0;
	v0 =	vmul.f32 $8.000000000e+00, v2;
	v2 =	vld [tilespmem:s18+$0xFFFFFF90]  }
0x57: {  	[tilespmem:s18+$0xFFFFFF30] =	vst v1;
	v1 =	vmul.f32 $8.000000000e+00, v7;
	v6 =	vld [tilespmem:s18+$0xFFFFFFA0]  }
0x58: {  	[tilespmem:s18+$0xFFFFFF40] =	vst v0;
	v0 =	vmul.f32 $8.000000000e+00, v5;
	v5 =	vld [tilespmem:s18+$0xFFFFFFB0]  }
0x59: {  	[tilespmem:s18+$0xFFFFFF50] =	vst v1;
	v1 =	vmul.f32 $8.000000000e+00, v4;
	v4 =	vld [tilespmem:s18+$0xFFFFFFC0]  }
0x5a: {  	[tilespmem:s18+$0xFFFFFF60] =	vst v0;
	v0 =	vmul.f32 $8.000000000e+00, v3;
	v3 =	vld [tilespmem:s18+$0xFFFFFFD0]  }
0x5b: {  	[tilespmem:s18+$0xFFFFFF70] =	vst v1;
	v1 =	vmul.f32 $8.000000000e+00, v2;
	v2 =	vld [tilespmem:s18+$0xFFFFFFE0]  }
0x5c: {  	[tilespmem:s18+$0xFFFFFF80] =	vst v0;
	v0 =	vmul.f32 $8.000000000e+00, v6;
	v6 =	vld [tilespmem:s18+$0x0]  }
0x5d: {  	[tilespmem:s18+$0xFFFFFF90] =	vst v1;
	v1 =	vmul.f32 $8.000000000e+00, v5;
	v5 =	vld [tilespmem:s18+$0x10]  }
0x5e: {  	[tilespmem:s18+$0xFFFFFFA0] =	vst v0;
	v0 =	vmul.f32 $8.000000000e+00, v4;
	v4 =	vld [tilespmem:s18+$0x20]  }
0x5f: {  	[tilespmem:s18+$0xFFFFFFB0] =	vst v1;
	v1 =	vmul.f32 $8.000000000e+00, v3;
	v3 =	vld [tilespmem:s18+$0x30]  }
0x60: {  	[tilespmem:s18+$0xFFFFFFC0] =	vst v0;
	v0 =	vmul.f32 $8.000000000e+00, v2;
	v2 =	vld [tilespmem:s18+$0x40]  }
0x61: {  	[tilespmem:s18+$0xFFFFFFD0] =	vst v1;
	v1 =	vmul.f32 $8.000000000e+00, v6;
	v6 =	vld [tilespmem:s18+$0x50]  }
0x62: {  	[tilespmem:s18+$0xFFFFFFE0] =	vst v0;
	v0 =	vmul.f32 $8.000000000e+00, v5;
	v5 =	vld [tilespmem:s18+$0x60]  }
0x63: {  	[tilespmem:s18+$0x0] =	vst v1;
	v1 =	vmul.f32 $8.000000000e+00, v4;
	v4 =	vld [tilespmem:s18+$0x70]  }
0x64: {  	[tilespmem:s18+$0x10] =	vst v0;
	v0 =	vmul.f32 $8.000000000e+00, v3;
	v3 =	vld [tilespmem:s18+$0x80]  }
0x65: {  	[tilespmem:s18+$0x20] =	vst v1;
	v1 =	vmul.f32 $8.000000000e+00, v2;
	v2 =	vld [tilespmem:s18+$0x90]  }
0x66: {  	s9 =	sadd.s32 $0x8, s9;
	[tilespmem:s18+$0x30] =	vst v0;
	v0 =	vmul.f32 $8.000000000e+00, v6;
	v6 =	vld [tilespmem:s18+$0xA0]  }
0x67: {  	p2 =	slt.u32 s9, $0x188;
	[tilespmem:s18+$0x40] =	vst v1;
	v1 =	vmul.f32 $8.000000000e+00, v5;
	v7 =	vld [tilespmem:s18+$0xB0]  }
.Ltmp0:
0x68: {  	[tilespmem:s18+$0x50] =	vst v0;
	v4 =	vmul.f32 $8.000000000e+00, v4;
	v0 =	vld [tilespmem:s18+$0xC0];
	(pc) =	sbr.rel @p2 .LBB2_3-.Ltmp0, $4  }
0x69: {  	[tilespmem:s18+$0x60] =	vst v1;
	v5 =	vmul.f32 $8.000000000e+00, v3;
	v1 =	vld [tilespmem:s18+$0xD0]  }
0x6a: {  	[tilespmem:s18+$0x70] =	vst v4;
	v8 =	vmul.f32 $8.000000000e+00, v2;
	v3 =	vld [tilespmem:s18+$0xE0]  }
0x6b: {  	[tilespmem:s18+$0x80] =	vst v5;
	v5 =	vmul.f32 $8.000000000e+00, v6;
	v2 =	vld [tilespmem:s18+$0xF0]  }
0x6c: {  	s18 =	sadd.s32 $0x200, s18;
	v4 =	vld [tilespmem:s10+$0xFFFFFFF0];
	[tilespmem:s10+$0x90] =	vst v8;
	v6 =	vmul.f32 $8.000000000e+00, v7  }
0x6d: {  	[tilespmem:s10+$0xA0] =	vst v5;
	v0 =	vmul.f32 $8.000000000e+00, v0  }
0x6e: {  	[tilespmem:s10+$0xB0] =	vst v6;
	v1 =	vmul.f32 $8.000000000e+00, v1  }
0x6f: {  	s9 =	smul.u32 $0x640, s24;
	[tilespmem:s10+$0xC0] =	vst v0;
	v0 =	vmul.f32 $8.000000000e+00, v3  }
0x70: {  	[tilespmem:s10+$0xD0] =	vst v1;
	v1 =	vmul.f32 $8.000000000e+00, v2  }
0x71: {  	s6 =	sadd.s32 s3, s9;
	v2 =	vmul.f32 $8.000000000e+00, v4;
	[tilespmem:s10+$0xE0] =	vst v0  }
0x72: {  	s6 =	sshll.u32 s6, $0x4;
	[tilespmem:s10+$0xF0] =	vst v1  }
0x73: {  	s6 =	sadd.s32 s7, s6;
	[tilespmem:s10+$0xFFFFFFF0] =	vst v2  }
0x74: {  	[hbm4b:s6+s30] =	stream.strided.scatter [tilespmem:s23], [sflag:$0x9], $0x6400, s31, s30, $0x38;
	[tilespmem:$0x19640] =	vst v63  }
0x75: {  	_ =	swait.ge [sflag:s1], $0x190  }
0x76: {  	[sflag:s1] =	ssyncset.done $0x0  }
0x77: {  	s6 =	simm.s32 @!p1 $0xC;
	[sflag:s1] =	ssyncadd.s32 $0xFFFFFE70  }
0x78: {  	_ =	swait.ge @!p1 [sflag:s6], $0x6400  }
0x79: {  	[sflag:s6] =	ssyncset.done @!p1 $0x0  }
0x7a: {  	[sflag:s6] =	ssyncadd.s32 @!p1 $0xFFFF9C00  }
0x7b: {  	[tilespmem:s0], [sflag:$0x8] =	stream.indirect.gather [hbm4b:s5+s19], $0x40, s21, s19, $0xb8;
	[tilespmem:$0x19640] =	vst v63  }
0x7c: {  	s6 =	sadd.s32 @!p0 s9, s12;
	_ =	swait.ge [sflag:s8], $0x6400  }
0x7d: {  	s18 =	simm.s32 @!p0 $0x190;
	s6 =	sshrl.u32 @!p0 s6, $0x3;
	[sflag:s8] =	ssyncset.done $0x0  }
0x7e: {  	s10 =	simm.s32 @!p0 $0x0;
	s6 =	sadd.s32 @!p0 s4, s6;
	[sflag:s8] =	ssyncadd.s32 $0xFFFF9C00  }
0x7f: {  	[tilespmem:s18], [sflag:$0x2] =	stream.linear.gather @!p0 [hbm4b:s6+s10], $0x190, $0x38;
	[tilespmem:$0x19640] =	vst v63  }
0x80: {  	s10 =	simm.s32 $0x6B40  }
0x81: {  	v0 =	vld [tilespmem:s10+$0xFFFFFF00]  }
0x82: {  	v1 =	vld [tilespmem:s10+$0xFFFFFF10]  }
0x83: {  	v2 =	vld [tilespmem:s10+$0xFFFFFF20]  }
0x84: {  	v3 =	vld [tilespmem:s10+$0xFFFFFF30]  }
0x85: {  	v4 =	vld [tilespmem:s10+$0xFFFFFF40]  }
0x86: {  	v5 =	vld [tilespmem:s10+$0xFFFFFF50];
	v0 =	vmul.f32 $8.000000000e+00, v0  }
0x87: {  	v6 =	vld [tilespmem:s10+$0xFFFFFF60];
	v1 =	vmul.f32 $8.000000000e+00, v1  }
0x88: {  	[tilespmem:s10+$0xFFFFFF00] =	vst v0;
	v0 =	vmul.f32 $8.000000000e+00, v2;
	v2 =	vld [tilespmem:s10+$0xFFFFFF70]  }
0x89: {  	[tilespmem:s10+$0xFFFFFF10] =	vst v1;
	v1 =	vmul.f32 $8.000000000e+00, v3;
	v3 =	vld [tilespmem:s10+$0xFFFFFF80]  }
0x8a: {  	[tilespmem:s10+$0xFFFFFF20] =	vst v0;
	v0 =	vmul.f32 $8.000000000e+00, v4;
	v4 =	vld [tilespmem:s10+$0xFFFFFF90]  }
0x8b: {  	[tilespmem:s10+$0xFFFFFF30] =	vst v1;
	v1 =	vmul.f32 $8.000000000e+00, v5;
	v5 =	vld [tilespmem:s10+$0xFFFFFFA0]  }
0x8c: {  	[tilespmem:s10+$0xFFFFFF40] =	vst v0;
	v0 =	vmul.f32 $8.000000000e+00, v6;
	v6 =	vld [tilespmem:s10+$0xFFFFFFB0]  }
0x8d: {  	[tilespmem:s10+$0xFFFFFF50] =	vst v1;
	v1 =	vmul.f32 $8.000000000e+00, v2;
	v2 =	vld [tilespmem:s10+$0xFFFFFFC0]  }
0x8e: {  	[tilespmem:s10+$0xFFFFFF60] =	vst v0;
	v0 =	vmul.f32 $8.000000000e+00, v3;
	v3 =	vld [tilespmem:s10+$0xFFFFFFD0]  }
0x8f: {  	[tilespmem:s10+$0xFFFFFF70] =	vst v1;
	v1 =	vmul.f32 $8.000000000e+00, v4;
	v4 =	vld [tilespmem:s10+$0xFFFFFFE0]  }
0x90: {  	[tilespmem:s10+$0xFFFFFF80] =	vst v0;
	v0 =	vmul.f32 $8.000000000e+00, v5;
	v5 =	vld [tilespmem:s10+$0x0]  }
0x91: {  	[tilespmem:s10+$0xFFFFFF90] =	vst v1;
	v1 =	vmul.f32 $8.000000000e+00, v6;
	v6 =	vld [tilespmem:s10+$0x10]  }
0x92: {  	[tilespmem:s10+$0xFFFFFFA0] =	vst v0;
	v0 =	vmul.f32 $8.000000000e+00, v2;
	v2 =	vld [tilespmem:s10+$0x20]  }
0x93: {  	[tilespmem:s10+$0xFFFFFFB0] =	vst v1;
	v1 =	vmul.f32 $8.000000000e+00, v3;
	v3 =	vld [tilespmem:s10+$0x30]  }
0x94: {  	[tilespmem:s10+$0xFFFFFFC0] =	vst v0;
	v0 =	vmul.f32 $8.000000000e+00, v4;
	v4 =	vld [tilespmem:s10+$0x40]  }
0x95: {  	[tilespmem:s10+$0xFFFFFFD0] =	vst v1;
	v1 =	vmul.f32 $8.000000000e+00, v5;
	v5 =	vld [tilespmem:s10+$0x50]  }
0x96: {  	[tilespmem:s10+$0xFFFFFFE0] =	vst v0;
	v0 =	vmul.f32 $8.000000000e+00, v6;
	v6 =	vld [tilespmem:s10+$0x60]  }
0x97: {  	[tilespmem:s10+$0x0] =	vst v1;
	v1 =	vmul.f32 $8.000000000e+00, v2;
	v2 =	vld [tilespmem:s10+$0x70]  }
0x98: {  	[tilespmem:s10+$0x10] =	vst v0;
	v0 =	vmul.f32 $8.000000000e+00, v3;
	v3 =	vld [tilespmem:s10+$0x80]  }
0x99: {  	[tilespmem:s10+$0x20] =	vst v1;
	v1 =	vmul.f32 $8.000000000e+00, v4;
	v4 =	vld [tilespmem:s10+$0x90]  }
0x9a: {  	[tilespmem:s10+$0x30] =	vst v0;
	v0 =	vmul.f32 $8.000000000e+00, v5;
	v5 =	vld [tilespmem:s10+$0xA0]  }
0x9b: {  	[tilespmem:s10+$0x40] =	vst v1;
	v1 =	vmul.f32 $8.000000000e+00, v6;
	v6 =	vld [tilespmem:s10+$0xB0]  }
0x9c: {  	[tilespmem:s10+$0x50] =	vst v0;
	v2 =	vmul.f32 $8.000000000e+00, v2;
	v0 =	vld [tilespmem:s10+$0xC0]  }
0x9d: {  	[tilespmem:s10+$0x60] =	vst v1;
	v3 =	vmul.f32 $8.000000000e+00, v3;
	v1 =	vld [tilespmem:s10+$0xD0]  }
0x9e: {  	[tilespmem:s10+$0x70] =	vst v2;
	v7 =	vmul.f32 $8.000000000e+00, v4;
	v2 =	vld [tilespmem:s10+$0xE0]  }
0x9f: {  	[tilespmem:s10+$0x80] =	vst v3;
	v3 =	vld [tilespmem:s10+$0xF0];
	v5 =	vmul.f32 $8.000000000e+00, v5  }
0xa0: {  	s18 =	simm.s32 $0x0;
	s6 =	simm.s32 $0x6D40;
	v4 =	vld [tilespmem:s10+$0xFFFFFFF0];
	[tilespmem:s10+$0x90] =	vst v7;
	v6 =	vmul.f32 $8.000000000e+00, v6  }
.LBB2_5:
0xa1: {  	v7 =	vld [tilespmem:s6+$0xFFFFFF00];
	[tilespmem:s10+$0xA0] =	vst v5;
	v0 =	vmul.f32 $8.000000000e+00, v0  }
0xa2: {  	v5 =	vld [tilespmem:s6+$0xFFFFFF10];
	[tilespmem:s10+$0xB0] =	vst v6;
	v1 =	vmul.f32 $8.000000000e+00, v1  }
0xa3: {  	v6 =	vld [tilespmem:s6+$0xFFFFFF20];
	[tilespmem:s10+$0xC0] =	vst v0;
	v0 =	vmul.f32 $8.000000000e+00, v2  }
0xa4: {  	v2 =	vld [tilespmem:s6+$0xFFFFFF30];
	[tilespmem:s10+$0xD0] =	vst v1;
	v1 =	vmul.f32 $8.000000000e+00, v3  }
0xa5: {  	v3 =	vld [tilespmem:s6+$0xFFFFFF40];
	v4 =	vmul.f32 $8.000000000e+00, v4;
	[tilespmem:s10+$0xE0] =	vst v0  }
0xa6: {  	v0 =	vmul.f32 $8.000000000e+00, v7;
	v7 =	vld [tilespmem:s6+$0xFFFFFF50];
	[tilespmem:s10+$0xF0] =	vst v1  }
0xa7: {  	v1 =	vmul.f32 $8.000000000e+00, v5;
	v5 =	vld [tilespmem:s6+$0xFFFFFF60];
	[tilespmem:s10+$0xFFFFFFF0] =	vst v4;
	s10 =	smov.u32 s6  }
0xa8: {  	[tilespmem:s6+$0xFFFFFF00] =	vst v0;
	v0 =	vmul.f32 $8.000000000e+00, v6;
	v4 =	vld [tilespmem:s6+$0xFFFFFF70]  }
0xa9: {  	[tilespmem:s6+$0xFFFFFF10] =	vst v1;
	v1 =	vmul.f32 $8.000000000e+00, v2;
	v2 =	vld [tilespmem:s6+$0xFFFFFF80]  }
0xaa: {  	[tilespmem:s6+$0xFFFFFF20] =	vst v0;
	v0 =	vmul.f32 $8.000000000e+00, v3;
	v3 =	vld [tilespmem:s6+$0xFFFFFF90]  }
0xab: {  	[tilespmem:s6+$0xFFFFFF30] =	vst v1;
	v1 =	vmul.f32 $8.000000000e+00, v7;
	v6 =	vld [tilespmem:s6+$0xFFFFFFA0]  }
0xac: {  	[tilespmem:s6+$0xFFFFFF40] =	vst v0;
	v0 =	vmul.f32 $8.000000000e+00, v5;
	v5 =	vld [tilespmem:s6+$0xFFFFFFB0]  }
0xad: {  	[tilespmem:s6+$0xFFFFFF50] =	vst v1;
	v1 =	vmul.f32 $8.000000000e+00, v4;
	v4 =	vld [tilespmem:s6+$0xFFFFFFC0]  }
0xae: {  	[tilespmem:s6+$0xFFFFFF60] =	vst v0;
	v0 =	vmul.f32 $8.000000000e+00, v2;
	v2 =	vld [tilespmem:s6+$0xFFFFFFD0]  }
0xaf: {  	[tilespmem:s6+$0xFFFFFF70] =	vst v1;
	v1 =	vmul.f32 $8.000000000e+00, v3;
	v3 =	vld [tilespmem:s6+$0xFFFFFFE0]  }
0xb0: {  	[tilespmem:s6+$0xFFFFFF80] =	vst v0;
	v0 =	vmul.f32 $8.000000000e+00, v6;
	v6 =	vld [tilespmem:s6+$0x0]  }
0xb1: {  	[tilespmem:s6+$0xFFFFFF90] =	vst v1;
	v1 =	vmul.f32 $8.000000000e+00, v5;
	v5 =	vld [tilespmem:s6+$0x10]  }
0xb2: {  	[tilespmem:s6+$0xFFFFFFA0] =	vst v0;
	v0 =	vmul.f32 $8.000000000e+00, v4;
	v4 =	vld [tilespmem:s6+$0x20]  }
0xb3: {  	[tilespmem:s6+$0xFFFFFFB0] =	vst v1;
	v1 =	vmul.f32 $8.000000000e+00, v2;
	v2 =	vld [tilespmem:s6+$0x30]  }
0xb4: {  	[tilespmem:s6+$0xFFFFFFC0] =	vst v0;
	v0 =	vmul.f32 $8.000000000e+00, v3;
	v3 =	vld [tilespmem:s6+$0x40]  }
0xb5: {  	[tilespmem:s6+$0xFFFFFFD0] =	vst v1;
	v1 =	vmul.f32 $8.000000000e+00, v6;
	v6 =	vld [tilespmem:s6+$0x50]  }
0xb6: {  	[tilespmem:s6+$0xFFFFFFE0] =	vst v0;
	v0 =	vmul.f32 $8.000000000e+00, v5;
	v5 =	vld [tilespmem:s6+$0x60]  }
0xb7: {  	[tilespmem:s6+$0x0] =	vst v1;
	v1 =	vmul.f32 $8.000000000e+00, v4;
	v4 =	vld [tilespmem:s6+$0x70]  }
0xb8: {  	[tilespmem:s6+$0x10] =	vst v0;
	v0 =	vmul.f32 $8.000000000e+00, v2;
	v2 =	vld [tilespmem:s6+$0x80]  }
0xb9: {  	[tilespmem:s6+$0x20] =	vst v1;
	v1 =	vmul.f32 $8.000000000e+00, v3;
	v3 =	vld [tilespmem:s6+$0x90]  }
0xba: {  	s18 =	sadd.s32 $0x8, s18;
	[tilespmem:s6+$0x30] =	vst v0;
	v0 =	vmul.f32 $8.000000000e+00, v6;
	v6 =	vld [tilespmem:s6+$0xA0]  }
0xbb: {  	p0 =	slt.u32 s18, $0x188;
	[tilespmem:s6+$0x40] =	vst v1;
	v1 =	vmul.f32 $8.000000000e+00, v5;
	v7 =	vld [tilespmem:s6+$0xB0]  }
.Ltmp1:
0xbc: {  	[tilespmem:s6+$0x50] =	vst v0;
	v4 =	vmul.f32 $8.000000000e+00, v4;
	v0 =	vld [tilespmem:s6+$0xC0];
	(pc) =	sbr.rel @p0 .LBB2_5-.Ltmp1, $4  }
0xbd: {  	[tilespmem:s6+$0x60] =	vst v1;
	v5 =	vmul.f32 $8.000000000e+00, v2;
	v1 =	vld [tilespmem:s6+$0xD0]  }
0xbe: {  	[tilespmem:s6+$0x70] =	vst v4;
	v8 =	vmul.f32 $8.000000000e+00, v3;
	v2 =	vld [tilespmem:s6+$0xE0]  }
0xbf: {  	[tilespmem:s6+$0x80] =	vst v5;
	v5 =	vmul.f32 $8.000000000e+00, v6;
	v3 =	vld [tilespmem:s6+$0xF0]  }
0xc0: {  	s6 =	sadd.s32 $0x200, s6;
	v4 =	vld [tilespmem:s10+$0xFFFFFFF0];
	[tilespmem:s10+$0x90] =	vst v8;
	v6 =	vmul.f32 $8.000000000e+00, v7  }
0xc1: {  	[tilespmem:s10+$0xA0] =	vst v5;
	v0 =	vmul.f32 $8.000000000e+00, v0  }
0xc2: {  	[tilespmem:s10+$0xB0] =	vst v6;
	v1 =	vmul.f32 $8.000000000e+00, v1  }
0xc3: {  	[tilespmem:s10+$0xC0] =	vst v0;
	v0 =	vmul.f32 $8.000000000e+00, v2  }
0xc4: {  	s6 =	sadd.s32 s9, s13;
	[tilespmem:s10+$0xD0] =	vst v1;
	v1 =	vmul.f32 $8.000000000e+00, v3  }
0xc5: {  	s6 =	sshll.u32 s6, $0x4;
	v2 =	vmul.f32 $8.000000000e+00, v4;
	[tilespmem:s10+$0xE0] =	vst v0  }
0xc6: {  	s6 =	sand.u32 $0x1FFFFD00, s6;
	[tilespmem:s10+$0xF0] =	vst v1  }
0xc7: {  	p0 =	sne.s32 s24, $0x3F;
	s6 =	sadd.s32 s7, s6;
	[tilespmem:s10+$0xFFFFFFF0] =	vst v2  }
0xc8: {  	[hbm4b:s6+s30] =	stream.strided.scatter [tilespmem:s25], [sflag:$0xA], $0x6400, s31, s30, $0x38;
	[tilespmem:$0x19640] =	vst v63  }
0xc9: {  	s6 =	simm.s32 @p0 $0x1  }
0xca: {  	_ =	swait.ge @p0 [sflag:s6], $0x190  }
0xcb: {  	[sflag:s6] =	ssyncset.done @p0 $0x0  }
0xcc: {  	[sflag:s6] =	ssyncadd.s32 @p0 $0xFFFFFE70;
	s6 =	simm.s32 @p0 $0x9  }
0xcd: {  	_ =	swait.ge @p0 [sflag:s6], $0x6400  }
0xce: {  	s18 =	simm.s32 @p0 $0x640;
	[sflag:s6] =	ssyncset.done @p0 $0x0  }
0xcf: {  	s10 =	simm.s32 @p0 $0x0;
	[sflag:s6] =	ssyncadd.s32 @p0 $0xFFFF9C00;
	s6 =	simm.s32 @p0 $0x190  }
0xd0: {  	[tilespmem:s18], [sflag:$0x5] =	stream.indirect.gather @p0 [hbm4b:s5+s6], $0x40, s10, s6, $0xb8;
	[tilespmem:$0x19640] =	vst v63  }
0xd1: {  	s6 =	simm.s32 @p0 $0x7  }
0xd2: {  	s18 =	sadd.s32 @p0 s9, s14;
	_ =	swait.ge @p0 [sflag:s6], $0x6400  }
0xd3: {  	s18 =	sshrl.u32 @p0 s18, $0x3;
	[sflag:s6] =	ssyncset.done @p0 $0x0  }
0xd4: {  	[sflag:s6] =	ssyncadd.s32 @p0 $0xFFFF9C00;
	s6 =	sadd.s32 @p0 s4, s18;
	s18 =	simm.s32 @p0 $0x320  }
0xd5: {  	[tilespmem:s18], [sflag:$0x3] =	stream.linear.gather @p0 [hbm4b:s6+s10], $0x190, $0x38;
	[tilespmem:$0x19640] =	vst v63  }
0xd6: {  	s6 =	simm.s32 @!p0 $0x7  }
0xd7: {  	_ =	swait.ge @!p0 [sflag:s6], $0x6400  }
0xd8: {  	[sflag:s6] =	ssyncset.done @!p0 $0x0  }
0xd9: {  	s10 =	simm.s32 $0xCF40;
	[sflag:s6] =	ssyncadd.s32 @!p0 $0xFFFF9C00  }
0xda: {  	v0 =	vld [tilespmem:s10+$0xFFFFFF00]  }
0xdb: {  	v1 =	vld [tilespmem:s10+$0xFFFFFF10]  }
0xdc: {  	v2 =	vld [tilespmem:s10+$0xFFFFFF20]  }
0xdd: {  	v3 =	vld [tilespmem:s10+$0xFFFFFF30]  }
0xde: {  	v4 =	vld [tilespmem:s10+$0xFFFFFF40]  }
0xdf: {  	v5 =	vld [tilespmem:s10+$0xFFFFFF50];
	v0 =	vmul.f32 $8.000000000e+00, v0  }
0xe0: {  	v6 =	vld [tilespmem:s10+$0xFFFFFF60];
	v1 =	vmul.f32 $8.000000000e+00, v1  }
0xe1: {  	[tilespmem:s10+$0xFFFFFF00] =	vst v0;
	v0 =	vmul.f32 $8.000000000e+00, v2;
	v2 =	vld [tilespmem:s10+$0xFFFFFF70]  }
0xe2: {  	[tilespmem:s10+$0xFFFFFF10] =	vst v1;
	v1 =	vmul.f32 $8.000000000e+00, v3;
	v3 =	vld [tilespmem:s10+$0xFFFFFF80]  }
0xe3: {  	[tilespmem:s10+$0xFFFFFF20] =	vst v0;
	v0 =	vmul.f32 $8.000000000e+00, v4;
	v4 =	vld [tilespmem:s10+$0xFFFFFF90]  }
0xe4: {  	[tilespmem:s10+$0xFFFFFF30] =	vst v1;
	v1 =	vmul.f32 $8.000000000e+00, v5;
	v5 =	vld [tilespmem:s10+$0xFFFFFFA0]  }
0xe5: {  	[tilespmem:s10+$0xFFFFFF40] =	vst v0;
	v0 =	vmul.f32 $8.000000000e+00, v6;
	v6 =	vld [tilespmem:s10+$0xFFFFFFB0]  }
0xe6: {  	[tilespmem:s10+$0xFFFFFF50] =	vst v1;
	v1 =	vmul.f32 $8.000000000e+00, v2;
	v2 =	vld [tilespmem:s10+$0xFFFFFFC0]  }
0xe7: {  	[tilespmem:s10+$0xFFFFFF60] =	vst v0;
	v0 =	vmul.f32 $8.000000000e+00, v3;
	v3 =	vld [tilespmem:s10+$0xFFFFFFD0]  }
0xe8: {  	[tilespmem:s10+$0xFFFFFF70] =	vst v1;
	v1 =	vmul.f32 $8.000000000e+00, v4;
	v4 =	vld [tilespmem:s10+$0xFFFFFFE0]  }
0xe9: {  	[tilespmem:s10+$0xFFFFFF80] =	vst v0;
	v0 =	vmul.f32 $8.000000000e+00, v5;
	v5 =	vld [tilespmem:s10+$0x0]  }
0xea: {  	[tilespmem:s10+$0xFFFFFF90] =	vst v1;
	v1 =	vmul.f32 $8.000000000e+00, v6;
	v6 =	vld [tilespmem:s10+$0x10]  }
0xeb: {  	[tilespmem:s10+$0xFFFFFFA0] =	vst v0;
	v0 =	vmul.f32 $8.000000000e+00, v2;
	v2 =	vld [tilespmem:s10+$0x20]  }
0xec: {  	[tilespmem:s10+$0xFFFFFFB0] =	vst v1;
	v1 =	vmul.f32 $8.000000000e+00, v3;
	v3 =	vld [tilespmem:s10+$0x30]  }
0xed: {  	[tilespmem:s10+$0xFFFFFFC0] =	vst v0;
	v0 =	vmul.f32 $8.000000000e+00, v4;
	v4 =	vld [tilespmem:s10+$0x40]  }
0xee: {  	[tilespmem:s10+$0xFFFFFFD0] =	vst v1;
	v1 =	vmul.f32 $8.000000000e+00, v5;
	v5 =	vld [tilespmem:s10+$0x50]  }
0xef: {  	[tilespmem:s10+$0xFFFFFFE0] =	vst v0;
	v0 =	vmul.f32 $8.000000000e+00, v6;
	v6 =	vld [tilespmem:s10+$0x60]  }
0xf0: {  	[tilespmem:s10+$0x0] =	vst v1;
	v1 =	vmul.f32 $8.000000000e+00, v2;
	v2 =	vld [tilespmem:s10+$0x70]  }
0xf1: {  	[tilespmem:s10+$0x10] =	vst v0;
	v0 =	vmul.f32 $8.000000000e+00, v3;
	v3 =	vld [tilespmem:s10+$0x80]  }
0xf2: {  	[tilespmem:s10+$0x20] =	vst v1;
	v1 =	vmul.f32 $8.000000000e+00, v4;
	v4 =	vld [tilespmem:s10+$0x90]  }
0xf3: {  	[tilespmem:s10+$0x30] =	vst v0;
	v0 =	vmul.f32 $8.000000000e+00, v5;
	v5 =	vld [tilespmem:s10+$0xA0]  }
0xf4: {  	[tilespmem:s10+$0x40] =	vst v1;
	v1 =	vmul.f32 $8.000000000e+00, v6;
	v6 =	vld [tilespmem:s10+$0xB0]  }
0xf5: {  	[tilespmem:s10+$0x50] =	vst v0;
	v2 =	vmul.f32 $8.000000000e+00, v2;
	v0 =	vld [tilespmem:s10+$0xC0]  }
0xf6: {  	[tilespmem:s10+$0x60] =	vst v1;
	v3 =	vmul.f32 $8.000000000e+00, v3;
	v1 =	vld [tilespmem:s10+$0xD0]  }
0xf7: {  	[tilespmem:s10+$0x70] =	vst v2;
	v7 =	vmul.f32 $8.000000000e+00, v4;
	v2 =	vld [tilespmem:s10+$0xE0]  }
0xf8: {  	[tilespmem:s10+$0x80] =	vst v3;
	v3 =	vld [tilespmem:s10+$0xF0];
	v5 =	vmul.f32 $8.000000000e+00, v5  }
0xf9: {  	s18 =	simm.s32 $0x0;
	s6 =	simm.s32 $0xD140;
	v4 =	vld [tilespmem:s10+$0xFFFFFFF0];
	[tilespmem:s10+$0x90] =	vst v7;
	v6 =	vmul.f32 $8.000000000e+00, v6  }
.LBB2_7:
0xfa: {  	v7 =	vld [tilespmem:s6+$0xFFFFFF00];
	[tilespmem:s10+$0xA0] =	vst v5;
	v0 =	vmul.f32 $8.000000000e+00, v0  }
0xfb: {  	v5 =	vld [tilespmem:s6+$0xFFFFFF10];
	[tilespmem:s10+$0xB0] =	vst v6;
	v1 =	vmul.f32 $8.000000000e+00, v1  }
0xfc: {  	v6 =	vld [tilespmem:s6+$0xFFFFFF20];
	[tilespmem:s10+$0xC0] =	vst v0;
	v0 =	vmul.f32 $8.000000000e+00, v2  }
0xfd: {  	v2 =	vld [tilespmem:s6+$0xFFFFFF30];
	[tilespmem:s10+$0xD0] =	vst v1;
	v1 =	vmul.f32 $8.000000000e+00, v3  }
0xfe: {  	v3 =	vld [tilespmem:s6+$0xFFFFFF40];
	v4 =	vmul.f32 $8.000000000e+00, v4;
	[tilespmem:s10+$0xE0] =	vst v0  }
0xff: {  	v0 =	vmul.f32 $8.000000000e+00, v7;
	v7 =	vld [tilespmem:s6+$0xFFFFFF50];
	[tilespmem:s10+$0xF0] =	vst v1  }
0x100: {  	v1 =	vmul.f32 $8.000000000e+00, v5;
	v5 =	vld [tilespmem:s6+$0xFFFFFF60];
	[tilespmem:s10+$0xFFFFFFF0] =	vst v4;
	s10 =	smov.u32 s6  }
0x101: {  	[tilespmem:s6+$0xFFFFFF00] =	vst v0;
	v0 =	vmul.f32 $8.000000000e+00, v6;
	v4 =	vld [tilespmem:s6+$0xFFFFFF70]  }
0x102: {  	[tilespmem:s6+$0xFFFFFF10] =	vst v1;
	v1 =	vmul.f32 $8.000000000e+00, v2;
	v2 =	vld [tilespmem:s6+$0xFFFFFF80]  }
0x103: {  	[tilespmem:s6+$0xFFFFFF20] =	vst v0;
	v0 =	vmul.f32 $8.000000000e+00, v3;
	v3 =	vld [tilespmem:s6+$0xFFFFFF90]  }
0x104: {  	[tilespmem:s6+$0xFFFFFF30] =	vst v1;
	v1 =	vmul.f32 $8.000000000e+00, v7;
	v6 =	vld [tilespmem:s6+$0xFFFFFFA0]  }
0x105: {  	[tilespmem:s6+$0xFFFFFF40] =	vst v0;
	v0 =	vmul.f32 $8.000000000e+00, v5;
	v5 =	vld [tilespmem:s6+$0xFFFFFFB0]  }
0x106: {  	[tilespmem:s6+$0xFFFFFF50] =	vst v1;
	v1 =	vmul.f32 $8.000000000e+00, v4;
	v4 =	vld [tilespmem:s6+$0xFFFFFFC0]  }
0x107: {  	[tilespmem:s6+$0xFFFFFF60] =	vst v0;
	v0 =	vmul.f32 $8.000000000e+00, v2;
	v2 =	vld [tilespmem:s6+$0xFFFFFFD0]  }
0x108: {  	[tilespmem:s6+$0xFFFFFF70] =	vst v1;
	v1 =	vmul.f32 $8.000000000e+00, v3;
	v3 =	vld [tilespmem:s6+$0xFFFFFFE0]  }
0x109: {  	[tilespmem:s6+$0xFFFFFF80] =	vst v0;
	v0 =	vmul.f32 $8.000000000e+00, v6;
	v6 =	vld [tilespmem:s6+$0x0]  }
0x10a: {  	[tilespmem:s6+$0xFFFFFF90] =	vst v1;
	v1 =	vmul.f32 $8.000000000e+00, v5;
	v5 =	vld [tilespmem:s6+$0x10]  }
0x10b: {  	[tilespmem:s6+$0xFFFFFFA0] =	vst v0;
	v0 =	vmul.f32 $8.000000000e+00, v4;
	v4 =	vld [tilespmem:s6+$0x20]  }
0x10c: {  	[tilespmem:s6+$0xFFFFFFB0] =	vst v1;
	v1 =	vmul.f32 $8.000000000e+00, v2;
	v2 =	vld [tilespmem:s6+$0x30]  }
0x10d: {  	[tilespmem:s6+$0xFFFFFFC0] =	vst v0;
	v0 =	vmul.f32 $8.000000000e+00, v3;
	v3 =	vld [tilespmem:s6+$0x40]  }
0x10e: {  	[tilespmem:s6+$0xFFFFFFD0] =	vst v1;
	v1 =	vmul.f32 $8.000000000e+00, v6;
	v6 =	vld [tilespmem:s6+$0x50]  }
0x10f: {  	[tilespmem:s6+$0xFFFFFFE0] =	vst v0;
	v0 =	vmul.f32 $8.000000000e+00, v5;
	v5 =	vld [tilespmem:s6+$0x60]  }
0x110: {  	[tilespmem:s6+$0x0] =	vst v1;
	v1 =	vmul.f32 $8.000000000e+00, v4;
	v4 =	vld [tilespmem:s6+$0x70]  }
0x111: {  	[tilespmem:s6+$0x10] =	vst v0;
	v0 =	vmul.f32 $8.000000000e+00, v2;
	v2 =	vld [tilespmem:s6+$0x80]  }
0x112: {  	[tilespmem:s6+$0x20] =	vst v1;
	v1 =	vmul.f32 $8.000000000e+00, v3;
	v3 =	vld [tilespmem:s6+$0x90]  }
0x113: {  	s18 =	sadd.s32 $0x8, s18;
	[tilespmem:s6+$0x30] =	vst v0;
	v0 =	vmul.f32 $8.000000000e+00, v6;
	v6 =	vld [tilespmem:s6+$0xA0]  }
0x114: {  	p1 =	slt.u32 s18, $0x188;
	[tilespmem:s6+$0x40] =	vst v1;
	v1 =	vmul.f32 $8.000000000e+00, v5;
	v7 =	vld [tilespmem:s6+$0xB0]  }
.Ltmp2:
0x115: {  	[tilespmem:s6+$0x50] =	vst v0;
	v4 =	vmul.f32 $8.000000000e+00, v4;
	v0 =	vld [tilespmem:s6+$0xC0];
	(pc) =	sbr.rel @p1 .LBB2_7-.Ltmp2, $4  }
0x116: {  	[tilespmem:s6+$0x60] =	vst v1;
	v5 =	vmul.f32 $8.000000000e+00, v2;
	v1 =	vld [tilespmem:s6+$0xD0]  }
0x117: {  	[tilespmem:s6+$0x70] =	vst v4;
	v8 =	vmul.f32 $8.000000000e+00, v3;
	v2 =	vld [tilespmem:s6+$0xE0]  }
0x118: {  	[tilespmem:s6+$0x80] =	vst v5;
	v5 =	vmul.f32 $8.000000000e+00, v6;
	v3 =	vld [tilespmem:s6+$0xF0]  }
0x119: {  	s6 =	sadd.s32 $0x200, s6;
	v4 =	vld [tilespmem:s10+$0xFFFFFFF0];
	[tilespmem:s10+$0x90] =	vst v8;
	v6 =	vmul.f32 $8.000000000e+00, v7  }
0x11a: {  	[tilespmem:s10+$0xA0] =	vst v5;
	v0 =	vmul.f32 $8.000000000e+00, v0  }
0x11b: {  	[tilespmem:s10+$0xB0] =	vst v6;
	v1 =	vmul.f32 $8.000000000e+00, v1  }
0x11c: {  	[tilespmem:s10+$0xC0] =	vst v0;
	v0 =	vmul.f32 $8.000000000e+00, v2  }
0x11d: {  	s6 =	sadd.s32 s9, s15;
	[tilespmem:s10+$0xD0] =	vst v1;
	v1 =	vmul.f32 $8.000000000e+00, v3  }
0x11e: {  	s6 =	sshll.u32 s6, $0x4;
	v2 =	vmul.f32 $8.000000000e+00, v4;
	[tilespmem:s10+$0xE0] =	vst v0  }
0x11f: {  	s6 =	sand.u32 $0x1FFFFE00, s6;
	[tilespmem:s10+$0xF0] =	vst v1  }
0x120: {  	s6 =	sadd.s32 s7, s6;
	[tilespmem:s10+$0xFFFFFFF0] =	vst v2  }
0x121: {  	[hbm4b:s6+s30] =	stream.strided.scatter [tilespmem:s28], [sflag:$0xB], $0x6400, s31, s30, $0x38;
	[tilespmem:$0x19640] =	vst v63  }
0x122: {  	s6 =	simm.s32 @p0 $0x2  }
0x123: {  	_ =	swait.ge @p0 [sflag:s6], $0x190  }
0x124: {  	[sflag:s6] =	ssyncset.done @p0 $0x0  }
0x125: {  	[sflag:s6] =	ssyncadd.s32 @p0 $0xFFFFFE70;
	s6 =	simm.s32 @p0 $0xA  }
0x126: {  	_ =	swait.ge @p0 [sflag:s6], $0x6400  }
0x127: {  	[sflag:s6] =	ssyncset.done @p0 $0x0  }
0x128: {  	s10 =	simm.s32 @p0 $0x6A40;
	[sflag:s6] =	ssyncadd.s32 @p0 $0xFFFF9C00;
	s6 =	simm.s32 @p0 $0x190  }
0x129: {  	[tilespmem:s10], [sflag:$0x6] =	stream.indirect.gather @p0 [hbm4b:s5+s6], $0x40, s6, s6, $0xb8;
	[tilespmem:$0x19640] =	vst v63  }
0x12a: {  	s6 =	simm.s32 @p0 $0x8  }
0x12b: {  	_ =	swait.ge @p0 [sflag:s6], $0x6400  }
0x12c: {  	s10 =	sadd.s32 @p0 s9, s16;
	[sflag:s6] =	ssyncset.done @p0 $0x0  }
0x12d: {  	[sflag:s6] =	ssyncadd.s32 @p0 $0xFFFF9C00;
	s6 =	sshrl.u32 @p0 s10, $0x3  }
0x12e: {  	s18 =	simm.s32 @p0 $0x4B0;
	s10 =	simm.s32 @p0 $0x0;
	s6 =	sadd.s32 @p0 s4, s6  }
0x12f: {  	[tilespmem:s18], [sflag:$0x4] =	stream.linear.gather @p0 [hbm4b:s6+s10], $0x190, $0x38;
	[tilespmem:$0x19640] =	vst v63  }
0x130: {  	s6 =	simm.s32 @!p0 $0x8  }
0x131: {  	_ =	swait.ge @!p0 [sflag:s6], $0x6400  }
0x132: {  	[sflag:s6] =	ssyncset.done @!p0 $0x0  }
0x133: {  	s10 =	simm.s32 $0x13340;
	[sflag:s6] =	ssyncadd.s32 @!p0 $0xFFFF9C00  }
0x134: {  	v0 =	vld [tilespmem:s10+$0xFFFFFF00]  }
0x135: {  	v1 =	vld [tilespmem:s10+$0xFFFFFF10]  }
0x136: {  	v2 =	vld [tilespmem:s10+$0xFFFFFF20]  }
0x137: {  	v3 =	vld [tilespmem:s10+$0xFFFFFF30]  }
0x138: {  	v4 =	vld [tilespmem:s10+$0xFFFFFF40]  }
0x139: {  	v5 =	vld [tilespmem:s10+$0xFFFFFF50];
	v0 =	vmul.f32 $8.000000000e+00, v0  }
0x13a: {  	v6 =	vld [tilespmem:s10+$0xFFFFFF60];
	v1 =	vmul.f32 $8.000000000e+00, v1  }
0x13b: {  	[tilespmem:s10+$0xFFFFFF00] =	vst v0;
	v0 =	vmul.f32 $8.000000000e+00, v2;
	v2 =	vld [tilespmem:s10+$0xFFFFFF70]  }
0x13c: {  	[tilespmem:s10+$0xFFFFFF10] =	vst v1;
	v1 =	vmul.f32 $8.000000000e+00, v3;
	v3 =	vld [tilespmem:s10+$0xFFFFFF80]  }
0x13d: {  	[tilespmem:s10+$0xFFFFFF20] =	vst v0;
	v0 =	vmul.f32 $8.000000000e+00, v4;
	v4 =	vld [tilespmem:s10+$0xFFFFFF90]  }
0x13e: {  	[tilespmem:s10+$0xFFFFFF30] =	vst v1;
	v1 =	vmul.f32 $8.000000000e+00, v5;
	v5 =	vld [tilespmem:s10+$0xFFFFFFA0]  }
0x13f: {  	[tilespmem:s10+$0xFFFFFF40] =	vst v0;
	v0 =	vmul.f32 $8.000000000e+00, v6;
	v6 =	vld [tilespmem:s10+$0xFFFFFFB0]  }
0x140: {  	[tilespmem:s10+$0xFFFFFF50] =	vst v1;
	v1 =	vmul.f32 $8.000000000e+00, v2;
	v2 =	vld [tilespmem:s10+$0xFFFFFFC0]  }
0x141: {  	[tilespmem:s10+$0xFFFFFF60] =	vst v0;
	v0 =	vmul.f32 $8.000000000e+00, v3;
	v3 =	vld [tilespmem:s10+$0xFFFFFFD0]  }
0x142: {  	[tilespmem:s10+$0xFFFFFF70] =	vst v1;
	v1 =	vmul.f32 $8.000000000e+00, v4;
	v4 =	vld [tilespmem:s10+$0xFFFFFFE0]  }
0x143: {  	[tilespmem:s10+$0xFFFFFF80] =	vst v0;
	v0 =	vmul.f32 $8.000000000e+00, v5;
	v5 =	vld [tilespmem:s10+$0x0]  }
0x144: {  	[tilespmem:s10+$0xFFFFFF90] =	vst v1;
	v1 =	vmul.f32 $8.000000000e+00, v6;
	v6 =	vld [tilespmem:s10+$0x10]  }
0x145: {  	[tilespmem:s10+$0xFFFFFFA0] =	vst v0;
	v0 =	vmul.f32 $8.000000000e+00, v2;
	v2 =	vld [tilespmem:s10+$0x20]  }
0x146: {  	[tilespmem:s10+$0xFFFFFFB0] =	vst v1;
	v1 =	vmul.f32 $8.000000000e+00, v3;
	v3 =	vld [tilespmem:s10+$0x30]  }
0x147: {  	[tilespmem:s10+$0xFFFFFFC0] =	vst v0;
	v0 =	vmul.f32 $8.000000000e+00, v4;
	v4 =	vld [tilespmem:s10+$0x40]  }
0x148: {  	[tilespmem:s10+$0xFFFFFFD0] =	vst v1;
	v1 =	vmul.f32 $8.000000000e+00, v5;
	v5 =	vld [tilespmem:s10+$0x50]  }
0x149: {  	[tilespmem:s10+$0xFFFFFFE0] =	vst v0;
	v0 =	vmul.f32 $8.000000000e+00, v6;
	v6 =	vld [tilespmem:s10+$0x60]  }
0x14a: {  	[tilespmem:s10+$0x0] =	vst v1;
	v1 =	vmul.f32 $8.000000000e+00, v2;
	v2 =	vld [tilespmem:s10+$0x70]  }
0x14b: {  	[tilespmem:s10+$0x10] =	vst v0;
	v0 =	vmul.f32 $8.000000000e+00, v3;
	v3 =	vld [tilespmem:s10+$0x80]  }
0x14c: {  	[tilespmem:s10+$0x20] =	vst v1;
	v1 =	vmul.f32 $8.000000000e+00, v4;
	v4 =	vld [tilespmem:s10+$0x90]  }
0x14d: {  	[tilespmem:s10+$0x30] =	vst v0;
	v0 =	vmul.f32 $8.000000000e+00, v5;
	v5 =	vld [tilespmem:s10+$0xA0]  }
0x14e: {  	[tilespmem:s10+$0x40] =	vst v1;
	v1 =	vmul.f32 $8.000000000e+00, v6;
	v6 =	vld [tilespmem:s10+$0xB0]  }
0x14f: {  	[tilespmem:s10+$0x50] =	vst v0;
	v2 =	vmul.f32 $8.000000000e+00, v2;
	v0 =	vld [tilespmem:s10+$0xC0]  }
0x150: {  	[tilespmem:s10+$0x60] =	vst v1;
	v3 =	vmul.f32 $8.000000000e+00, v3;
	v1 =	vld [tilespmem:s10+$0xD0]  }
0x151: {  	[tilespmem:s10+$0x70] =	vst v2;
	v7 =	vmul.f32 $8.000000000e+00, v4;
	v2 =	vld [tilespmem:s10+$0xE0]  }
0x152: {  	[tilespmem:s10+$0x80] =	vst v3;
	v3 =	vld [tilespmem:s10+$0xF0];
	v5 =	vmul.f32 $8.000000000e+00, v5  }
0x153: {  	s18 =	simm.s32 $0x0;
	s6 =	simm.s32 $0x13540;
	v4 =	vld [tilespmem:s10+$0xFFFFFFF0];
	[tilespmem:s10+$0x90] =	vst v7;
	v6 =	vmul.f32 $8.000000000e+00, v6  }
.LBB2_9:
0x154: {  	v7 =	vld [tilespmem:s6+$0xFFFFFF00];
	[tilespmem:s10+$0xA0] =	vst v5;
	v0 =	vmul.f32 $8.000000000e+00, v0  }
0x155: {  	v5 =	vld [tilespmem:s6+$0xFFFFFF10];
	[tilespmem:s10+$0xB0] =	vst v6;
	v1 =	vmul.f32 $8.000000000e+00, v1  }
0x156: {  	v6 =	vld [tilespmem:s6+$0xFFFFFF20];
	[tilespmem:s10+$0xC0] =	vst v0;
	v0 =	vmul.f32 $8.000000000e+00, v2  }
0x157: {  	v2 =	vld [tilespmem:s6+$0xFFFFFF30];
	[tilespmem:s10+$0xD0] =	vst v1;
	v1 =	vmul.f32 $8.000000000e+00, v3  }
0x158: {  	v3 =	vld [tilespmem:s6+$0xFFFFFF40];
	v4 =	vmul.f32 $8.000000000e+00, v4;
	[tilespmem:s10+$0xE0] =	vst v0  }
0x159: {  	v0 =	vmul.f32 $8.000000000e+00, v7;
	v7 =	vld [tilespmem:s6+$0xFFFFFF50];
	[tilespmem:s10+$0xF0] =	vst v1  }
0x15a: {  	v1 =	vmul.f32 $8.000000000e+00, v5;
	v5 =	vld [tilespmem:s6+$0xFFFFFF60];
	[tilespmem:s10+$0xFFFFFFF0] =	vst v4;
	s10 =	smov.u32 s6  }
0x15b: {  	[tilespmem:s6+$0xFFFFFF00] =	vst v0;
	v0 =	vmul.f32 $8.000000000e+00, v6;
	v4 =	vld [tilespmem:s6+$0xFFFFFF70]  }
0x15c: {  	[tilespmem:s6+$0xFFFFFF10] =	vst v1;
	v1 =	vmul.f32 $8.000000000e+00, v2;
	v2 =	vld [tilespmem:s6+$0xFFFFFF80]  }
0x15d: {  	[tilespmem:s6+$0xFFFFFF20] =	vst v0;
	v0 =	vmul.f32 $8.000000000e+00, v3;
	v3 =	vld [tilespmem:s6+$0xFFFFFF90]  }
0x15e: {  	[tilespmem:s6+$0xFFFFFF30] =	vst v1;
	v1 =	vmul.f32 $8.000000000e+00, v7;
	v6 =	vld [tilespmem:s6+$0xFFFFFFA0]  }
0x15f: {  	[tilespmem:s6+$0xFFFFFF40] =	vst v0;
	v0 =	vmul.f32 $8.000000000e+00, v5;
	v5 =	vld [tilespmem:s6+$0xFFFFFFB0]  }
0x160: {  	[tilespmem:s6+$0xFFFFFF50] =	vst v1;
	v1 =	vmul.f32 $8.000000000e+00, v4;
	v4 =	vld [tilespmem:s6+$0xFFFFFFC0]  }
0x161: {  	[tilespmem:s6+$0xFFFFFF60] =	vst v0;
	v0 =	vmul.f32 $8.000000000e+00, v2;
	v2 =	vld [tilespmem:s6+$0xFFFFFFD0]  }
0x162: {  	[tilespmem:s6+$0xFFFFFF70] =	vst v1;
	v1 =	vmul.f32 $8.000000000e+00, v3;
	v3 =	vld [tilespmem:s6+$0xFFFFFFE0]  }
0x163: {  	[tilespmem:s6+$0xFFFFFF80] =	vst v0;
	v0 =	vmul.f32 $8.000000000e+00, v6;
	v6 =	vld [tilespmem:s6+$0x0]  }
0x164: {  	[tilespmem:s6+$0xFFFFFF90] =	vst v1;
	v1 =	vmul.f32 $8.000000000e+00, v5;
	v5 =	vld [tilespmem:s6+$0x10]  }
0x165: {  	[tilespmem:s6+$0xFFFFFFA0] =	vst v0;
	v0 =	vmul.f32 $8.000000000e+00, v4;
	v4 =	vld [tilespmem:s6+$0x20]  }
0x166: {  	[tilespmem:s6+$0xFFFFFFB0] =	vst v1;
	v1 =	vmul.f32 $8.000000000e+00, v2;
	v2 =	vld [tilespmem:s6+$0x30]  }
0x167: {  	[tilespmem:s6+$0xFFFFFFC0] =	vst v0;
	v0 =	vmul.f32 $8.000000000e+00, v3;
	v3 =	vld [tilespmem:s6+$0x40]  }
0x168: {  	[tilespmem:s6+$0xFFFFFFD0] =	vst v1;
	v1 =	vmul.f32 $8.000000000e+00, v6;
	v6 =	vld [tilespmem:s6+$0x50]  }
0x169: {  	[tilespmem:s6+$0xFFFFFFE0] =	vst v0;
	v0 =	vmul.f32 $8.000000000e+00, v5;
	v5 =	vld [tilespmem:s6+$0x60]  }
0x16a: {  	[tilespmem:s6+$0x0] =	vst v1;
	v1 =	vmul.f32 $8.000000000e+00, v4;
	v4 =	vld [tilespmem:s6+$0x70]  }
0x16b: {  	[tilespmem:s6+$0x10] =	vst v0;
	v0 =	vmul.f32 $8.000000000e+00, v2;
	v2 =	vld [tilespmem:s6+$0x80]  }
0x16c: {  	[tilespmem:s6+$0x20] =	vst v1;
	v1 =	vmul.f32 $8.000000000e+00, v3;
	v3 =	vld [tilespmem:s6+$0x90]  }
0x16d: {  	s18 =	sadd.s32 $0x8, s18;
	[tilespmem:s6+$0x30] =	vst v0;
	v0 =	vmul.f32 $8.000000000e+00, v6;
	v6 =	vld [tilespmem:s6+$0xA0]  }
0x16e: {  	p0 =	slt.u32 s18, $0x188;
	[tilespmem:s6+$0x40] =	vst v1;
	v1 =	vmul.f32 $8.000000000e+00, v5;
	v7 =	vld [tilespmem:s6+$0xB0]  }
.Ltmp3:
0x16f: {  	[tilespmem:s6+$0x50] =	vst v0;
	v4 =	vmul.f32 $8.000000000e+00, v4;
	v0 =	vld [tilespmem:s6+$0xC0];
	(pc) =	sbr.rel @p0 .LBB2_9-.Ltmp3, $4  }
0x170: {  	[tilespmem:s6+$0x60] =	vst v1;
	v5 =	vmul.f32 $8.000000000e+00, v2;
	v1 =	vld [tilespmem:s6+$0xD0]  }
0x171: {  	[tilespmem:s6+$0x70] =	vst v4;
	v8 =	vmul.f32 $8.000000000e+00, v3;
	v2 =	vld [tilespmem:s6+$0xE0]  }
0x172: {  	[tilespmem:s6+$0x80] =	vst v5;
	v5 =	vmul.f32 $8.000000000e+00, v6;
	v3 =	vld [tilespmem:s6+$0xF0]  }
0x173: {  	s6 =	sadd.s32 $0x200, s6;
	v4 =	vld [tilespmem:s10+$0xFFFFFFF0];
	[tilespmem:s10+$0x90] =	vst v8;
	v6 =	vmul.f32 $8.000000000e+00, v7  }
0x174: {  	[tilespmem:s10+$0xA0] =	vst v5;
	v0 =	vmul.f32 $8.000000000e+00, v0  }
0x175: {  	s24 =	sadd.s32 $0x1, s24;
	[tilespmem:s10+$0xB0] =	vst v6;
	v1 =	vmul.f32 $8.000000000e+00, v1  }
0x176: {  	p0 =	sne.s32 s24, $0x40;
	[tilespmem:s10+$0xC0] =	vst v0;
	v61 =	vmul.f32 $8.000000000e+00, v2  }
.Ltmp4:
0x177: {  	s6 =	sadd.s32 s9, s17;
	[tilespmem:s10+$0xD0] =	vst v1;
	v62 =	vmul.f32 $8.000000000e+00, v3;
	(pc) =	sbr.rel @p0 .LBB2_2-.Ltmp4, $4  }
0x178: {  	s6 =	sshll.u32 s6, $0x4;
	v63 =	vmul.f32 $8.000000000e+00, v4;
	[tilespmem:s10+$0xE0] =	vst v61  }
0x179: {  	s6 =	sand.u32 $0x1FFFFF00, s6;
	[tilespmem:s10+$0xF0] =	vst v62  }
0x17a: {  	s6 =	sadd.s32 s7, s6;
	[tilespmem:s10+$0xFFFFFFF0] =	vst v63  }
0x17b: {  	[hbm4b:s6+s30] =	stream.strided.scatter [tilespmem:s0], [sflag:$0xC], $0x6400, s31, s30, $0x38;
	[tilespmem:$0x19640] =	vst v63  }
0x17c: {  	s6 =	simm.s32 $0x9  }
0x17d: {  	_ =	swait.ge [sflag:s6], $0x6400  }
0x17e: {  	[sflag:s6] =	ssyncset.done $0x0  }
0x17f: {  	s10 =	simm.s32 $0xA;
	[sflag:s6] =	ssyncadd.s32 $0xFFFF9C00  }
0x180: {  	_ =	swait.ge [sflag:s10], $0x6400  }
0x181: {  	[sflag:s10] =	ssyncset.done $0x0  }
0x182: {  	s18 =	simm.s32 $0xB;
	[sflag:s10] =	ssyncadd.s32 $0xFFFF9C00  }
0x183: {  	_ =	swait.ge [sflag:s18], $0x6400  }
0x184: {  	[sflag:s18] =	ssyncset.done $0x0  }
0x185: {  	s9 =	simm.s32 $0xC;
	[sflag:s18] =	ssyncadd.s32 $0xFFFF9C00  }
0x186: {  	_ =	swait.ge [sflag:s9], $0x6400  }
0x187: {  	s22 =	sadd.s32 $0x1, s22;
	s24 =	rddreg [dreg:$0x6]  }
0x188: {  	p0 =	sne.s32 s22, s24  }
.Ltmp5:
0x189: {  	_ = 	snop;
	(pc) =	sbr.rel @p0 .LBB2_1-.Ltmp5, $3  }
0x18a: {  	_ =	sdelay $0x1  }
0x18b: {  	[sflag:s9] =	ssyncset.done $0x0  }
0x18c: {  	[sflag:s9] =	ssyncadd.s32 $0xFFFF9C00  }
0x18d: {  	_ =	sfence.sel $0x180000  }
0x18e: {  	[bflag:$0x0] =	sbarrier.arrive $0xFFFF  }
0x18f: {  	_ =	strace $0x90000047  }
0x190: {  	s0 =	stileid.u32;
	[bflag:$0x2] =	sbarrier.arrive $0xFFFF  }
0x191: {  	p0 =	sne.s32 s0, $0x0;
	s0 =	rddreg [dreg:$0x1]  }
0x192: {  	s0 =	sadd.s32 @!p0 $0x100000, s0  }
0x193: {  	[sflag:s0] =	ssyncadd.tile.s32 @!p0 $0x1;
	_ =	shalt  }
.Lfunc_end2:
_tile_overlayer_lowered:
.L_overlay_start_2:
0x194: {  	(tag) =	ssettag $0x2  }
0x195: {  	s0 =	rddreg [dreg:$0x0];
	s2 =	stileid.u32  }
0x196: {  	s1 =	rddreg [dreg:$0x1];
	p0 =	sne.s32 s2, $0x0  }
0x197: {  	s3 =	rddreg [dreg:$0x2];
	[bflag:$0x3] =	sbarrier.arrive $0xFFFF;
	s2 =	simm.s32 @!p0 $0x1C0D  }
0x198: {  	[timem:s3], [sflag:s2] =	dma.local @!p0 [hbm:s0], s1  }
0x199: {  	s0 =	simm.s32 @!p0 $0xD  }
0x19a: {  	_ =	swait.ge @!p0 [sflag:s0], s1  }
0x19b: {  	s1 =	ssub.s32 @!p0 $0x0, s1;
	[sflag:s0] =	ssyncset.done @!p0 $0x0  }
0x19c: {  	[sflag:s0] =	ssyncadd.s32 @!p0 s1  }
0x19d: {  	[bflag:$0x3] =	sbarrier.arrive $0xFFFF  }
0x19e: {  	_ =	shalt  }

// kernel: sparse-core-data-format-call.cloned.1.call-start
scs
called_computation_lowered:
.L_overlay_start_0:
0x0: {  	s2 =	sld [smem:$0x3FD9]  }
0x1: {  	s3 =	sld [smem:$0x3FFE];
	_ =	sdelay $0x1  }
0x2: {  	s1 =	srdreg.scid  }
0x3: {  	s0 =	sand.u32 $0x1, s1  }
0x4: {  	s18 =	sshll.u32 s0, $0xA;
	s2 =	sadd.s32 s3, s2  }
0x5: {  	s2 =	sadd.s32 s2, s18  }
0x6: {  	[smem:$0x3FC6] =	sst s2  }
0x7: {  	_ = 	snop  }
0x8: {  	s2 =	sld [smem:$0x3FD0];
	(tm) =	ssettm $0x1  }
0x9: {  	s19 =	sld [smem:$0x3FFB];
	_ =	sdelay $0x3  }
0xa: {  	_ =	strace s19  }
0xb: {  	s3 =	sld [smem:$0x3FFC];
	_ =	sdelay $0x3  }
0xc: {  	_ =	strace s3  }
0xd: {  	s3 =	sld [smem:$0x3FFD];
	_ =	sdelay $0x3  }
0xe: {  	_ =	strace s3  }
0xf: {  	_ =	strace $0x8FFFFFFF  }
0x10: {  	s20 =	sld [smem:$0x3FDB];
	_ =	sdelay $0x1  }
0x11: {  	s4 =	simm.s32 $_scs_section_size  }
0x12: {  	s5 =	simm.s32 $_size__tile_overlayer_lowered;
	s6 =	simm.s32 $_tile_overlayer_lowered  }
0x13: {  	s23 =	simm.s32 $0x1BFF;
	s22 =	sshll.u32 s6, $0x1;
	s3 =	sadd.s32 s4, s20  }
0x14: {  	s7 =	simm.s32 $0x0;
	s21 =	sshll.u32 s5, $0x1;
	s5 =	sadd.s32 s22, s3  }
0x15: {  	[timem:s7], [sflag:s23] =	dma.local [hbm:s5], s21  }
0x16: {  	_ =	swait.ge [sflag:s23], s21  }
0x17: {  	s4 =	ssub.s32 $0x0, s21;
	[sflag:s23] =	ssyncset.done $0x0  }
0x18: {  	[sflag:s23] =	ssyncadd.s32 s4;
	_ =	sdelay $0x1  }
0x19: {  	s24 =	simm.s32 $0x1B8B  }
0x1a: {  	_ =	swait.ge [sflag:s24], $0x1  }
0x1b: {  	[sflag:s24] =	ssyncset.done $0x0  }
0x1c: {  	s26 =	simm.s32 $0x1B8E;
	s25 =	sld [smem:$0x3FFE];
	[sflag:s24] =	ssyncadd.s32 $0xFFFFFFFF  }
0x1d: {  	s27 =	simm.s32 $execute0_lowered;
	[smem:$0x3FD2] =	sst s26  }
0x1e: {  	s5 =	sshll.u32 s27, $0x1;
	_ =	strace $0x80000049;
	[dreg:$0x1] =	wrdreg $0xFFFFFFFF  }
0x1f: {  	s28 =	simm.s32 $_size_execute0_lowered;
	s3 =	sadd.s32 s3, s5;
	[dreg:$0x0] =	wrdreg $0x0  }
0x20: {  	s5 =	sshll.u32 s28, $0x1;
	[dreg:$0x2] =	wrdreg s3  }
0x21: {  	[dreg:$0x3] =	wrdreg s5  }
0x22: {  	[dreg:$0x4] =	wrdreg $0xC0  }
0x23: {  	_ =	task [dreg:s7], $0x5FFFF  }
0x24: {  	[dreg:$0x1] =	wrdreg $0xFFFFFFFF  }
0x25: {  	[dreg:$0x0] =	wrdreg $0x60  }
0x26: {  	[dreg:$0x2] =	wrdreg s25  }
0x27: {  	[dreg:$0x3] =	wrdreg s2  }
0x28: {  	[dreg:$0x4] =	wrdreg $0x9  }
0x29: {  	_ =	task.clear_ibuf [dreg:s7], $0x5FFFF;
	_ =	strace $0x90000049  }
0x2a: {  	s29 =	simm.s32 $0x9;
	_ =	strace $0x8000004B  }
0x2b: {  	_ =	swait.ge [sflag:s29], $0x1  }
0x2c: {  	[sflag:s29] =	ssyncadd.s32 $0xFFFFFFFF  }
0x2d: {  	_ =	strace $0x9000004B  }
0x2e: {  	_ =	sfence  }
0x2f: {  	s30 =	sld [smem:$0x0];
	_ =	sdelay $0x2  }
0x30: {  	s31 =	sshll.u32 s1, $0xD;
	s1 =	sshrl.u32 s1, $0x2  }
0x31: {  	s3 =	sand.u32 $0x4000, s31;
	s1 =	sadd.s32 s1, s30  }
0x32: {  	s0 =	sor.u32 s3, s0;
	s1 =	sshll.u32 s1, $0x11  }
0x33: {  	s0 =	sor.u32 s1, s0  }
0x34: {  	s0 =	sadd.s32 $0x8F2B, s0  }
0x35: {  	[sflag:s0] =	ssyncadd.remote.s32 $0x1  }
0x36: {  	_ =	sfence.sel $0xFFFF  }
0x37: {  	[dreg:$0x0] =	wrdreg $0xFFFFFFFF;
	(pc) =	sbr.abs _section_cstart, $3  }
0x38: {  	[dreg:$0x1] =	wrdreg $0xFFFFFFFF  }
0x39: {  	_ =	task.clear_ibuf [dreg:s7], $0x2FFFF;
	_ =	strace $0x9FFFFFFF  }
0x3a: {  	(tm) =	ssettm $0x7FFFFFFF  }
0x3b: {  	_ =	shalt  }
tec
execute0_lowered:
.L_overlay_start_1:
0x0: {  	(tag) =	ssettag $0x1  }
0x1: {  	s0 =	srdreg.scid  }
0x2: {  	s1 =	sshll.u32 s0, $0x4  }
0x3: {  	s0 =	stileid.u32;
	s1 =	sand.u32 $0x10, s1  }
0x4: {  	s1 =	sor.u32 s0, s1  }
0x5: {  	s6 =	rddreg [dreg:$0x0];
	s4 =	simm.s32 $0x1;
	s2 =	sshll.u32 s1, $0x7  }
0x6: {  	s7 =	simm.s32 $0x2;
	s12 =	simm.s32 $0x0;
	s1 =	ssub.s32 $0x4000, s2  }
0x7: {  	s8 =	simm.s32 $0x20000;
	s13 =	simm.s32 $0x0;
	s3 =	sand.u32 $0xF80, s1  }
0x8: {  	s9 =	simm.s32 $0x0;
	s5 =	sshrl.u32 s1, $0xC;
	p0 =	sne.s32 s3, $0x0  }
.Ltmp0:
0x9: {  	s1 =	rddreg [dreg:$0x2];
	s4 =	simm.s32 @!p0 $0x0;
	(pc) =	sbr.rel .LBB1_1-.Ltmp0, $4  }
0xa: {  	s11 =	simm.s32 $0x0;
	s3 =	rddreg [dreg:$0x1];
	s5 =	sadd.s32 s4, s5  }
0xb: {  	_ =	strace $0x8000004A;
	s4 =	simm.s32 $0x1;
	s5 =	smul.u32 $0xC8, s5  }
0xc: {  	s6 =	sadd.s32 $0x805A00, s6;
	s10 =	smov.u32 s2;
	[sflag:s4] =	ssyncpa.u1 $0x0  }
0xd: {  	p0 =	por $0x0, $0x0;
	[sflag:s7] =	ssyncpa.u1 $0x0;
	s7 =	sor.u32 $0x1, s5  }
.LBB1_4:
0xe: {  	s16 =	sshll.u32 s13, $0x3;
	s17 =	sand.u32 $0x78, s13  }
0xf: {  	s30 =	sand.u32 $0x1F800, s13;
	s12 =	sshll.u32 s12, $0x11;
	s16 =	sand.u32 $0x3C00, s16  }
0x10: {  	[tilespmem:s15+$0x810 ss:$0x81] =	vst.msk $0xffff, v2;
	s31 =	sand.u32 $0x7, s13;
	s16 =	sor.u32 s17, s16;
	s17 =	sadd.s32 s3, s30  }
0x11: {  	[tilespmem:s15+$0x1020 ss:$0x81] =	vst.msk $0xffff, v0;
	s13 =	sshll.u32 s31, $0x12;
	s12 =	sadd.s32 s12, s17;
	s16 =	sshrl.u32 s16, $0x3  }
0x12: {  	[tilespmem:s15+$0x0 ss:$0x81] =	vst.msk $0xffff, v1;
	s13 =	sor.u32 $0x400, s13;
	s12 =	sadd.s32 s16, s12  }
0x13: {  	[hbm4b:s12+s13] =	stream.strided.scatter [tilespmem:s14], [sflag:$0x2], $0x2000, s8, s13, $0x20;
	[tilespmem:$0x8080] =	vst v63  }
.LBB1_5:
0x14: {  	s14 =	sadd.s32 $0x1, s9  }
0x15: {  	s12 =	sadd.s32 $0x1000, s10;
	s16 =	smov.u32 s10;
	p2 =	sgt.s32 s14, $0xC7  }
0x16: {  	s16 =	smov.u32 @p2 s12  }
0x17: {  	s14 =	simm.s32 @p2 $0x0;
	p2 =	sgt.s32 s16, $0x3FFF  }
0x18: {  	s16 =	smov.u32 @p2 s2;
	p2 =	sne.s32 s11, s7  }
.Ltmp1:
0x19: {  	p1 =	slt.u32 s11, $0x2;
	(pc) =	sbr.rel @!p2 .LBB1_6-.Ltmp1, $4  }
0x1a: {  	s15 =	simm.s32 @!p1 $0x2  }
0x1b: {  	s13 =	smov.u32 s10;
	p0 =	por !p0, !p0;
	_ =	swait.ge @!p1 [sflag:s15], $0x2000  }
0x1c: {  	s12 =	smov.u32 s9;
	[sflag:s15] =	ssyncset.done @!p1 $0x0;
	s9 =	smov.u32 s14  }
0x1d: {  	s11 =	sadd.s32 $0x1, s11;
	[sflag:s15] =	ssyncadd.s32 @!p1 $0xFFFFE000;
	s10 =	smov.u32 s16  }
.LBB1_1:
0x1e: {  	p1 =	sge.u32 s11, s5  }
0x1f: {  	s14 =	sand.u32 @!p1 $0x1FFFFFF, s9  }
0x20: {  	s15 =	smulhi.u32 @!p1 $0x147AE15, s14;
	_ =	sdelay $0x1  }
0x21: {  	s15 =	smul.u32 @!p1 $0xC8, s15  }
0x22: {  	s16 =	sxor.u32 @!p1 $0xFFFFFFFF, s11;
	s17 =	smul.u32 @!p1 $0xC80, s10  }
0x23: {  	s31 =	sadd.s32 $0xFFFFFFFF, s11;
	s16 =	sshll.u32 @!p1 s16, $0xD;
	s14 =	ssub.s32 @!p1 s14, s15  }
0x24: {  	s15 =	sand.u32 @!p1 $0x2000, s16;
	s16 =	sadd.s32 @!p1 s6, s17;
	s14 =	sshll.u32 @!p1 s14, $0x4  }
0x25: {  	s17 =	simm.s32 @!p1 $0x6400;
	s14 =	sadd.s32 @!p1 s14, s16;
	s16 =	simm.s32 @!p1 $0x40  }
0x26: {  	[tilespmem:s15], [sflag:$0x1] =	stream.strided.gather @!p1 [hbm4b:s14+s16], $0x2000, s17, s16, $0x38;
	[tilespmem:$0x8080] =	vst v63  }
0x27: {  	p1 =	sge.u32 s31, s5  }
.Ltmp2:
0x28: {  	_ = 	snop;
	(pc) =	sbr.rel @p1 .LBB1_5-.Ltmp2, $1  }
0x29: {  	_ =	sdelay $0x3  }
0x2a: {  	s14 =	simm.s32 $0x1  }
0x2b: {  	_ =	swait.ge [sflag:s4], $0x2000;
	s14 =	simm.s32 @!p0 $0x0  }
0x2c: {  	[sflag:s4] =	ssyncset.done $0x0;
	s15 =	sshll.u32 s14, $0xD  }
0x2d: {  	[sflag:s4] =	ssyncadd.s32 $0xFFFFE000;
	s18 =	sor.u32 $0x20, s15  }
0x2e: {  	s14 =	smul.u32 $0x8100, s14;
	v3 =	vld [tilespmem:s18+$0x10]  }
0x2f: {  	s30 =	sand.u32 $0x1, s11;
	v2 =	vld [tilespmem:s18+$0xFFFFFFF0]  }
0x30: {  	s15 =	smul.u32 $0x8100, s30;
	s14 =	sshrl.u32 s14, $0x2;
	v0 =	vld [tilespmem:s18+$0x0]  }
0x31: {  	v1 =	vld [tilespmem:s18+$0xFFFFFFE0];
	s16 =	sor.u32 $0x4000, s14  }
0x32: {  	s31 =	sshrl.u32 s15, $0x2;
	s15 =	sadd.s32 $0x0, s16  }
0x33: {  	s17 =	simm.s32 $0x4;
	s18 =	sadd.s32 $0x40, s18;
	s14 =	sor.u32 $0x4000, s31;
	[tilespmem:s15+$0x1830 ss:$0x81] =	vst.msk $0xffff, v3  }
.LBB1_3:
0x34: {  	v3 =	vld [tilespmem:s18+$0x10];
	p1 =	sne.s32 s17, $0x1FC;
	[tilespmem:s15+$0x810 ss:$0x81] =	vst.msk $0xffff, v2;
	s19 =	smov.u32 s17;
	s17 =	sadd.s32 $0x4, s17  }
.Ltmp3:
0x35: {  	v2 =	vld [tilespmem:s18+$0xFFFFFFF0];
	[tilespmem:s15+$0x1020 ss:$0x81] =	vst.msk $0xffff, v0;
	(pc) =	sbr.rel @p1 .LBB1_3-.Ltmp3, $4  }
0x36: {  	v0 =	vld [tilespmem:s18+$0x0];
	[tilespmem:s15+$0x0 ss:$0x81] =	vst.msk $0xffff, v1  }
0x37: {  	s15 =	sshra.s32 s19, $0x2;
	v1 =	vld [tilespmem:s18+$0xFFFFFFE0]  }
0x38: {  	s15 =	sadd.s32 s15, s16  }
0x39: {  	s18 =	sadd.s32 $0x40, s18;
	[tilespmem:s15+$0x1830 ss:$0x81] =	vst.msk $0xffff, v3  }
.Ltmp4:
0x3a: {  	_ = 	snop;
	(pc) =	sbr.rel .LBB1_4-.Ltmp4, $1  }
0x3b: {  	_ =	sdelay $0x3  }
.LBB1_6:
0x3c: {  	_ =	sfence.sel $0x180000  }
0x3d: {  	s2 =	simm.s32 $0x1;
	[bflag:$0x0] =	sbarrier.arrive $0xFFFF  }
0x3e: {  	s31 =	simm.s32 $0x2;
	[sflag:s2] =	ssyncpa.u1 $0x1  }
0x3f: {  	[sflag:s31] =	ssyncpa.u1 $0x1  }
0x40: {  	p0 =	sne.s32 s0, $0x0;
	_ =	strace $0x9000004A  }
0x41: {  	s0 =	sadd.s32 @!p0 $0x100000, s1;
	[bflag:$0x2] =	sbarrier.arrive $0xFFFF  }
0x42: {  	[sflag:s0] =	ssyncadd.tile.s32 @!p0 $0x1;
	_ =	shalt  }
.Lfunc_end1:
_tile_overlayer_lowered:
.L_overlay_start_2:
0x43: {  	(tag) =	ssettag $0x2  }
0x44: {  	s0 =	rddreg [dreg:$0x0];
	s2 =	stileid.u32  }
0x45: {  	s1 =	rddreg [dreg:$0x1];
	p0 =	sne.s32 s2, $0x0  }
0x46: {  	s3 =	rddreg [dreg:$0x2];
	[bflag:$0x3] =	sbarrier.arrive $0xFFFF;
	s2 =	simm.s32 @!p0 $0x1C01  }
0x47: {  	[timem:s3], [sflag:s2] =	dma.local @!p0 [hbm:s0], s1  }
0x48: {  	s0 =	simm.s32 @!p0 $0x1  }
0x49: {  	_ =	swait.ge @!p0 [sflag:s0], s1  }
0x4a: {  	s1 =	ssub.s32 @!p0 $0x0, s1;
	[sflag:s0] =	ssyncset.done @!p0 $0x0  }
0x4b: {  	[sflag:s0] =	ssyncadd.s32 @!p0 s1  }
0x4c: {  	[bflag:$0x3] =	sbarrier.arrive $0xFFFF  }
0x4d: {  	_ =	shalt  }

</sc_bundles>
